<compile_context>
chip_gen: v7x
topology: tpu7x:2x2x1
jax: 0.10.2.dev20260603
libtpu: 0.0.44.dev20260713+nightly
codegen_flags: <defaults>
</compile_context>

<pallas_src>
import jax
import jax.numpy as jnp
from jax import lax
from jax.experimental import pallas as pl
from jax.experimental.pallas import tpu as pltpu
from jax.experimental.pallas import tpu_sc as plsc

N = 10000
E = 320000
D = 128
H = 128
C = 64

NC = 2
NS = 16
NW = NC * NS

N_PAD = 10240
E_PAD = 327680
CHUNK = 128
ROWS_PER_TILE = N_PAD // NS

EPT0 = 18432
EPT1 = (E_PAD - NS * EPT0) // NS
STAGES0 = 3
STAGES1 = 1
IDX_ROWS0 = EPT0 // STAGES0 // CHUNK
IDX_ROWS1 = 16
N_GROUPS0 = IDX_ROWS0 // 2
N_GROUPS1 = IDX_ROWS1 // 2
CORE1_ROW0 = NS * EPT0 // CHUNK


def _segsum_body(src_hbm, dst_hbm, table_hbm, zeros_hbm, out_hbm,
                 src_idx, dst_idx, rows0, rows1, acc, sem0, sem1):
    cid = lax.axis_index("c")
    sid = lax.axis_index("s")

    pltpu.sync_copy(zeros_hbm, acc.at[pl.ds(sid * ROWS_PER_TILE, ROWS_PER_TILE)])
    plsc.subcore_barrier()

    def fire(c, slot, sem):
        pltpu.async_copy(table_hbm.at[src_idx.at[c]], slot, sem)

    def drain(c, slot, sem):
        pltpu.make_async_copy(table_hbm.at[src_idx.at[c]], slot, sem).wait()

    def scatter(c, slot):
        pltpu.sync_copy(slot, acc.at[dst_idx.at[c]], add=True)

    def run(base_row, n_stages, idx_rows, n_groups):
        for stage in range(n_stages):
            idx_row0 = base_row + stage * idx_rows
            pltpu.sync_copy(src_hbm.at[pl.ds(idx_row0, idx_rows)],
                            src_idx.at[pl.ds(0, idx_rows)])
            pltpu.sync_copy(dst_hbm.at[pl.ds(idx_row0, idx_rows)],
                            dst_idx.at[pl.ds(0, idx_rows)])

            fire(0, rows0, sem0)

            def group_body(g, carry):
                c0 = 2 * g
                fire(c0 + 1, rows1, sem1)
                drain(c0, rows0, sem0)
                scatter(c0, rows0)

                @pl.when(g < n_groups - 1)
                def _():
                    fire(c0 + 2, rows0, sem0)

                drain(c0 + 1, rows1, sem1)
                scatter(c0 + 1, rows1)
                return carry

            lax.fori_loop(0, n_groups, group_body, 0)

    @pl.when(cid == 0)
    def _():
        run(sid * (EPT0 // CHUNK), STAGES0, IDX_ROWS0, N_GROUPS0)

    @pl.when(cid == 1)
    def _():
        run(CORE1_ROW0 + sid * (EPT1 // CHUNK), STAGES1, IDX_ROWS1, N_GROUPS1)

    plsc.subcore_barrier()
    pltpu.sync_copy(acc.at[pl.ds(sid * ROWS_PER_TILE, ROWS_PER_TILE)],
                    out_hbm.at[pl.ds(cid * N_PAD + sid * ROWS_PER_TILE,
                                     ROWS_PER_TILE)])


def _make_segsum():
    mesh = plsc.VectorSubcoreMesh(core_axis_name="c", subcore_axis_name="s",
                                  num_cores=NC, num_subcores=NS)
    return pl.kernel(
        _segsum_body,
        out_type=jax.ShapeDtypeStruct((NC * N_PAD, H), jnp.float32),
        mesh=mesh,
        scratch_types=[
            pltpu.VMEM((IDX_ROWS0, CHUNK), jnp.int32),
            pltpu.VMEM((IDX_ROWS0, CHUNK), jnp.int32),
            pltpu.VMEM((CHUNK, H), jnp.float32),
            pltpu.VMEM((CHUNK, H), jnp.float32),
            pltpu.VMEM_SHARED((N_PAD, H), jnp.float32),
            pltpu.SemaphoreType.DMA,
            pltpu.SemaphoreType.DMA,
        ],
    )


def _dot(a, b):
    return lax.dot_general(a, b, (((1,), (0,)), ((), ())),
                           preferred_element_type=jnp.float32,
                           precision=lax.Precision.HIGHEST)


def _layer_body(x_ref, p0_ref, p1_ref, w_ref, o_ref):
    h = x_ref[...] + p0_ref[...] + p1_ref[...]
    o_ref[...] = jnp.maximum(_dot(h, w_ref[...]), 0.0)


def _final_body(h_ref, p0_ref, p1_ref, w2_ref, wo_ref, b_ref,
                out_ref, feat_ref):
    t = h_ref[...] + p0_ref[...] + p1_ref[...]
    h2 = jnp.maximum(_dot(t, w2_ref[...]), 0.0)
    nrm = jnp.sqrt(jnp.sum(h2 * h2, axis=1, keepdims=True))
    feat = h2 / jnp.maximum(nrm, 1e-12)
    feat_ref[...] = feat
    out_ref[...] = _dot(feat, wo_ref[...]) + b_ref[...]


_BLK = 2000
_GRID = N // _BLK


def _row_spec(width):
    return pl.BlockSpec((_BLK, width), lambda i: (i, 0))


def _full_spec(shape):
    return pl.BlockSpec(shape, lambda i: (0, 0))


@jax.jit
def kernel(x, edge_index, W1, W2, W_out, b_out):
    src = edge_index[0]
    dst = edge_index[1]
    pad = E_PAD - E
    src_p = jnp.concatenate([src, jnp.zeros((pad,), jnp.int32)])
    src_p = src_p.reshape(E_PAD // CHUNK, CHUNK)
    trash = N + (jnp.arange(pad, dtype=jnp.int32) % (N_PAD - N))
    dst_p = jnp.concatenate([dst, trash]).reshape(E_PAD // CHUNK, CHUNK)
    zeros = jnp.zeros((ROWS_PER_TILE, H), jnp.float32)

    segsum = _make_segsum()

    layer = pl.pallas_call(
        _layer_body,
        grid=(_GRID,),
        in_specs=[_row_spec(D), _row_spec(H), _row_spec(H), _full_spec((D, H))],
        out_specs=_row_spec(H),
        out_shape=jax.ShapeDtypeStruct((N, H), jnp.float32),
    )

    final = pl.pallas_call(
        _final_body,
        grid=(_GRID,),
        in_specs=[_row_spec(H), _row_spec(H), _row_spec(H),
                  _full_spec((H, H)), _full_spec((H, C)), _full_spec((1, C))],
        out_specs=[_row_spec(C), _row_spec(H)],
        out_shape=[jax.ShapeDtypeStruct((N, C), jnp.float32),
                   jax.ShapeDtypeStruct((N, H), jnp.float32)],
    )

    p = segsum(src_p, dst_p, x, zeros)
    h1 = layer(x, p[:N], p[N_PAD:N_PAD + N], W1)

    p2 = segsum(src_p, dst_p, h1, zeros)
    out, feat = final(h1, p2[:N], p2[N_PAD:N_PAD + N], W2, W_out,
                      b_out.reshape(1, C))
    return (out, feat)

# --- scband reference (transcript-rebuilt; emitter-appended) ---
"""Pipeline reference for scband-unfeat-graph-isom-net-24154896073106 (READ-ONLY COPY).

The authoritative reference and input builder live on the scoring server;
editing this copy changes nothing except your own understanding.
"""

import jax, jax.numpy as jnp
import numpy as np

N = 10000
E = 320000
D = 128
H = 128
C = 64


def setup_inputs(seed: int = 0) -> dict:
    key = jax.random.key(seed)
    k1, k2, k3, k4, k5 = jax.random.split(key, 5)
    x = jax.random.normal(k1, (N, D), dtype=jnp.float32)
    edge_index = jax.random.randint(k2, (2, E), 0, N, dtype=jnp.int32)
    # GIN layer 1 MLP: Linear(D -> H, bias=False); stored as [in, out]
    W1 = jax.random.normal(k3, (D, H), dtype=jnp.float32) * (1.0 / np.sqrt(D))
    # GIN layer 2 MLP: Linear(H -> H, bias=False)
    W2 = jax.random.normal(k4, (H, H), dtype=jnp.float32) * (1.0 / np.sqrt(H))
    # output Linear(H -> C) with bias
    W_out = jax.random.normal(k5, (H, C), dtype=jnp.float32) * (1.0 / np.sqrt(H))
    b_out = jnp.zeros((C,), dtype=jnp.float32)
    return {"x": x, "edge_index": edge_index, "W1": W1, "W2": W2, "W_out": W_out, "b_out": b_out}


def reference(x, edge_index, W1, W2, W_out, b_out):
    src = edge_index[0]
    dst = edge_index[1]
    eps = 0.0  # dgl GINConv default init_eps=0, learn_eps=False
    h = x
    for W in (W1, W2):
        # GINConv with 'sum' aggregator: (1+eps)*h_dst + sum_{u in N(v)} h_u
        agg = jax.ops.segment_sum(h[src], dst, num_segments=N)
        h = (1.0 + eps) * h + agg
        # MLP apply_func: relu(Linear(h))
        h = jax.nn.relu(h @ W)
        # GraphConv trailing layers: ReLU (no batchnorm, no dropout)
        h = jax.nn.relu(h)
    # F.normalize: L2 normalize along dim=1, eps=1e-12
    norm = jnp.maximum(jnp.linalg.norm(h, axis=1, keepdims=True), 1e-12)
    feat = h / norm
    out = feat @ W_out + b_out
    return (out, feat)

if __name__ == "__main__":
    import jax
    _d = setup_inputs()
    print(jax.jit(kernel)(*tuple(_d.values())))

</pallas_src>

<mosaic_0001>
#map = affine_map<(d0, d1) -> (0, 0)>
module attributes {stable_mosaic.version = 14 : i64} {
  func.func @_segsum_body(%arg0: i32, %arg1: i32, %arg2: memref<2560x128xi32, #tpu.memory_space<hbm>>, %arg3: memref<2560x128xi32, #tpu.memory_space<hbm>>, %arg4: memref<10000x128xf32, #tpu.memory_space<hbm>>, %arg5: memref<640x128xf32, #tpu.memory_space<hbm>>, %arg6: memref<20480x128xf32, #tpu.memory_space<hbm>>, %arg7: memref<48x128xi32, #tpu.memory_space<vmem>>, %arg8: memref<48x128xi32, #tpu.memory_space<vmem>>, %arg9: memref<128x128xf32, #tpu.memory_space<vmem>>, %arg10: memref<128x128xf32, #tpu.memory_space<vmem>>, %arg11: memref<10240x128xf32, #tpu.memory_space<vmem_shared>>, %arg12: memref<!tpu.dma_semaphore, #tpu.memory_space<semaphore_mem>>, %arg13: memref<!tpu.dma_semaphore, #tpu.memory_space<semaphore_mem>>) attributes {dimension_semantics = [#tpu.dimension_semantics<core_parallel>, #tpu.dimension_semantics<subcore_parallel>], iteration_bounds = array<i64: 2, 16>, scalar_prefetch = 0 : i64, scratch_operands = 7 : i64, tpu.core_type = #tpu.core_type<sc_vector_subcore>, window_params = [{transform_indices = #map}, {transform_indices = #map}, {transform_indices = #map}, {transform_indices = #map}, {transform_indices = #map}]} {
    %mul3A = arith.constant 640 : i32
    %mul3A_0 = arith.muli %arg1, %mul3A : i32
    "tpu.region"() ({
      %run_scoped3A = tpu.sem_alloc : memref<!tpu.dma_semaphore, #tpu.memory_space<semaphore_mem>>
      %dma_start3A = arith.constant 0 : i32
      %dma_start3A_15 = tpu.memref_slice %arg11[%mul3A_0, %dma_start3A] : memref<10240x128xf32, #tpu.memory_space<vmem_shared>> -> memref<640x128xf32, #tpu.memory_space<vmem_shared>>
      tpu.enqueue_dma source(%arg5 : memref<640x128xf32, #tpu.memory_space<hbm>>) target(%dma_start3A_15 : memref<640x128xf32, #tpu.memory_space<vmem_shared>>) target_semaphore(%run_scoped3A : memref<!tpu.dma_semaphore, #tpu.memory_space<semaphore_mem>>)
      %dma_wait3A = arith.constant 0 : i32
      %dma_wait3A_16 = tpu.memref_slice %arg11[%mul3A_0, %dma_wait3A] : memref<10240x128xf32, #tpu.memory_space<vmem_shared>> -> memref<640x128xf32, #tpu.memory_space<vmem_shared>>
      tpu.wait_dma2 semaphore(%run_scoped3A : memref<!tpu.dma_semaphore, #tpu.memory_space<semaphore_mem>>) src(%arg5 : memref<640x128xf32, #tpu.memory_space<hbm>>) dst(%dma_wait3A_16 : memref<640x128xf32, #tpu.memory_space<vmem_shared>>)
      tpu.yield
    }) : () -> ()
    %barrier3A = arith.constant 0 : index
    tpu.barrier barrier_id(%barrier3A)
    %eq3A = arith.constant 0 : i32
    %eq3A_1 = arith.cmpi eq, %arg0, %eq3A : i32
    %convert_element_type3A = arith.extui %eq3A_1 : i1 to i32
    %cond3A = arith.constant 0 : i32
    %cond3A_2 = arith.cmpi ne, %convert_element_type3A, %cond3A : i32
    scf.if %cond3A_2 {
      %mul3A_15 = arith.constant 144 : i32
      %mul3A_16 = arith.muli %arg1, %mul3A_15 : i32
      %add3A_17 = arith.constant 0 : i32
      %add3A_18 = arith.addi %mul3A_16, %add3A_17 : i32
      "tpu.region"() ({
        %run_scoped3A = tpu.sem_alloc : memref<!tpu.dma_semaphore, #tpu.memory_space<semaphore_mem>>
        %dma_start3A_60 = arith.constant 0 : i32
        %dma_start3A_61 = arith.constant 0 : i32
        %dma_start3A_62 = tpu.memref_slice %arg7[%dma_start3A_60, %dma_start3A_61] : memref<48x128xi32, #tpu.memory_space<vmem>> -> memref<48x128xi32, #tpu.memory_space<vmem>>
        %dma_start3A_63 = arith.constant 0 : i32
        %dma_start3A_64 = tpu.memref_slice %arg2[%add3A_18, %dma_start3A_63] : memref<2560x128xi32, #tpu.memory_space<hbm>> -> memref<48x128xi32, #tpu.memory_space<hbm>>
        %dma_start3A_65 = arith.constant 0 : i32
        %dma_start3A_66 = arith.constant 0 : i32
        %dma_start3A_67 = tpu.memref_slice %arg7[%dma_start3A_65, %dma_start3A_66] : memref<48x128xi32, #tpu.memory_space<vmem>> -> memref<48x128xi32, #tpu.memory_space<vmem>>
        %dma_start3A_68 = arith.constant 0 : i32
        %dma_start3A_69 = tpu.memref_slice %arg2[%add3A_18, %dma_start3A_68] : memref<2560x128xi32, #tpu.memory_space<hbm>> -> memref<48x128xi32, #tpu.memory_space<hbm>>
        tpu.enqueue_dma source(%dma_start3A_69 : memref<48x128xi32, #tpu.memory_space<hbm>>) target(%dma_start3A_67 : memref<48x128xi32, #tpu.memory_space<vmem>>) target_semaphore(%run_scoped3A : memref<!tpu.dma_semaphore, #tpu.memory_space<semaphore_mem>>)
        %dma_wait3A = arith.constant 0 : i32
        %dma_wait3A_70 = arith.constant 0 : i32
        %dma_wait3A_71 = tpu.memref_slice %arg7[%dma_wait3A, %dma_wait3A_70] : memref<48x128xi32, #tpu.memory_space<vmem>> -> memref<48x128xi32, #tpu.memory_space<vmem>>
        %dma_wait3A_72 = arith.constant 0 : i32
        %dma_wait3A_73 = tpu.memref_slice %arg2[%add3A_18, %dma_wait3A_72] : memref<2560x128xi32, #tpu.memory_space<hbm>> -> memref<48x128xi32, #tpu.memory_space<hbm>>
        %dma_wait3A_74 = arith.constant 0 : i32
        %dma_wait3A_75 = arith.constant 0 : i32
        %dma_wait3A_76 = tpu.memref_slice %arg7[%dma_wait3A_74, %dma_wait3A_75] : memref<48x128xi32, #tpu.memory_space<vmem>> -> memref<48x128xi32, #tpu.memory_space<vmem>>
        %dma_wait3A_77 = arith.constant 0 : i32
        %dma_wait3A_78 = tpu.memref_slice %arg2[%add3A_18, %dma_wait3A_77] : memref<2560x128xi32, #tpu.memory_space<hbm>> -> memref<48x128xi32, #tpu.memory_space<hbm>>
        tpu.wait_dma2 semaphore(%run_scoped3A : memref<!tpu.dma_semaphore, #tpu.memory_space<semaphore_mem>>) src(%dma_wait3A_78 : memref<48x128xi32, #tpu.memory_space<hbm>>) dst(%dma_wait3A_76 : memref<48x128xi32, #tpu.memory_space<vmem>>)
        tpu.yield
      }) : () -> ()
      "tpu.region"() ({
        %run_scoped3A = tpu.sem_alloc : memref<!tpu.dma_semaphore, #tpu.memory_space<semaphore_mem>>
        %dma_start3A_60 = arith.constant 0 : i32
        %dma_start3A_61 = arith.constant 0 : i32
        %dma_start3A_62 = tpu.memref_slice %arg8[%dma_start3A_60, %dma_start3A_61] : memref<48x128xi32, #tpu.memory_space<vmem>> -> memref<48x128xi32, #tpu.memory_space<vmem>>
        %dma_start3A_63 = arith.constant 0 : i32
        %dma_start3A_64 = tpu.memref_slice %arg3[%add3A_18, %dma_start3A_63] : memref<2560x128xi32, #tpu.memory_space<hbm>> -> memref<48x128xi32, #tpu.memory_space<hbm>>
        %dma_start3A_65 = arith.constant 0 : i32
        %dma_start3A_66 = arith.constant 0 : i32
        %dma_start3A_67 = tpu.memref_slice %arg8[%dma_start3A_65, %dma_start3A_66] : memref<48x128xi32, #tpu.memory_space<vmem>> -> memref<48x128xi32, #tpu.memory_space<vmem>>
        %dma_start3A_68 = arith.constant 0 : i32
        %dma_start3A_69 = tpu.memref_slice %arg3[%add3A_18, %dma_start3A_68] : memref<2560x128xi32, #tpu.memory_space<hbm>> -> memref<48x128xi32, #tpu.memory_space<hbm>>
        tpu.enqueue_dma source(%dma_start3A_69 : memref<48x128xi32, #tpu.memory_space<hbm>>) target(%dma_start3A_67 : memref<48x128xi32, #tpu.memory_space<vmem>>) target_semaphore(%run_scoped3A : memref<!tpu.dma_semaphore, #tpu.memory_space<semaphore_mem>>)
        %dma_wait3A = arith.constant 0 : i32
        %dma_wait3A_70 = arith.constant 0 : i32
        %dma_wait3A_71 = tpu.memref_slice %arg8[%dma_wait3A, %dma_wait3A_70] : memref<48x128xi32, #tpu.memory_space<vmem>> -> memref<48x128xi32, #tpu.memory_space<vmem>>
        %dma_wait3A_72 = arith.constant 0 : i32
        %dma_wait3A_73 = tpu.memref_slice %arg3[%add3A_18, %dma_wait3A_72] : memref<2560x128xi32, #tpu.memory_space<hbm>> -> memref<48x128xi32, #tpu.memory_space<hbm>>
        %dma_wait3A_74 = arith.constant 0 : i32
        %dma_wait3A_75 = arith.constant 0 : i32
        %dma_wait3A_76 = tpu.memref_slice %arg8[%dma_wait3A_74, %dma_wait3A_75] : memref<48x128xi32, #tpu.memory_space<vmem>> -> memref<48x128xi32, #tpu.memory_space<vmem>>
        %dma_wait3A_77 = arith.constant 0 : i32
        %dma_wait3A_78 = tpu.memref_slice %arg3[%add3A_18, %dma_wait3A_77] : memref<2560x128xi32, #tpu.memory_space<hbm>> -> memref<48x128xi32, #tpu.memory_space<hbm>>
        tpu.wait_dma2 semaphore(%run_scoped3A : memref<!tpu.dma_semaphore, #tpu.memory_space<semaphore_mem>>) src(%dma_wait3A_78 : memref<48x128xi32, #tpu.memory_space<hbm>>) dst(%dma_wait3A_76 : memref<48x128xi32, #tpu.memory_space<vmem>>)
        tpu.yield
      }) : () -> ()
      %dma_start3A = arith.constant 0 : i32
      %dma_start3A_19 = arith.constant 0 : i32
      %dma_start3A_20 = tpu.memref_slice %arg7[%dma_start3A, %dma_start3A_19] : memref<48x128xi32, #tpu.memory_space<vmem>> -> memref<1x128xi32, #tpu.memory_space<vmem>>
      %dma_start3A_21 = tpu.memref_squeeze %dma_start3A_20 : memref<1x128xi32, #tpu.memory_space<vmem>> -> memref<128xi32, #tpu.memory_space<vmem>>
      %dma_start3A_22 = arith.constant 0 : i32
      %dma_start3A_23 = arith.constant 0 : i32
      %dma_start3A_24 = tpu.memref_slice %arg4[%dma_start3A_22, %dma_start3A_23] : memref<10000x128xf32, #tpu.memory_space<hbm>> -> memref<10000x128xf32, #tpu.memory_space<hbm>>
      tpu.enqueue_indirect_dma source(%dma_start3A_24 : memref<10000x128xf32, #tpu.memory_space<hbm>>) target(%arg9 : memref<128x128xf32, #tpu.memory_space<vmem>>) offsets(%dma_start3A_21 : memref<128xi32, #tpu.memory_space<vmem>>) semaphore(%arg12 : memref<!tpu.dma_semaphore, #tpu.memory_space<semaphore_mem>>)
      %scan3A = arith.constant 0 : i32
      %scan3A_25 = arith.constant 0 : i32
      %scan3A_26 = arith.constant 24 : i32
      %scan3A_27 = arith.addi %scan3A_25, %scan3A_26 : i32
      %scan3A_28 = arith.constant 1 : i32
      scf.for %scan3A_60 = %scan3A_25 to %scan3A_27 step %scan3A_28  : i32 {
        %mul3A_61 = arith.constant 2 : i32
        %mul3A_62 = arith.muli %mul3A_61, %scan3A_60 : i32
        %add3A_63 = arith.constant 1 : i32
        %add3A_64 = arith.addi %mul3A_62, %add3A_63 : i32
        %dma_start3A_65 = arith.constant 0 : i32
        %dma_start3A_66 = tpu.memref_slice %arg7[%add3A_64, %dma_start3A_65] : memref<48x128xi32, #tpu.memory_space<vmem>> -> memref<1x128xi32, #tpu.memory_space<vmem>>
        %dma_start3A_67 = tpu.memref_squeeze %dma_start3A_66 : memref<1x128xi32, #tpu.memory_space<vmem>> -> memref<128xi32, #tpu.memory_space<vmem>>
        %dma_start3A_68 = arith.constant 0 : i32
        %dma_start3A_69 = arith.constant 0 : i32
        %dma_start3A_70 = tpu.memref_slice %arg4[%dma_start3A_68, %dma_start3A_69] : memref<10000x128xf32, #tpu.memory_space<hbm>> -> memref<10000x128xf32, #tpu.memory_space<hbm>>
        tpu.enqueue_indirect_dma source(%dma_start3A_70 : memref<10000x128xf32, #tpu.memory_space<hbm>>) target(%arg10 : memref<128x128xf32, #tpu.memory_space<vmem>>) offsets(%dma_start3A_67 : memref<128xi32, #tpu.memory_space<vmem>>) semaphore(%arg13 : memref<!tpu.dma_semaphore, #tpu.memory_space<semaphore_mem>>)
        %dma_wait3A = arith.constant 0 : i32
        %dma_wait3A_71 = tpu.memref_slice %arg7[%mul3A_62, %dma_wait3A] : memref<48x128xi32, #tpu.memory_space<vmem>> -> memref<1x128xi32, #tpu.memory_space<vmem>>
        %dma_wait3A_72 = tpu.memref_squeeze %dma_wait3A_71 : memref<1x128xi32, #tpu.memory_space<vmem>> -> memref<128xi32, #tpu.memory_space<vmem>>
        %dma_wait3A_73 = arith.constant 0 : i32
        %dma_wait3A_74 = arith.constant 0 : i32
        %dma_wait3A_75 = tpu.memref_slice %arg4[%dma_wait3A_73, %dma_wait3A_74] : memref<10000x128xf32, #tpu.memory_space<hbm>> -> memref<10000x128xf32, #tpu.memory_space<hbm>>
        tpu.wait_indirect_dma semaphore(%arg12 : memref<!tpu.dma_semaphore, #tpu.memory_space<semaphore_mem>>) src(%dma_wait3A_75 : memref<10000x128xf32, #tpu.memory_space<hbm>>) dst(%arg9 : memref<128x128xf32, #tpu.memory_space<vmem>>)
        "tpu.region"() ({
          %run_scoped3A = tpu.sem_alloc : memref<!tpu.dma_semaphore, #tpu.memory_space<semaphore_mem>>
          %dma_start3A_90 = arith.constant 0 : i32
          %dma_start3A_91 = tpu.memref_slice %arg8[%mul3A_62, %dma_start3A_90] : memref<48x128xi32, #tpu.memory_space<vmem>> -> memref<1x128xi32, #tpu.memory_space<vmem>>
          %dma_start3A_92 = tpu.memref_squeeze %dma_start3A_91 : memref<1x128xi32, #tpu.memory_space<vmem>> -> memref<128xi32, #tpu.memory_space<vmem>>
          %dma_start3A_93 = arith.constant 0 : i32
          %dma_start3A_94 = arith.constant 0 : i32
          %dma_start3A_95 = tpu.memref_slice %arg11[%dma_start3A_93, %dma_start3A_94] : memref<10240x128xf32, #tpu.memory_space<vmem_shared>> -> memref<10240x128xf32, #tpu.memory_space<vmem_shared>>
          tpu.enqueue_indirect_dma source(%arg9 : memref<128x128xf32, #tpu.memory_space<vmem>>) target(%dma_start3A_95 : memref<10240x128xf32, #tpu.memory_space<vmem_shared>>) offsets(%dma_start3A_92 : memref<128xi32, #tpu.memory_space<vmem>>) semaphore(%run_scoped3A : memref<!tpu.dma_semaphore, #tpu.memory_space<semaphore_mem>>) {add = true}
          %dma_wait3A_96 = arith.constant 0 : i32
          %dma_wait3A_97 = tpu.memref_slice %arg8[%mul3A_62, %dma_wait3A_96] : memref<48x128xi32, #tpu.memory_space<vmem>> -> memref<1x128xi32, #tpu.memory_space<vmem>>
          %dma_wait3A_98 = tpu.memref_squeeze %dma_wait3A_97 : memref<1x128xi32, #tpu.memory_space<vmem>> -> memref<128xi32, #tpu.memory_space<vmem>>
          %dma_wait3A_99 = arith.constant 0 : i32
          %dma_wait3A_100 = arith.constant 0 : i32
          %dma_wait3A_101 = tpu.memref_slice %arg11[%dma_wait3A_99, %dma_wait3A_100] : memref<10240x128xf32, #tpu.memory_space<vmem_shared>> -> memref<10240x128xf32, #tpu.memory_space<vmem_shared>>
          tpu.wait_indirect_dma semaphore(%run_scoped3A : memref<!tpu.dma_semaphore, #tpu.memory_space<semaphore_mem>>) src(%arg9 : memref<128x128xf32, #tpu.memory_space<vmem>>) dst(%dma_wait3A_101 : memref<10240x128xf32, #tpu.memory_space<vmem_shared>>)
          tpu.yield
        }) : () -> ()
        %lt3A = arith.constant 23 : i32
        %lt3A_76 = arith.cmpi slt, %scan3A_60, %lt3A : i32
        %convert_element_type3A_77 = arith.extui %lt3A_76 : i1 to i32
        %cond3A_78 = arith.constant 0 : i32
        %cond3A_79 = arith.cmpi ne, %convert_element_type3A_77, %cond3A_78 : i32
        scf.if %cond3A_79 {
          %add3A_90 = arith.constant 2 : i32
          %add3A_91 = arith.addi %mul3A_62, %add3A_90 : i32
          %dma_start3A_92 = arith.constant 0 : i32
          %dma_start3A_93 = tpu.memref_slice %arg7[%add3A_91, %dma_start3A_92] : memref<48x128xi32, #tpu.memory_space<vmem>> -> memref<1x128xi32, #tpu.memory_space<vmem>>
          %dma_start3A_94 = tpu.memref_squeeze %dma_start3A_93 : memref<1x128xi32, #tpu.memory_space<vmem>> -> memref<128xi32, #tpu.memory_space<vmem>>
          %dma_start3A_95 = arith.constant 0 : i32
          %dma_start3A_96 = arith.constant 0 : i32
          %dma_start3A_97 = tpu.memref_slice %arg4[%dma_start3A_95, %dma_start3A_96] : memref<10000x128xf32, #tpu.memory_space<hbm>> -> memref<10000x128xf32, #tpu.memory_space<hbm>>
          tpu.enqueue_indirect_dma source(%dma_start3A_97 : memref<10000x128xf32, #tpu.memory_space<hbm>>) target(%arg9 : memref<128x128xf32, #tpu.memory_space<vmem>>) offsets(%dma_start3A_94 : memref<128xi32, #tpu.memory_space<vmem>>) semaphore(%arg12 : memref<!tpu.dma_semaphore, #tpu.memory_space<semaphore_mem>>)
        } else {
        }
        %add3A_80 = arith.constant 1 : i32
        %add3A_81 = arith.addi %mul3A_62, %add3A_80 : i32
        %dma_wait3A_82 = arith.constant 0 : i32
        %dma_wait3A_83 = tpu.memref_slice %arg7[%add3A_81, %dma_wait3A_82] : memref<48x128xi32, #tpu.memory_space<vmem>> -> memref<1x128xi32, #tpu.memory_space<vmem>>
        %dma_wait3A_84 = tpu.memref_squeeze %dma_wait3A_83 : memref<1x128xi32, #tpu.memory_space<vmem>> -> memref<128xi32, #tpu.memory_space<vmem>>
        %dma_wait3A_85 = arith.constant 0 : i32
        %dma_wait3A_86 = arith.constant 0 : i32
        %dma_wait3A_87 = tpu.memref_slice %arg4[%dma_wait3A_85, %dma_wait3A_86] : memref<10000x128xf32, #tpu.memory_space<hbm>> -> memref<10000x128xf32, #tpu.memory_space<hbm>>
        tpu.wait_indirect_dma semaphore(%arg13 : memref<!tpu.dma_semaphore, #tpu.memory_space<semaphore_mem>>) src(%dma_wait3A_87 : memref<10000x128xf32, #tpu.memory_space<hbm>>) dst(%arg10 : memref<128x128xf32, #tpu.memory_space<vmem>>)
        %add3A_88 = arith.constant 1 : i32
        %add3A_89 = arith.addi %mul3A_62, %add3A_88 : i32
        "tpu.region"() ({
          %run_scoped3A = tpu.sem_alloc : memref<!tpu.dma_semaphore, #tpu.memory_space<semaphore_mem>>
          %dma_start3A_90 = arith.constant 0 : i32
          %dma_start3A_91 = tpu.memref_slice %arg8[%add3A_89, %dma_start3A_90] : memref<48x128xi32, #tpu.memory_space<vmem>> -> memref<1x128xi32, #tpu.memory_space<vmem>>
          %dma_start3A_92 = tpu.memref_squeeze %dma_start3A_91 : memref<1x128xi32, #tpu.memory_space<vmem>> -> memref<128xi32, #tpu.memory_space<vmem>>
          %dma_start3A_93 = arith.constant 0 : i32
          %dma_start3A_94 = arith.constant 0 : i32
          %dma_start3A_95 = tpu.memref_slice %arg11[%dma_start3A_93, %dma_start3A_94] : memref<10240x128xf32, #tpu.memory_space<vmem_shared>> -> memref<10240x128xf32, #tpu.memory_space<vmem_shared>>
          tpu.enqueue_indirect_dma source(%arg10 : memref<128x128xf32, #tpu.memory_space<vmem>>) target(%dma_start3A_95 : memref<10240x128xf32, #tpu.memory_space<vmem_shared>>) offsets(%dma_start3A_92 : memref<128xi32, #tpu.memory_space<vmem>>) semaphore(%run_scoped3A : memref<!tpu.dma_semaphore, #tpu.memory_space<semaphore_mem>>) {add = true}
          %dma_wait3A_96 = arith.constant 0 : i32
          %dma_wait3A_97 = tpu.memref_slice %arg8[%add3A_89, %dma_wait3A_96] : memref<48x128xi32, #tpu.memory_space<vmem>> -> memref<1x128xi32, #tpu.memory_space<vmem>>
          %dma_wait3A_98 = tpu.memref_squeeze %dma_wait3A_97 : memref<1x128xi32, #tpu.memory_space<vmem>> -> memref<128xi32, #tpu.memory_space<vmem>>
          %dma_wait3A_99 = arith.constant 0 : i32
          %dma_wait3A_100 = arith.constant 0 : i32
          %dma_wait3A_101 = tpu.memref_slice %arg11[%dma_wait3A_99, %dma_wait3A_100] : memref<10240x128xf32, #tpu.memory_space<vmem_shared>> -> memref<10240x128xf32, #tpu.memory_space<vmem_shared>>
          tpu.wait_indirect_dma semaphore(%run_scoped3A : memref<!tpu.dma_semaphore, #tpu.memory_space<semaphore_mem>>) src(%arg10 : memref<128x128xf32, #tpu.memory_space<vmem>>) dst(%dma_wait3A_101 : memref<10240x128xf32, #tpu.memory_space<vmem_shared>>)
          tpu.yield
        }) : () -> ()
      }
      %scan3A_29 = arith.constant 24 : i32
      %add3A_30 = arith.constant 48 : i32
      %add3A_31 = arith.addi %mul3A_16, %add3A_30 : i32
      "tpu.region"() ({
        %run_scoped3A = tpu.sem_alloc : memref<!tpu.dma_semaphore, #tpu.memory_space<semaphore_mem>>
        %dma_start3A_60 = arith.constant 0 : i32
        %dma_start3A_61 = arith.constant 0 : i32
        %dma_start3A_62 = tpu.memref_slice %arg7[%dma_start3A_60, %dma_start3A_61] : memref<48x128xi32, #tpu.memory_space<vmem>> -> memref<48x128xi32, #tpu.memory_space<vmem>>
        %dma_start3A_63 = arith.constant 0 : i32
        %dma_start3A_64 = tpu.memref_slice %arg2[%add3A_31, %dma_start3A_63] : memref<2560x128xi32, #tpu.memory_space<hbm>> -> memref<48x128xi32, #tpu.memory_space<hbm>>
        %dma_start3A_65 = arith.constant 0 : i32
        %dma_start3A_66 = arith.constant 0 : i32
        %dma_start3A_67 = tpu.memref_slice %arg7[%dma_start3A_65, %dma_start3A_66] : memref<48x128xi32, #tpu.memory_space<vmem>> -> memref<48x128xi32, #tpu.memory_space<vmem>>
        %dma_start3A_68 = arith.constant 0 : i32
        %dma_start3A_69 = tpu.memref_slice %arg2[%add3A_31, %dma_start3A_68] : memref<2560x128xi32, #tpu.memory_space<hbm>> -> memref<48x128xi32, #tpu.memory_space<hbm>>
        tpu.enqueue_dma source(%dma_start3A_69 : memref<48x128xi32, #tpu.memory_space<hbm>>) target(%dma_start3A_67 : memref<48x128xi32, #tpu.memory_space<vmem>>) target_semaphore(%run_scoped3A : memref<!tpu.dma_semaphore, #tpu.memory_space<semaphore_mem>>)
        %dma_wait3A = arith.constant 0 : i32
        %dma_wait3A_70 = arith.constant 0 : i32
        %dma_wait3A_71 = tpu.memref_slice %arg7[%dma_wait3A, %dma_wait3A_70] : memref<48x128xi32, #tpu.memory_space<vmem>> -> memref<48x128xi32, #tpu.memory_space<vmem>>
        %dma_wait3A_72 = arith.constant 0 : i32
        %dma_wait3A_73 = tpu.memref_slice %arg2[%add3A_31, %dma_wait3A_72] : memref<2560x128xi32, #tpu.memory_space<hbm>> -> memref<48x128xi32, #tpu.memory_space<hbm>>
        %dma_wait3A_74 = arith.constant 0 : i32
        %dma_wait3A_75 = arith.constant 0 : i32
        %dma_wait3A_76 = tpu.memref_slice %arg7[%dma_wait3A_74, %dma_wait3A_75] : memref<48x128xi32, #tpu.memory_space<vmem>> -> memref<48x128xi32, #tpu.memory_space<vmem>>
        %dma_wait3A_77 = arith.constant 0 : i32
        %dma_wait3A_78 = tpu.memref_slice %arg2[%add3A_31, %dma_wait3A_77] : memref<2560x128xi32, #tpu.memory_space<hbm>> -> memref<48x128xi32, #tpu.memory_space<hbm>>
        tpu.wait_dma2 semaphore(%run_scoped3A : memref<!tpu.dma_semaphore, #tpu.memory_space<semaphore_mem>>) src(%dma_wait3A_78 : memref<48x128xi32, #tpu.memory_space<hbm>>) dst(%dma_wait3A_76 : memref<48x128xi32, #tpu.memory_space<vmem>>)
        tpu.yield
      }) : () -> ()
      "tpu.region"() ({
        %run_scoped3A = tpu.sem_alloc : memref<!tpu.dma_semaphore, #tpu.memory_space<semaphore_mem>>
        %dma_start3A_60 = arith.constant 0 : i32
        %dma_start3A_61 = arith.constant 0 : i32
        %dma_start3A_62 = tpu.memref_slice %arg8[%dma_start3A_60, %dma_start3A_61] : memref<48x128xi32, #tpu.memory_space<vmem>> -> memref<48x128xi32, #tpu.memory_space<vmem>>
        %dma_start3A_63 = arith.constant 0 : i32
        %dma_start3A_64 = tpu.memref_slice %arg3[%add3A_31, %dma_start3A_63] : memref<2560x128xi32, #tpu.memory_space<hbm>> -> memref<48x128xi32, #tpu.memory_space<hbm>>
        %dma_start3A_65 = arith.constant 0 : i32
        %dma_start3A_66 = arith.constant 0 : i32
        %dma_start3A_67 = tpu.memref_slice %arg8[%dma_start3A_65, %dma_start3A_66] : memref<48x128xi32, #tpu.memory_space<vmem>> -> memref<48x128xi32, #tpu.memory_space<vmem>>
        %dma_start3A_68 = arith.constant 0 : i32
        %dma_start3A_69 = tpu.memref_slice %arg3[%add3A_31, %dma_start3A_68] : memref<2560x128xi32, #tpu.memory_space<hbm>> -> memref<48x128xi32, #tpu.memory_space<hbm>>
        tpu.enqueue_dma source(%dma_start3A_69 : memref<48x128xi32, #tpu.memory_space<hbm>>) target(%dma_start3A_67 : memref<48x128xi32, #tpu.memory_space<vmem>>) target_semaphore(%run_scoped3A : memref<!tpu.dma_semaphore, #tpu.memory_space<semaphore_mem>>)
        %dma_wait3A = arith.constant 0 : i32
        %dma_wait3A_70 = arith.constant 0 : i32
        %dma_wait3A_71 = tpu.memref_slice %arg8[%dma_wait3A, %dma_wait3A_70] : memref<48x128xi32, #tpu.memory_space<vmem>> -> memref<48x128xi32, #tpu.memory_space<vmem>>
        %dma_wait3A_72 = arith.constant 0 : i32
        %dma_wait3A_73 = tpu.memref_slice %arg3[%add3A_31, %dma_wait3A_72] : memref<2560x128xi32, #tpu.memory_space<hbm>> -> memref<48x128xi32, #tpu.memory_space<hbm>>
        %dma_wait3A_74 = arith.constant 0 : i32
        %dma_wait3A_75 = arith.constant 0 : i32
        %dma_wait3A_76 = tpu.memref_slice %arg8[%dma_wait3A_74, %dma_wait3A_75] : memref<48x128xi32, #tpu.memory_space<vmem>> -> memref<48x128xi32, #tpu.memory_space<vmem>>
        %dma_wait3A_77 = arith.constant 0 : i32
        %dma_wait3A_78 = tpu.memref_slice %arg3[%add3A_31, %dma_wait3A_77] : memref<2560x128xi32, #tpu.memory_space<hbm>> -> memref<48x128xi32, #tpu.memory_space<hbm>>
        tpu.wait_dma2 semaphore(%run_scoped3A : memref<!tpu.dma_semaphore, #tpu.memory_space<semaphore_mem>>) src(%dma_wait3A_78 : memref<48x128xi32, #tpu.memory_space<hbm>>) dst(%dma_wait3A_76 : memref<48x128xi32, #tpu.memory_space<vmem>>)
        tpu.yield
      }) : () -> ()
      %dma_start3A_32 = arith.constant 0 : i32
      %dma_start3A_33 = arith.constant 0 : i32
      %dma_start3A_34 = tpu.memref_slice %arg7[%dma_start3A_32, %dma_start3A_33] : memref<48x128xi32, #tpu.memory_space<vmem>> -> memref<1x128xi32, #tpu.memory_space<vmem>>
      %dma_start3A_35 = tpu.memref_squeeze %dma_start3A_34 : memref<1x128xi32, #tpu.memory_space<vmem>> -> memref<128xi32, #tpu.memory_space<vmem>>
      %dma_start3A_36 = arith.constant 0 : i32
      %dma_start3A_37 = arith.constant 0 : i32
      %dma_start3A_38 = tpu.memref_slice %arg4[%dma_start3A_36, %dma_start3A_37] : memref<10000x128xf32, #tpu.memory_space<hbm>> -> memref<10000x128xf32, #tpu.memory_space<hbm>>
      tpu.enqueue_indirect_dma source(%dma_start3A_38 : memref<10000x128xf32, #tpu.memory_space<hbm>>) target(%arg9 : memref<128x128xf32, #tpu.memory_space<vmem>>) offsets(%dma_start3A_35 : memref<128xi32, #tpu.memory_space<vmem>>) semaphore(%arg12 : memref<!tpu.dma_semaphore, #tpu.memory_space<semaphore_mem>>)
      %scan3A_39 = arith.constant 0 : i32
      %scan3A_40 = arith.constant 0 : i32
      %scan3A_41 = arith.constant 24 : i32
      %scan3A_42 = arith.addi %scan3A_40, %scan3A_41 : i32
      %scan3A_43 = arith.constant 1 : i32
      scf.for %scan3A_60 = %scan3A_40 to %scan3A_42 step %scan3A_43  : i32 {
        %mul3A_61 = arith.constant 2 : i32
        %mul3A_62 = arith.muli %mul3A_61, %scan3A_60 : i32
        %add3A_63 = arith.constant 1 : i32
        %add3A_64 = arith.addi %mul3A_62, %add3A_63 : i32
        %dma_start3A_65 = arith.constant 0 : i32
        %dma_start3A_66 = tpu.memref_slice %arg7[%add3A_64, %dma_start3A_65] : memref<48x128xi32, #tpu.memory_space<vmem>> -> memref<1x128xi32, #tpu.memory_space<vmem>>
        %dma_start3A_67 = tpu.memref_squeeze %dma_start3A_66 : memref<1x128xi32, #tpu.memory_space<vmem>> -> memref<128xi32, #tpu.memory_space<vmem>>
        %dma_start3A_68 = arith.constant 0 : i32
        %dma_start3A_69 = arith.constant 0 : i32
        %dma_start3A_70 = tpu.memref_slice %arg4[%dma_start3A_68, %dma_start3A_69] : memref<10000x128xf32, #tpu.memory_space<hbm>> -> memref<10000x128xf32, #tpu.memory_space<hbm>>
        tpu.enqueue_indirect_dma source(%dma_start3A_70 : memref<10000x128xf32, #tpu.memory_space<hbm>>) target(%arg10 : memref<128x128xf32, #tpu.memory_space<vmem>>) offsets(%dma_start3A_67 : memref<128xi32, #tpu.memory_space<vmem>>) semaphore(%arg13 : memref<!tpu.dma_semaphore, #tpu.memory_space<semaphore_mem>>)
        %dma_wait3A = arith.constant 0 : i32
        %dma_wait3A_71 = tpu.memref_slice %arg7[%mul3A_62, %dma_wait3A] : memref<48x128xi32, #tpu.memory_space<vmem>> -> memref<1x128xi32, #tpu.memory_space<vmem>>
        %dma_wait3A_72 = tpu.memref_squeeze %dma_wait3A_71 : memref<1x128xi32, #tpu.memory_space<vmem>> -> memref<128xi32, #tpu.memory_space<vmem>>
        %dma_wait3A_73 = arith.constant 0 : i32
        %dma_wait3A_74 = arith.constant 0 : i32
        %dma_wait3A_75 = tpu.memref_slice %arg4[%dma_wait3A_73, %dma_wait3A_74] : memref<10000x128xf32, #tpu.memory_space<hbm>> -> memref<10000x128xf32, #tpu.memory_space<hbm>>
        tpu.wait_indirect_dma semaphore(%arg12 : memref<!tpu.dma_semaphore, #tpu.memory_space<semaphore_mem>>) src(%dma_wait3A_75 : memref<10000x128xf32, #tpu.memory_space<hbm>>) dst(%arg9 : memref<128x128xf32, #tpu.memory_space<vmem>>)
        "tpu.region"() ({
          %run_scoped3A = tpu.sem_alloc : memref<!tpu.dma_semaphore, #tpu.memory_space<semaphore_mem>>
          %dma_start3A_90 = arith.constant 0 : i32
          %dma_start3A_91 = tpu.memref_slice %arg8[%mul3A_62, %dma_start3A_90] : memref<48x128xi32, #tpu.memory_space<vmem>> -> memref<1x128xi32, #tpu.memory_space<vmem>>
          %dma_start3A_92 = tpu.memref_squeeze %dma_start3A_91 : memref<1x128xi32, #tpu.memory_space<vmem>> -> memref<128xi32, #tpu.memory_space<vmem>>
          %dma_start3A_93 = arith.constant 0 : i32
          %dma_start3A_94 = arith.constant 0 : i32
          %dma_start3A_95 = tpu.memref_slice %arg11[%dma_start3A_93, %dma_start3A_94] : memref<10240x128xf32, #tpu.memory_space<vmem_shared>> -> memref<10240x128xf32, #tpu.memory_space<vmem_shared>>
          tpu.enqueue_indirect_dma source(%arg9 : memref<128x128xf32, #tpu.memory_space<vmem>>) target(%dma_start3A_95 : memref<10240x128xf32, #tpu.memory_space<vmem_shared>>) offsets(%dma_start3A_92 : memref<128xi32, #tpu.memory_space<vmem>>) semaphore(%run_scoped3A : memref<!tpu.dma_semaphore, #tpu.memory_space<semaphore_mem>>) {add = true}
          %dma_wait3A_96 = arith.constant 0 : i32
          %dma_wait3A_97 = tpu.memref_slice %arg8[%mul3A_62, %dma_wait3A_96] : memref<48x128xi32, #tpu.memory_space<vmem>> -> memref<1x128xi32, #tpu.memory_space<vmem>>
          %dma_wait3A_98 = tpu.memref_squeeze %dma_wait3A_97 : memref<1x128xi32, #tpu.memory_space<vmem>> -> memref<128xi32, #tpu.memory_space<vmem>>
          %dma_wait3A_99 = arith.constant 0 : i32
          %dma_wait3A_100 = arith.constant 0 : i32
          %dma_wait3A_101 = tpu.memref_slice %arg11[%dma_wait3A_99, %dma_wait3A_100] : memref<10240x128xf32, #tpu.memory_space<vmem_shared>> -> memref<10240x128xf32, #tpu.memory_space<vmem_shared>>
          tpu.wait_indirect_dma semaphore(%run_scoped3A : memref<!tpu.dma_semaphore, #tpu.memory_space<semaphore_mem>>) src(%arg9 : memref<128x128xf32, #tpu.memory_space<vmem>>) dst(%dma_wait3A_101 : memref<10240x128xf32, #tpu.memory_space<vmem_shared>>)
          tpu.yield
        }) : () -> ()
        %lt3A = arith.constant 23 : i32
        %lt3A_76 = arith.cmpi slt, %scan3A_60, %lt3A : i32
        %convert_element_type3A_77 = arith.extui %lt3A_76 : i1 to i32
        %cond3A_78 = arith.constant 0 : i32
        %cond3A_79 = arith.cmpi ne, %convert_element_type3A_77, %cond3A_78 : i32
        scf.if %cond3A_79 {
          %add3A_90 = arith.constant 2 : i32
          %add3A_91 = arith.addi %mul3A_62, %add3A_90 : i32
          %dma_start3A_92 = arith.constant 0 : i32
          %dma_start3A_93 = tpu.memref_slice %arg7[%add3A_91, %dma_start3A_92] : memref<48x128xi32, #tpu.memory_space<vmem>> -> memref<1x128xi32, #tpu.memory_space<vmem>>
          %dma_start3A_94 = tpu.memref_squeeze %dma_start3A_93 : memref<1x128xi32, #tpu.memory_space<vmem>> -> memref<128xi32, #tpu.memory_space<vmem>>
          %dma_start3A_95 = arith.constant 0 : i32
          %dma_start3A_96 = arith.constant 0 : i32
          %dma_start3A_97 = tpu.memref_slice %arg4[%dma_start3A_95, %dma_start3A_96] : memref<10000x128xf32, #tpu.memory_space<hbm>> -> memref<10000x128xf32, #tpu.memory_space<hbm>>
          tpu.enqueue_indirect_dma source(%dma_start3A_97 : memref<10000x128xf32, #tpu.memory_space<hbm>>) target(%arg9 : memref<128x128xf32, #tpu.memory_space<vmem>>) offsets(%dma_start3A_94 : memref<128xi32, #tpu.memory_space<vmem>>) semaphore(%arg12 : memref<!tpu.dma_semaphore, #tpu.memory_space<semaphore_mem>>)
        } else {
        }
        %add3A_80 = arith.constant 1 : i32
        %add3A_81 = arith.addi %mul3A_62, %add3A_80 : i32
        %dma_wait3A_82 = arith.constant 0 : i32
        %dma_wait3A_83 = tpu.memref_slice %arg7[%add3A_81, %dma_wait3A_82] : memref<48x128xi32, #tpu.memory_space<vmem>> -> memref<1x128xi32, #tpu.memory_space<vmem>>
        %dma_wait3A_84 = tpu.memref_squeeze %dma_wait3A_83 : memref<1x128xi32, #tpu.memory_space<vmem>> -> memref<128xi32, #tpu.memory_space<vmem>>
        %dma_wait3A_85 = arith.constant 0 : i32
        %dma_wait3A_86 = arith.constant 0 : i32
        %dma_wait3A_87 = tpu.memref_slice %arg4[%dma_wait3A_85, %dma_wait3A_86] : memref<10000x128xf32, #tpu.memory_space<hbm>> -> memref<10000x128xf32, #tpu.memory_space<hbm>>
        tpu.wait_indirect_dma semaphore(%arg13 : memref<!tpu.dma_semaphore, #tpu.memory_space<semaphore_mem>>) src(%dma_wait3A_87 : memref<10000x128xf32, #tpu.memory_space<hbm>>) dst(%arg10 : memref<128x128xf32, #tpu.memory_space<vmem>>)
        %add3A_88 = arith.constant 1 : i32
        %add3A_89 = arith.addi %mul3A_62, %add3A_88 : i32
        "tpu.region"() ({
          %run_scoped3A = tpu.sem_alloc : memref<!tpu.dma_semaphore, #tpu.memory_space<semaphore_mem>>
          %dma_start3A_90 = arith.constant 0 : i32
          %dma_start3A_91 = tpu.memref_slice %arg8[%add3A_89, %dma_start3A_90] : memref<48x128xi32, #tpu.memory_space<vmem>> -> memref<1x128xi32, #tpu.memory_space<vmem>>
          %dma_start3A_92 = tpu.memref_squeeze %dma_start3A_91 : memref<1x128xi32, #tpu.memory_space<vmem>> -> memref<128xi32, #tpu.memory_space<vmem>>
          %dma_start3A_93 = arith.constant 0 : i32
          %dma_start3A_94 = arith.constant 0 : i32
          %dma_start3A_95 = tpu.memref_slice %arg11[%dma_start3A_93, %dma_start3A_94] : memref<10240x128xf32, #tpu.memory_space<vmem_shared>> -> memref<10240x128xf32, #tpu.memory_space<vmem_shared>>
          tpu.enqueue_indirect_dma source(%arg10 : memref<128x128xf32, #tpu.memory_space<vmem>>) target(%dma_start3A_95 : memref<10240x128xf32, #tpu.memory_space<vmem_shared>>) offsets(%dma_start3A_92 : memref<128xi32, #tpu.memory_space<vmem>>) semaphore(%run_scoped3A : memref<!tpu.dma_semaphore, #tpu.memory_space<semaphore_mem>>) {add = true}
          %dma_wait3A_96 = arith.constant 0 : i32
          %dma_wait3A_97 = tpu.memref_slice %arg8[%add3A_89, %dma_wait3A_96] : memref<48x128xi32, #tpu.memory_space<vmem>> -> memref<1x128xi32, #tpu.memory_space<vmem>>
          %dma_wait3A_98 = tpu.memref_squeeze %dma_wait3A_97 : memref<1x128xi32, #tpu.memory_space<vmem>> -> memref<128xi32, #tpu.memory_space<vmem>>
          %dma_wait3A_99 = arith.constant 0 : i32
          %dma_wait3A_100 = arith.constant 0 : i32
          %dma_wait3A_101 = tpu.memref_slice %arg11[%dma_wait3A_99, %dma_wait3A_100] : memref<10240x128xf32, #tpu.memory_space<vmem_shared>> -> memref<10240x128xf32, #tpu.memory_space<vmem_shared>>
          tpu.wait_indirect_dma semaphore(%run_scoped3A : memref<!tpu.dma_semaphore, #tpu.memory_space<semaphore_mem>>) src(%arg10 : memref<128x128xf32, #tpu.memory_space<vmem>>) dst(%dma_wait3A_101 : memref<10240x128xf32, #tpu.memory_space<vmem_shared>>)
          tpu.yield
        }) : () -> ()
      }
      %scan3A_44 = arith.constant 24 : i32
      %add3A_45 = arith.constant 96 : i32
      %add3A_46 = arith.addi %mul3A_16, %add3A_45 : i32
      "tpu.region"() ({
        %run_scoped3A = tpu.sem_alloc : memref<!tpu.dma_semaphore, #tpu.memory_space<semaphore_mem>>
        %dma_start3A_60 = arith.constant 0 : i32
        %dma_start3A_61 = arith.constant 0 : i32
        %dma_start3A_62 = tpu.memref_slice %arg7[%dma_start3A_60, %dma_start3A_61] : memref<48x128xi32, #tpu.memory_space<vmem>> -> memref<48x128xi32, #tpu.memory_space<vmem>>
        %dma_start3A_63 = arith.constant 0 : i32
        %dma_start3A_64 = tpu.memref_slice %arg2[%add3A_46, %dma_start3A_63] : memref<2560x128xi32, #tpu.memory_space<hbm>> -> memref<48x128xi32, #tpu.memory_space<hbm>>
        %dma_start3A_65 = arith.constant 0 : i32
        %dma_start3A_66 = arith.constant 0 : i32
        %dma_start3A_67 = tpu.memref_slice %arg7[%dma_start3A_65, %dma_start3A_66] : memref<48x128xi32, #tpu.memory_space<vmem>> -> memref<48x128xi32, #tpu.memory_space<vmem>>
        %dma_start3A_68 = arith.constant 0 : i32
        %dma_start3A_69 = tpu.memref_slice %arg2[%add3A_46, %dma_start3A_68] : memref<2560x128xi32, #tpu.memory_space<hbm>> -> memref<48x128xi32, #tpu.memory_space<hbm>>
        tpu.enqueue_dma source(%dma_start3A_69 : memref<48x128xi32, #tpu.memory_space<hbm>>) target(%dma_start3A_67 : memref<48x128xi32, #tpu.memory_space<vmem>>) target_semaphore(%run_scoped3A : memref<!tpu.dma_semaphore, #tpu.memory_space<semaphore_mem>>)
        %dma_wait3A = arith.constant 0 : i32
        %dma_wait3A_70 = arith.constant 0 : i32
        %dma_wait3A_71 = tpu.memref_slice %arg7[%dma_wait3A, %dma_wait3A_70] : memref<48x128xi32, #tpu.memory_space<vmem>> -> memref<48x128xi32, #tpu.memory_space<vmem>>
        %dma_wait3A_72 = arith.constant 0 : i32
        %dma_wait3A_73 = tpu.memref_slice %arg2[%add3A_46, %dma_wait3A_72] : memref<2560x128xi32, #tpu.memory_space<hbm>> -> memref<48x128xi32, #tpu.memory_space<hbm>>
        %dma_wait3A_74 = arith.constant 0 : i32
        %dma_wait3A_75 = arith.constant 0 : i32
        %dma_wait3A_76 = tpu.memref_slice %arg7[%dma_wait3A_74, %dma_wait3A_75] : memref<48x128xi32, #tpu.memory_space<vmem>> -> memref<48x128xi32, #tpu.memory_space<vmem>>
        %dma_wait3A_77 = arith.constant 0 : i32
        %dma_wait3A_78 = tpu.memref_slice %arg2[%add3A_46, %dma_wait3A_77] : memref<2560x128xi32, #tpu.memory_space<hbm>> -> memref<48x128xi32, #tpu.memory_space<hbm>>
        tpu.wait_dma2 semaphore(%run_scoped3A : memref<!tpu.dma_semaphore, #tpu.memory_space<semaphore_mem>>) src(%dma_wait3A_78 : memref<48x128xi32, #tpu.memory_space<hbm>>) dst(%dma_wait3A_76 : memref<48x128xi32, #tpu.memory_space<vmem>>)
        tpu.yield
      }) : () -> ()
      "tpu.region"() ({
        %run_scoped3A = tpu.sem_alloc : memref<!tpu.dma_semaphore, #tpu.memory_space<semaphore_mem>>
        %dma_start3A_60 = arith.constant 0 : i32
        %dma_start3A_61 = arith.constant 0 : i32
        %dma_start3A_62 = tpu.memref_slice %arg8[%dma_start3A_60, %dma_start3A_61] : memref<48x128xi32, #tpu.memory_space<vmem>> -> memref<48x128xi32, #tpu.memory_space<vmem>>
        %dma_start3A_63 = arith.constant 0 : i32
        %dma_start3A_64 = tpu.memref_slice %arg3[%add3A_46, %dma_start3A_63] : memref<2560x128xi32, #tpu.memory_space<hbm>> -> memref<48x128xi32, #tpu.memory_space<hbm>>
        %dma_start3A_65 = arith.constant 0 : i32
        %dma_start3A_66 = arith.constant 0 : i32
        %dma_start3A_67 = tpu.memref_slice %arg8[%dma_start3A_65, %dma_start3A_66] : memref<48x128xi32, #tpu.memory_space<vmem>> -> memref<48x128xi32, #tpu.memory_space<vmem>>
        %dma_start3A_68 = arith.constant 0 : i32
        %dma_start3A_69 = tpu.memref_slice %arg3[%add3A_46, %dma_start3A_68] : memref<2560x128xi32, #tpu.memory_space<hbm>> -> memref<48x128xi32, #tpu.memory_space<hbm>>
        tpu.enqueue_dma source(%dma_start3A_69 : memref<48x128xi32, #tpu.memory_space<hbm>>) target(%dma_start3A_67 : memref<48x128xi32, #tpu.memory_space<vmem>>) target_semaphore(%run_scoped3A : memref<!tpu.dma_semaphore, #tpu.memory_space<semaphore_mem>>)
        %dma_wait3A = arith.constant 0 : i32
        %dma_wait3A_70 = arith.constant 0 : i32
        %dma_wait3A_71 = tpu.memref_slice %arg8[%dma_wait3A, %dma_wait3A_70] : memref<48x128xi32, #tpu.memory_space<vmem>> -> memref<48x128xi32, #tpu.memory_space<vmem>>
        %dma_wait3A_72 = arith.constant 0 : i32
        %dma_wait3A_73 = tpu.memref_slice %arg3[%add3A_46, %dma_wait3A_72] : memref<2560x128xi32, #tpu.memory_space<hbm>> -> memref<48x128xi32, #tpu.memory_space<hbm>>
        %dma_wait3A_74 = arith.constant 0 : i32
        %dma_wait3A_75 = arith.constant 0 : i32
        %dma_wait3A_76 = tpu.memref_slice %arg8[%dma_wait3A_74, %dma_wait3A_75] : memref<48x128xi32, #tpu.memory_space<vmem>> -> memref<48x128xi32, #tpu.memory_space<vmem>>
        %dma_wait3A_77 = arith.constant 0 : i32
        %dma_wait3A_78 = tpu.memref_slice %arg3[%add3A_46, %dma_wait3A_77] : memref<2560x128xi32, #tpu.memory_space<hbm>> -> memref<48x128xi32, #tpu.memory_space<hbm>>
        tpu.wait_dma2 semaphore(%run_scoped3A : memref<!tpu.dma_semaphore, #tpu.memory_space<semaphore_mem>>) src(%dma_wait3A_78 : memref<48x128xi32, #tpu.memory_space<hbm>>) dst(%dma_wait3A_76 : memref<48x128xi32, #tpu.memory_space<vmem>>)
        tpu.yield
      }) : () -> ()
      %dma_start3A_47 = arith.constant 0 : i32
      %dma_start3A_48 = arith.constant 0 : i32
      %dma_start3A_49 = tpu.memref_slice %arg7[%dma_start3A_47, %dma_start3A_48] : memref<48x128xi32, #tpu.memory_space<vmem>> -> memref<1x128xi32, #tpu.memory_space<vmem>>
      %dma_start3A_50 = tpu.memref_squeeze %dma_start3A_49 : memref<1x128xi32, #tpu.memory_space<vmem>> -> memref<128xi32, #tpu.memory_space<vmem>>
      %dma_start3A_51 = arith.constant 0 : i32
      %dma_start3A_52 = arith.constant 0 : i32
      %dma_start3A_53 = tpu.memref_slice %arg4[%dma_start3A_51, %dma_start3A_52] : memref<10000x128xf32, #tpu.memory_space<hbm>> -> memref<10000x128xf32, #tpu.memory_space<hbm>>
      tpu.enqueue_indirect_dma source(%dma_start3A_53 : memref<10000x128xf32, #tpu.memory_space<hbm>>) target(%arg9 : memref<128x128xf32, #tpu.memory_space<vmem>>) offsets(%dma_start3A_50 : memref<128xi32, #tpu.memory_space<vmem>>) semaphore(%arg12 : memref<!tpu.dma_semaphore, #tpu.memory_space<semaphore_mem>>)
      %scan3A_54 = arith.constant 0 : i32
      %scan3A_55 = arith.constant 0 : i32
      %scan3A_56 = arith.constant 24 : i32
      %scan3A_57 = arith.addi %scan3A_55, %scan3A_56 : i32
      %scan3A_58 = arith.constant 1 : i32
      scf.for %scan3A_60 = %scan3A_55 to %scan3A_57 step %scan3A_58  : i32 {
        %mul3A_61 = arith.constant 2 : i32
        %mul3A_62 = arith.muli %mul3A_61, %scan3A_60 : i32
        %add3A_63 = arith.constant 1 : i32
        %add3A_64 = arith.addi %mul3A_62, %add3A_63 : i32
        %dma_start3A_65 = arith.constant 0 : i32
        %dma_start3A_66 = tpu.memref_slice %arg7[%add3A_64, %dma_start3A_65] : memref<48x128xi32, #tpu.memory_space<vmem>> -> memref<1x128xi32, #tpu.memory_space<vmem>>
        %dma_start3A_67 = tpu.memref_squeeze %dma_start3A_66 : memref<1x128xi32, #tpu.memory_space<vmem>> -> memref<128xi32, #tpu.memory_space<vmem>>
        %dma_start3A_68 = arith.constant 0 : i32
        %dma_start3A_69 = arith.constant 0 : i32
        %dma_start3A_70 = tpu.memref_slice %arg4[%dma_start3A_68, %dma_start3A_69] : memref<10000x128xf32, #tpu.memory_space<hbm>> -> memref<10000x128xf32, #tpu.memory_space<hbm>>
        tpu.enqueue_indirect_dma source(%dma_start3A_70 : memref<10000x128xf32, #tpu.memory_space<hbm>>) target(%arg10 : memref<128x128xf32, #tpu.memory_space<vmem>>) offsets(%dma_start3A_67 : memref<128xi32, #tpu.memory_space<vmem>>) semaphore(%arg13 : memref<!tpu.dma_semaphore, #tpu.memory_space<semaphore_mem>>)
        %dma_wait3A = arith.constant 0 : i32
        %dma_wait3A_71 = tpu.memref_slice %arg7[%mul3A_62, %dma_wait3A] : memref<48x128xi32, #tpu.memory_space<vmem>> -> memref<1x128xi32, #tpu.memory_space<vmem>>
        %dma_wait3A_72 = tpu.memref_squeeze %dma_wait3A_71 : memref<1x128xi32, #tpu.memory_space<vmem>> -> memref<128xi32, #tpu.memory_space<vmem>>
        %dma_wait3A_73 = arith.constant 0 : i32
        %dma_wait3A_74 = arith.constant 0 : i32
        %dma_wait3A_75 = tpu.memref_slice %arg4[%dma_wait3A_73, %dma_wait3A_74] : memref<10000x128xf32, #tpu.memory_space<hbm>> -> memref<10000x128xf32, #tpu.memory_space<hbm>>
        tpu.wait_indirect_dma semaphore(%arg12 : memref<!tpu.dma_semaphore, #tpu.memory_space<semaphore_mem>>) src(%dma_wait3A_75 : memref<10000x128xf32, #tpu.memory_space<hbm>>) dst(%arg9 : memref<128x128xf32, #tpu.memory_space<vmem>>)
        "tpu.region"() ({
          %run_scoped3A = tpu.sem_alloc : memref<!tpu.dma_semaphore, #tpu.memory_space<semaphore_mem>>
          %dma_start3A_90 = arith.constant 0 : i32
          %dma_start3A_91 = tpu.memref_slice %arg8[%mul3A_62, %dma_start3A_90] : memref<48x128xi32, #tpu.memory_space<vmem>> -> memref<1x128xi32, #tpu.memory_space<vmem>>
          %dma_start3A_92 = tpu.memref_squeeze %dma_start3A_91 : memref<1x128xi32, #tpu.memory_space<vmem>> -> memref<128xi32, #tpu.memory_space<vmem>>
          %dma_start3A_93 = arith.constant 0 : i32
          %dma_start3A_94 = arith.constant 0 : i32
          %dma_start3A_95 = tpu.memref_slice %arg11[%dma_start3A_93, %dma_start3A_94] : memref<10240x128xf32, #tpu.memory_space<vmem_shared>> -> memref<10240x128xf32, #tpu.memory_space<vmem_shared>>
          tpu.enqueue_indirect_dma source(%arg9 : memref<128x128xf32, #tpu.memory_space<vmem>>) target(%dma_start3A_95 : memref<10240x128xf32, #tpu.memory_space<vmem_shared>>) offsets(%dma_start3A_92 : memref<128xi32, #tpu.memory_space<vmem>>) semaphore(%run_scoped3A : memref<!tpu.dma_semaphore, #tpu.memory_space<semaphore_mem>>) {add = true}
          %dma_wait3A_96 = arith.constant 0 : i32
          %dma_wait3A_97 = tpu.memref_slice %arg8[%mul3A_62, %dma_wait3A_96] : memref<48x128xi32, #tpu.memory_space<vmem>> -> memref<1x128xi32, #tpu.memory_space<vmem>>
          %dma_wait3A_98 = tpu.memref_squeeze %dma_wait3A_97 : memref<1x128xi32, #tpu.memory_space<vmem>> -> memref<128xi32, #tpu.memory_space<vmem>>
          %dma_wait3A_99 = arith.constant 0 : i32
          %dma_wait3A_100 = arith.constant 0 : i32
          %dma_wait3A_101 = tpu.memref_slice %arg11[%dma_wait3A_99, %dma_wait3A_100] : memref<10240x128xf32, #tpu.memory_space<vmem_shared>> -> memref<10240x128xf32, #tpu.memory_space<vmem_shared>>
          tpu.wait_indirect_dma semaphore(%run_scoped3A : memref<!tpu.dma_semaphore, #tpu.memory_space<semaphore_mem>>) src(%arg9 : memref<128x128xf32, #tpu.memory_space<vmem>>) dst(%dma_wait3A_101 : memref<10240x128xf32, #tpu.memory_space<vmem_shared>>)
          tpu.yield
        }) : () -> ()
        %lt3A = arith.constant 23 : i32
        %lt3A_76 = arith.cmpi slt, %scan3A_60, %lt3A : i32
        %convert_element_type3A_77 = arith.extui %lt3A_76 : i1 to i32
        %cond3A_78 = arith.constant 0 : i32
        %cond3A_79 = arith.cmpi ne, %convert_element_type3A_77, %cond3A_78 : i32
        scf.if %cond3A_79 {
          %add3A_90 = arith.constant 2 : i32
          %add3A_91 = arith.addi %mul3A_62, %add3A_90 : i32
          %dma_start3A_92 = arith.constant 0 : i32
          %dma_start3A_93 = tpu.memref_slice %arg7[%add3A_91, %dma_start3A_92] : memref<48x128xi32, #tpu.memory_space<vmem>> -> memref<1x128xi32, #tpu.memory_space<vmem>>
          %dma_start3A_94 = tpu.memref_squeeze %dma_start3A_93 : memref<1x128xi32, #tpu.memory_space<vmem>> -> memref<128xi32, #tpu.memory_space<vmem>>
          %dma_start3A_95 = arith.constant 0 : i32
          %dma_start3A_96 = arith.constant 0 : i32
          %dma_start3A_97 = tpu.memref_slice %arg4[%dma_start3A_95, %dma_start3A_96] : memref<10000x128xf32, #tpu.memory_space<hbm>> -> memref<10000x128xf32, #tpu.memory_space<hbm>>
          tpu.enqueue_indirect_dma source(%dma_start3A_97 : memref<10000x128xf32, #tpu.memory_space<hbm>>) target(%arg9 : memref<128x128xf32, #tpu.memory_space<vmem>>) offsets(%dma_start3A_94 : memref<128xi32, #tpu.memory_space<vmem>>) semaphore(%arg12 : memref<!tpu.dma_semaphore, #tpu.memory_space<semaphore_mem>>)
        } else {
        }
        %add3A_80 = arith.constant 1 : i32
        %add3A_81 = arith.addi %mul3A_62, %add3A_80 : i32
        %dma_wait3A_82 = arith.constant 0 : i32
        %dma_wait3A_83 = tpu.memref_slice %arg7[%add3A_81, %dma_wait3A_82] : memref<48x128xi32, #tpu.memory_space<vmem>> -> memref<1x128xi32, #tpu.memory_space<vmem>>
        %dma_wait3A_84 = tpu.memref_squeeze %dma_wait3A_83 : memref<1x128xi32, #tpu.memory_space<vmem>> -> memref<128xi32, #tpu.memory_space<vmem>>
        %dma_wait3A_85 = arith.constant 0 : i32
        %dma_wait3A_86 = arith.constant 0 : i32
        %dma_wait3A_87 = tpu.memref_slice %arg4[%dma_wait3A_85, %dma_wait3A_86] : memref<10000x128xf32, #tpu.memory_space<hbm>> -> memref<10000x128xf32, #tpu.memory_space<hbm>>
        tpu.wait_indirect_dma semaphore(%arg13 : memref<!tpu.dma_semaphore, #tpu.memory_space<semaphore_mem>>) src(%dma_wait3A_87 : memref<10000x128xf32, #tpu.memory_space<hbm>>) dst(%arg10 : memref<128x128xf32, #tpu.memory_space<vmem>>)
        %add3A_88 = arith.constant 1 : i32
        %add3A_89 = arith.addi %mul3A_62, %add3A_88 : i32
        "tpu.region"() ({
          %run_scoped3A = tpu.sem_alloc : memref<!tpu.dma_semaphore, #tpu.memory_space<semaphore_mem>>
          %dma_start3A_90 = arith.constant 0 : i32
          %dma_start3A_91 = tpu.memref_slice %arg8[%add3A_89, %dma_start3A_90] : memref<48x128xi32, #tpu.memory_space<vmem>> -> memref<1x128xi32, #tpu.memory_space<vmem>>
          %dma_start3A_92 = tpu.memref_squeeze %dma_start3A_91 : memref<1x128xi32, #tpu.memory_space<vmem>> -> memref<128xi32, #tpu.memory_space<vmem>>
          %dma_start3A_93 = arith.constant 0 : i32
          %dma_start3A_94 = arith.constant 0 : i32
          %dma_start3A_95 = tpu.memref_slice %arg11[%dma_start3A_93, %dma_start3A_94] : memref<10240x128xf32, #tpu.memory_space<vmem_shared>> -> memref<10240x128xf32, #tpu.memory_space<vmem_shared>>
          tpu.enqueue_indirect_dma source(%arg10 : memref<128x128xf32, #tpu.memory_space<vmem>>) target(%dma_start3A_95 : memref<10240x128xf32, #tpu.memory_space<vmem_shared>>) offsets(%dma_start3A_92 : memref<128xi32, #tpu.memory_space<vmem>>) semaphore(%run_scoped3A : memref<!tpu.dma_semaphore, #tpu.memory_space<semaphore_mem>>) {add = true}
          %dma_wait3A_96 = arith.constant 0 : i32
          %dma_wait3A_97 = tpu.memref_slice %arg8[%add3A_89, %dma_wait3A_96] : memref<48x128xi32, #tpu.memory_space<vmem>> -> memref<1x128xi32, #tpu.memory_space<vmem>>
          %dma_wait3A_98 = tpu.memref_squeeze %dma_wait3A_97 : memref<1x128xi32, #tpu.memory_space<vmem>> -> memref<128xi32, #tpu.memory_space<vmem>>
          %dma_wait3A_99 = arith.constant 0 : i32
          %dma_wait3A_100 = arith.constant 0 : i32
          %dma_wait3A_101 = tpu.memref_slice %arg11[%dma_wait3A_99, %dma_wait3A_100] : memref<10240x128xf32, #tpu.memory_space<vmem_shared>> -> memref<10240x128xf32, #tpu.memory_space<vmem_shared>>
          tpu.wait_indirect_dma semaphore(%run_scoped3A : memref<!tpu.dma_semaphore, #tpu.memory_space<semaphore_mem>>) src(%arg10 : memref<128x128xf32, #tpu.memory_space<vmem>>) dst(%dma_wait3A_101 : memref<10240x128xf32, #tpu.memory_space<vmem_shared>>)
          tpu.yield
        }) : () -> ()
      }
      %scan3A_59 = arith.constant 24 : i32
    } else {
    }
    %eq3A_3 = arith.constant 1 : i32
    %eq3A_4 = arith.cmpi eq, %arg0, %eq3A_3 : i32
    %convert_element_type3A_5 = arith.extui %eq3A_4 : i1 to i32
    %cond3A_6 = arith.constant 0 : i32
    %cond3A_7 = arith.cmpi ne, %convert_element_type3A_5, %cond3A_6 : i32
    scf.if %cond3A_7 {
      %mul3A_15 = arith.constant 16 : i32
      %mul3A_16 = arith.muli %arg1, %mul3A_15 : i32
      %add3A_17 = arith.constant 2304 : i32
      %add3A_18 = arith.addi %add3A_17, %mul3A_16 : i32
      %add3A_19 = arith.constant 0 : i32
      %add3A_20 = arith.addi %add3A_18, %add3A_19 : i32
      "tpu.region"() ({
        %run_scoped3A = tpu.sem_alloc : memref<!tpu.dma_semaphore, #tpu.memory_space<semaphore_mem>>
        %dma_start3A_32 = arith.constant 0 : i32
        %dma_start3A_33 = arith.constant 0 : i32
        %dma_start3A_34 = tpu.memref_slice %arg7[%dma_start3A_32, %dma_start3A_33] : memref<48x128xi32, #tpu.memory_space<vmem>> -> memref<16x128xi32, #tpu.memory_space<vmem>>
        %dma_start3A_35 = arith.constant 0 : i32
        %dma_start3A_36 = tpu.memref_slice %arg2[%add3A_20, %dma_start3A_35] : memref<2560x128xi32, #tpu.memory_space<hbm>> -> memref<16x128xi32, #tpu.memory_space<hbm>>
        %dma_start3A_37 = arith.constant 0 : i32
        %dma_start3A_38 = arith.constant 0 : i32
        %dma_start3A_39 = tpu.memref_slice %arg7[%dma_start3A_37, %dma_start3A_38] : memref<48x128xi32, #tpu.memory_space<vmem>> -> memref<16x128xi32, #tpu.memory_space<vmem>>
        %dma_start3A_40 = arith.constant 0 : i32
        %dma_start3A_41 = tpu.memref_slice %arg2[%add3A_20, %dma_start3A_40] : memref<2560x128xi32, #tpu.memory_space<hbm>> -> memref<16x128xi32, #tpu.memory_space<hbm>>
        tpu.enqueue_dma source(%dma_start3A_41 : memref<16x128xi32, #tpu.memory_space<hbm>>) target(%dma_start3A_39 : memref<16x128xi32, #tpu.memory_space<vmem>>) target_semaphore(%run_scoped3A : memref<!tpu.dma_semaphore, #tpu.memory_space<semaphore_mem>>)
        %dma_wait3A = arith.constant 0 : i32
        %dma_wait3A_42 = arith.constant 0 : i32
        %dma_wait3A_43 = tpu.memref_slice %arg7[%dma_wait3A, %dma_wait3A_42] : memref<48x128xi32, #tpu.memory_space<vmem>> -> memref<16x128xi32, #tpu.memory_space<vmem>>
        %dma_wait3A_44 = arith.constant 0 : i32
        %dma_wait3A_45 = tpu.memref_slice %arg2[%add3A_20, %dma_wait3A_44] : memref<2560x128xi32, #tpu.memory_space<hbm>> -> memref<16x128xi32, #tpu.memory_space<hbm>>
        %dma_wait3A_46 = arith.constant 0 : i32
        %dma_wait3A_47 = arith.constant 0 : i32
        %dma_wait3A_48 = tpu.memref_slice %arg7[%dma_wait3A_46, %dma_wait3A_47] : memref<48x128xi32, #tpu.memory_space<vmem>> -> memref<16x128xi32, #tpu.memory_space<vmem>>
        %dma_wait3A_49 = arith.constant 0 : i32
        %dma_wait3A_50 = tpu.memref_slice %arg2[%add3A_20, %dma_wait3A_49] : memref<2560x128xi32, #tpu.memory_space<hbm>> -> memref<16x128xi32, #tpu.memory_space<hbm>>
        tpu.wait_dma2 semaphore(%run_scoped3A : memref<!tpu.dma_semaphore, #tpu.memory_space<semaphore_mem>>) src(%dma_wait3A_50 : memref<16x128xi32, #tpu.memory_space<hbm>>) dst(%dma_wait3A_48 : memref<16x128xi32, #tpu.memory_space<vmem>>)
        tpu.yield
      }) : () -> ()
      "tpu.region"() ({
        %run_scoped3A = tpu.sem_alloc : memref<!tpu.dma_semaphore, #tpu.memory_space<semaphore_mem>>
        %dma_start3A_32 = arith.constant 0 : i32
        %dma_start3A_33 = arith.constant 0 : i32
        %dma_start3A_34 = tpu.memref_slice %arg8[%dma_start3A_32, %dma_start3A_33] : memref<48x128xi32, #tpu.memory_space<vmem>> -> memref<16x128xi32, #tpu.memory_space<vmem>>
        %dma_start3A_35 = arith.constant 0 : i32
        %dma_start3A_36 = tpu.memref_slice %arg3[%add3A_20, %dma_start3A_35] : memref<2560x128xi32, #tpu.memory_space<hbm>> -> memref<16x128xi32, #tpu.memory_space<hbm>>
        %dma_start3A_37 = arith.constant 0 : i32
        %dma_start3A_38 = arith.constant 0 : i32
        %dma_start3A_39 = tpu.memref_slice %arg8[%dma_start3A_37, %dma_start3A_38] : memref<48x128xi32, #tpu.memory_space<vmem>> -> memref<16x128xi32, #tpu.memory_space<vmem>>
        %dma_start3A_40 = arith.constant 0 : i32
        %dma_start3A_41 = tpu.memref_slice %arg3[%add3A_20, %dma_start3A_40] : memref<2560x128xi32, #tpu.memory_space<hbm>> -> memref<16x128xi32, #tpu.memory_space<hbm>>
        tpu.enqueue_dma source(%dma_start3A_41 : memref<16x128xi32, #tpu.memory_space<hbm>>) target(%dma_start3A_39 : memref<16x128xi32, #tpu.memory_space<vmem>>) target_semaphore(%run_scoped3A : memref<!tpu.dma_semaphore, #tpu.memory_space<semaphore_mem>>)
        %dma_wait3A = arith.constant 0 : i32
        %dma_wait3A_42 = arith.constant 0 : i32
        %dma_wait3A_43 = tpu.memref_slice %arg8[%dma_wait3A, %dma_wait3A_42] : memref<48x128xi32, #tpu.memory_space<vmem>> -> memref<16x128xi32, #tpu.memory_space<vmem>>
        %dma_wait3A_44 = arith.constant 0 : i32
        %dma_wait3A_45 = tpu.memref_slice %arg3[%add3A_20, %dma_wait3A_44] : memref<2560x128xi32, #tpu.memory_space<hbm>> -> memref<16x128xi32, #tpu.memory_space<hbm>>
        %dma_wait3A_46 = arith.constant 0 : i32
        %dma_wait3A_47 = arith.constant 0 : i32
        %dma_wait3A_48 = tpu.memref_slice %arg8[%dma_wait3A_46, %dma_wait3A_47] : memref<48x128xi32, #tpu.memory_space<vmem>> -> memref<16x128xi32, #tpu.memory_space<vmem>>
        %dma_wait3A_49 = arith.constant 0 : i32
        %dma_wait3A_50 = tpu.memref_slice %arg3[%add3A_20, %dma_wait3A_49] : memref<2560x128xi32, #tpu.memory_space<hbm>> -> memref<16x128xi32, #tpu.memory_space<hbm>>
        tpu.wait_dma2 semaphore(%run_scoped3A : memref<!tpu.dma_semaphore, #tpu.memory_space<semaphore_mem>>) src(%dma_wait3A_50 : memref<16x128xi32, #tpu.memory_space<hbm>>) dst(%dma_wait3A_48 : memref<16x128xi32, #tpu.memory_space<vmem>>)
        tpu.yield
      }) : () -> ()
      %dma_start3A = arith.constant 0 : i32
      %dma_start3A_21 = arith.constant 0 : i32
      %dma_start3A_22 = tpu.memref_slice %arg7[%dma_start3A, %dma_start3A_21] : memref<48x128xi32, #tpu.memory_space<vmem>> -> memref<1x128xi32, #tpu.memory_space<vmem>>
      %dma_start3A_23 = tpu.memref_squeeze %dma_start3A_22 : memref<1x128xi32, #tpu.memory_space<vmem>> -> memref<128xi32, #tpu.memory_space<vmem>>
      %dma_start3A_24 = arith.constant 0 : i32
      %dma_start3A_25 = arith.constant 0 : i32
      %dma_start3A_26 = tpu.memref_slice %arg4[%dma_start3A_24, %dma_start3A_25] : memref<10000x128xf32, #tpu.memory_space<hbm>> -> memref<10000x128xf32, #tpu.memory_space<hbm>>
      tpu.enqueue_indirect_dma source(%dma_start3A_26 : memref<10000x128xf32, #tpu.memory_space<hbm>>) target(%arg9 : memref<128x128xf32, #tpu.memory_space<vmem>>) offsets(%dma_start3A_23 : memref<128xi32, #tpu.memory_space<vmem>>) semaphore(%arg12 : memref<!tpu.dma_semaphore, #tpu.memory_space<semaphore_mem>>)
      %scan3A = arith.constant 0 : i32
      %scan3A_27 = arith.constant 0 : i32
      %scan3A_28 = arith.constant 8 : i32
      %scan3A_29 = arith.addi %scan3A_27, %scan3A_28 : i32
      %scan3A_30 = arith.constant 1 : i32
      scf.for %scan3A_32 = %scan3A_27 to %scan3A_29 step %scan3A_30  : i32 {
        %mul3A_33 = arith.constant 2 : i32
        %mul3A_34 = arith.muli %mul3A_33, %scan3A_32 : i32
        %add3A_35 = arith.constant 1 : i32
        %add3A_36 = arith.addi %mul3A_34, %add3A_35 : i32
        %dma_start3A_37 = arith.constant 0 : i32
        %dma_start3A_38 = tpu.memref_slice %arg7[%add3A_36, %dma_start3A_37] : memref<48x128xi32, #tpu.memory_space<vmem>> -> memref<1x128xi32, #tpu.memory_space<vmem>>
        %dma_start3A_39 = tpu.memref_squeeze %dma_start3A_38 : memref<1x128xi32, #tpu.memory_space<vmem>> -> memref<128xi32, #tpu.memory_space<vmem>>
        %dma_start3A_40 = arith.constant 0 : i32
        %dma_start3A_41 = arith.constant 0 : i32
        %dma_start3A_42 = tpu.memref_slice %arg4[%dma_start3A_40, %dma_start3A_41] : memref<10000x128xf32, #tpu.memory_space<hbm>> -> memref<10000x128xf32, #tpu.memory_space<hbm>>
        tpu.enqueue_indirect_dma source(%dma_start3A_42 : memref<10000x128xf32, #tpu.memory_space<hbm>>) target(%arg10 : memref<128x128xf32, #tpu.memory_space<vmem>>) offsets(%dma_start3A_39 : memref<128xi32, #tpu.memory_space<vmem>>) semaphore(%arg13 : memref<!tpu.dma_semaphore, #tpu.memory_space<semaphore_mem>>)
        %dma_wait3A = arith.constant 0 : i32
        %dma_wait3A_43 = tpu.memref_slice %arg7[%mul3A_34, %dma_wait3A] : memref<48x128xi32, #tpu.memory_space<vmem>> -> memref<1x128xi32, #tpu.memory_space<vmem>>
        %dma_wait3A_44 = tpu.memref_squeeze %dma_wait3A_43 : memref<1x128xi32, #tpu.memory_space<vmem>> -> memref<128xi32, #tpu.memory_space<vmem>>
        %dma_wait3A_45 = arith.constant 0 : i32
        %dma_wait3A_46 = arith.constant 0 : i32
        %dma_wait3A_47 = tpu.memref_slice %arg4[%dma_wait3A_45, %dma_wait3A_46] : memref<10000x128xf32, #tpu.memory_space<hbm>> -> memref<10000x128xf32, #tpu.memory_space<hbm>>
        tpu.wait_indirect_dma semaphore(%arg12 : memref<!tpu.dma_semaphore, #tpu.memory_space<semaphore_mem>>) src(%dma_wait3A_47 : memref<10000x128xf32, #tpu.memory_space<hbm>>) dst(%arg9 : memref<128x128xf32, #tpu.memory_space<vmem>>)
        "tpu.region"() ({
          %run_scoped3A = tpu.sem_alloc : memref<!tpu.dma_semaphore, #tpu.memory_space<semaphore_mem>>
          %dma_start3A_62 = arith.constant 0 : i32
          %dma_start3A_63 = tpu.memref_slice %arg8[%mul3A_34, %dma_start3A_62] : memref<48x128xi32, #tpu.memory_space<vmem>> -> memref<1x128xi32, #tpu.memory_space<vmem>>
          %dma_start3A_64 = tpu.memref_squeeze %dma_start3A_63 : memref<1x128xi32, #tpu.memory_space<vmem>> -> memref<128xi32, #tpu.memory_space<vmem>>
          %dma_start3A_65 = arith.constant 0 : i32
          %dma_start3A_66 = arith.constant 0 : i32
          %dma_start3A_67 = tpu.memref_slice %arg11[%dma_start3A_65, %dma_start3A_66] : memref<10240x128xf32, #tpu.memory_space<vmem_shared>> -> memref<10240x128xf32, #tpu.memory_space<vmem_shared>>
          tpu.enqueue_indirect_dma source(%arg9 : memref<128x128xf32, #tpu.memory_space<vmem>>) target(%dma_start3A_67 : memref<10240x128xf32, #tpu.memory_space<vmem_shared>>) offsets(%dma_start3A_64 : memref<128xi32, #tpu.memory_space<vmem>>) semaphore(%run_scoped3A : memref<!tpu.dma_semaphore, #tpu.memory_space<semaphore_mem>>) {add = true}
          %dma_wait3A_68 = arith.constant 0 : i32
          %dma_wait3A_69 = tpu.memref_slice %arg8[%mul3A_34, %dma_wait3A_68] : memref<48x128xi32, #tpu.memory_space<vmem>> -> memref<1x128xi32, #tpu.memory_space<vmem>>
          %dma_wait3A_70 = tpu.memref_squeeze %dma_wait3A_69 : memref<1x128xi32, #tpu.memory_space<vmem>> -> memref<128xi32, #tpu.memory_space<vmem>>
          %dma_wait3A_71 = arith.constant 0 : i32
          %dma_wait3A_72 = arith.constant 0 : i32
          %dma_wait3A_73 = tpu.memref_slice %arg11[%dma_wait3A_71, %dma_wait3A_72] : memref<10240x128xf32, #tpu.memory_space<vmem_shared>> -> memref<10240x128xf32, #tpu.memory_space<vmem_shared>>
          tpu.wait_indirect_dma semaphore(%run_scoped3A : memref<!tpu.dma_semaphore, #tpu.memory_space<semaphore_mem>>) src(%arg9 : memref<128x128xf32, #tpu.memory_space<vmem>>) dst(%dma_wait3A_73 : memref<10240x128xf32, #tpu.memory_space<vmem_shared>>)
          tpu.yield
        }) : () -> ()
        %lt3A = arith.constant 7 : i32
        %lt3A_48 = arith.cmpi slt, %scan3A_32, %lt3A : i32
        %convert_element_type3A_49 = arith.extui %lt3A_48 : i1 to i32
        %cond3A_50 = arith.constant 0 : i32
        %cond3A_51 = arith.cmpi ne, %convert_element_type3A_49, %cond3A_50 : i32
        scf.if %cond3A_51 {
          %add3A_62 = arith.constant 2 : i32
          %add3A_63 = arith.addi %mul3A_34, %add3A_62 : i32
          %dma_start3A_64 = arith.constant 0 : i32
          %dma_start3A_65 = tpu.memref_slice %arg7[%add3A_63, %dma_start3A_64] : memref<48x128xi32, #tpu.memory_space<vmem>> -> memref<1x128xi32, #tpu.memory_space<vmem>>
          %dma_start3A_66 = tpu.memref_squeeze %dma_start3A_65 : memref<1x128xi32, #tpu.memory_space<vmem>> -> memref<128xi32, #tpu.memory_space<vmem>>
          %dma_start3A_67 = arith.constant 0 : i32
          %dma_start3A_68 = arith.constant 0 : i32
          %dma_start3A_69 = tpu.memref_slice %arg4[%dma_start3A_67, %dma_start3A_68] : memref<10000x128xf32, #tpu.memory_space<hbm>> -> memref<10000x128xf32, #tpu.memory_space<hbm>>
          tpu.enqueue_indirect_dma source(%dma_start3A_69 : memref<10000x128xf32, #tpu.memory_space<hbm>>) target(%arg9 : memref<128x128xf32, #tpu.memory_space<vmem>>) offsets(%dma_start3A_66 : memref<128xi32, #tpu.memory_space<vmem>>) semaphore(%arg12 : memref<!tpu.dma_semaphore, #tpu.memory_space<semaphore_mem>>)
        } else {
        }
        %add3A_52 = arith.constant 1 : i32
        %add3A_53 = arith.addi %mul3A_34, %add3A_52 : i32
        %dma_wait3A_54 = arith.constant 0 : i32
        %dma_wait3A_55 = tpu.memref_slice %arg7[%add3A_53, %dma_wait3A_54] : memref<48x128xi32, #tpu.memory_space<vmem>> -> memref<1x128xi32, #tpu.memory_space<vmem>>
        %dma_wait3A_56 = tpu.memref_squeeze %dma_wait3A_55 : memref<1x128xi32, #tpu.memory_space<vmem>> -> memref<128xi32, #tpu.memory_space<vmem>>
        %dma_wait3A_57 = arith.constant 0 : i32
        %dma_wait3A_58 = arith.constant 0 : i32
        %dma_wait3A_59 = tpu.memref_slice %arg4[%dma_wait3A_57, %dma_wait3A_58] : memref<10000x128xf32, #tpu.memory_space<hbm>> -> memref<10000x128xf32, #tpu.memory_space<hbm>>
        tpu.wait_indirect_dma semaphore(%arg13 : memref<!tpu.dma_semaphore, #tpu.memory_space<semaphore_mem>>) src(%dma_wait3A_59 : memref<10000x128xf32, #tpu.memory_space<hbm>>) dst(%arg10 : memref<128x128xf32, #tpu.memory_space<vmem>>)
        %add3A_60 = arith.constant 1 : i32
        %add3A_61 = arith.addi %mul3A_34, %add3A_60 : i32
        "tpu.region"() ({
          %run_scoped3A = tpu.sem_alloc : memref<!tpu.dma_semaphore, #tpu.memory_space<semaphore_mem>>
          %dma_start3A_62 = arith.constant 0 : i32
          %dma_start3A_63 = tpu.memref_slice %arg8[%add3A_61, %dma_start3A_62] : memref<48x128xi32, #tpu.memory_space<vmem>> -> memref<1x128xi32, #tpu.memory_space<vmem>>
          %dma_start3A_64 = tpu.memref_squeeze %dma_start3A_63 : memref<1x128xi32, #tpu.memory_space<vmem>> -> memref<128xi32, #tpu.memory_space<vmem>>
          %dma_start3A_65 = arith.constant 0 : i32
          %dma_start3A_66 = arith.constant 0 : i32
          %dma_start3A_67 = tpu.memref_slice %arg11[%dma_start3A_65, %dma_start3A_66] : memref<10240x128xf32, #tpu.memory_space<vmem_shared>> -> memref<10240x128xf32, #tpu.memory_space<vmem_shared>>
          tpu.enqueue_indirect_dma source(%arg10 : memref<128x128xf32, #tpu.memory_space<vmem>>) target(%dma_start3A_67 : memref<10240x128xf32, #tpu.memory_space<vmem_shared>>) offsets(%dma_start3A_64 : memref<128xi32, #tpu.memory_space<vmem>>) semaphore(%run_scoped3A : memref<!tpu.dma_semaphore, #tpu.memory_space<semaphore_mem>>) {add = true}
          %dma_wait3A_68 = arith.constant 0 : i32
          %dma_wait3A_69 = tpu.memref_slice %arg8[%add3A_61, %dma_wait3A_68] : memref<48x128xi32, #tpu.memory_space<vmem>> -> memref<1x128xi32, #tpu.memory_space<vmem>>
          %dma_wait3A_70 = tpu.memref_squeeze %dma_wait3A_69 : memref<1x128xi32, #tpu.memory_space<vmem>> -> memref<128xi32, #tpu.memory_space<vmem>>
          %dma_wait3A_71 = arith.constant 0 : i32
          %dma_wait3A_72 = arith.constant 0 : i32
          %dma_wait3A_73 = tpu.memref_slice %arg11[%dma_wait3A_71, %dma_wait3A_72] : memref<10240x128xf32, #tpu.memory_space<vmem_shared>> -> memref<10240x128xf32, #tpu.memory_space<vmem_shared>>
          tpu.wait_indirect_dma semaphore(%run_scoped3A : memref<!tpu.dma_semaphore, #tpu.memory_space<semaphore_mem>>) src(%arg10 : memref<128x128xf32, #tpu.memory_space<vmem>>) dst(%dma_wait3A_73 : memref<10240x128xf32, #tpu.memory_space<vmem_shared>>)
          tpu.yield
        }) : () -> ()
      }
      %scan3A_31 = arith.constant 8 : i32
    } else {
    }
    %barrier3A_8 = arith.constant 0 : index
    tpu.barrier barrier_id(%barrier3A_8)
    %mul3A_9 = arith.constant 640 : i32
    %mul3A_10 = arith.muli %arg1, %mul3A_9 : i32
    %mul3A_11 = arith.constant 10240 : i32
    %mul3A_12 = arith.muli %arg0, %mul3A_11 : i32
    %mul3A_13 = arith.constant 640 : i32
    %mul3A_14 = arith.muli %arg1, %mul3A_13 : i32
    %add3A = arith.addi %mul3A_12, %mul3A_14 : i32
    "tpu.region"() ({
      %run_scoped3A = tpu.sem_alloc : memref<!tpu.dma_semaphore, #tpu.memory_space<semaphore_mem>>
      %dma_start3A = arith.constant 0 : i32
      %dma_start3A_15 = tpu.memref_slice %arg6[%add3A, %dma_start3A] : memref<20480x128xf32, #tpu.memory_space<hbm>> -> memref<640x128xf32, #tpu.memory_space<hbm>>
      %dma_start3A_16 = arith.constant 0 : i32
      %dma_start3A_17 = tpu.memref_slice %arg11[%mul3A_10, %dma_start3A_16] : memref<10240x128xf32, #tpu.memory_space<vmem_shared>> -> memref<640x128xf32, #tpu.memory_space<vmem_shared>>
      tpu.enqueue_dma source(%dma_start3A_17 : memref<640x128xf32, #tpu.memory_space<vmem_shared>>) target(%dma_start3A_15 : memref<640x128xf32, #tpu.memory_space<hbm>>) target_semaphore(%run_scoped3A : memref<!tpu.dma_semaphore, #tpu.memory_space<semaphore_mem>>)
      %dma_wait3A = arith.constant 0 : i32
      %dma_wait3A_18 = tpu.memref_slice %arg6[%add3A, %dma_wait3A] : memref<20480x128xf32, #tpu.memory_space<hbm>> -> memref<640x128xf32, #tpu.memory_space<hbm>>
      %dma_wait3A_19 = arith.constant 0 : i32
      %dma_wait3A_20 = tpu.memref_slice %arg11[%mul3A_10, %dma_wait3A_19] : memref<10240x128xf32, #tpu.memory_space<vmem_shared>> -> memref<640x128xf32, #tpu.memory_space<vmem_shared>>
      tpu.wait_dma2 semaphore(%run_scoped3A : memref<!tpu.dma_semaphore, #tpu.memory_space<semaphore_mem>>) src(%dma_wait3A_20 : memref<640x128xf32, #tpu.memory_space<vmem_shared>>) dst(%dma_wait3A_18 : memref<640x128xf32, #tpu.memory_space<hbm>>)
      tpu.yield
    }) : () -> ()
    return
  }
}

#map = affine_map<(d0, d1) -> (0, 0)>
module attributes {stable_mosaic.version = 14 : i64} {
  func.func @_segsum_body(%arg0: i32, %arg1: i32, %arg2: memref<2560x128xi32, #tpu.memory_space<hbm>>, %arg3: memref<2560x128xi32, #tpu.memory_space<hbm>>, %arg4: memref<10000x128xf32, #tpu.memory_space<hbm>>, %arg5: memref<640x128xf32, #tpu.memory_space<hbm>>, %arg6: memref<20480x128xf32, #tpu.memory_space<hbm>>, %arg7: memref<48x128xi32, #tpu.memory_space<vmem>>, %arg8: memref<48x128xi32, #tpu.memory_space<vmem>>, %arg9: memref<128x128xf32, #tpu.memory_space<vmem>>, %arg10: memref<128x128xf32, #tpu.memory_space<vmem>>, %arg11: memref<10240x128xf32, #tpu.memory_space<vmem_shared>>, %arg12: memref<!tpu.dma_semaphore, #tpu.memory_space<semaphore_mem>>, %arg13: memref<!tpu.dma_semaphore, #tpu.memory_space<semaphore_mem>>) attributes {dimension_semantics = [#tpu.dimension_semantics<core_parallel>, #tpu.dimension_semantics<subcore_parallel>], iteration_bounds = array<i64: 2, 16>, scalar_prefetch = 0 : i64, scratch_operands = 7 : i64, tpu.core_type = #tpu.core_type<sc_vector_subcore>, window_params = [{transform_indices = #map}, {transform_indices = #map}, {transform_indices = #map}, {transform_indices = #map}, {transform_indices = #map}]} {
    %mul3A = arith.constant 640 : i32
    %mul3A_0 = arith.muli %arg1, %mul3A : i32
    "tpu.region"() ({
      %run_scoped3A = tpu.sem_alloc : memref<!tpu.dma_semaphore, #tpu.memory_space<semaphore_mem>>
      %dma_start3A = arith.constant 0 : i32
      %dma_start3A_15 = tpu.memref_slice %arg11[%mul3A_0, %dma_start3A] : memref<10240x128xf32, #tpu.memory_space<vmem_shared>> -> memref<640x128xf32, #tpu.memory_space<vmem_shared>>
      tpu.enqueue_dma source(%arg5 : memref<640x128xf32, #tpu.memory_space<hbm>>) target(%dma_start3A_15 : memref<640x128xf32, #tpu.memory_space<vmem_shared>>) target_semaphore(%run_scoped3A : memref<!tpu.dma_semaphore, #tpu.memory_space<semaphore_mem>>)
      %dma_wait3A = arith.constant 0 : i32
      %dma_wait3A_16 = tpu.memref_slice %arg11[%mul3A_0, %dma_wait3A] : memref<10240x128xf32, #tpu.memory_space<vmem_shared>> -> memref<640x128xf32, #tpu.memory_space<vmem_shared>>
      tpu.wait_dma2 semaphore(%run_scoped3A : memref<!tpu.dma_semaphore, #tpu.memory_space<semaphore_mem>>) src(%arg5 : memref<640x128xf32, #tpu.memory_space<hbm>>) dst(%dma_wait3A_16 : memref<640x128xf32, #tpu.memory_space<vmem_shared>>)
      tpu.yield
    }) : () -> ()
    %barrier3A = arith.constant 0 : index
    tpu.barrier barrier_id(%barrier3A)
    %eq3A = arith.constant 0 : i32
    %eq3A_1 = arith.cmpi eq, %arg0, %eq3A : i32
    %convert_element_type3A = arith.extui %eq3A_1 : i1 to i32
    %cond3A = arith.constant 0 : i32
    %cond3A_2 = arith.cmpi ne, %convert_element_type3A, %cond3A : i32
    scf.if %cond3A_2 {
      %mul3A_15 = arith.constant 144 : i32
      %mul3A_16 = arith.muli %arg1, %mul3A_15 : i32
      %add3A_17 = arith.constant 0 : i32
      %add3A_18 = arith.addi %mul3A_16, %add3A_17 : i32
      "tpu.region"() ({
        %run_scoped3A = tpu.sem_alloc : memref<!tpu.dma_semaphore, #tpu.memory_space<semaphore_mem>>
        %dma_start3A_60 = arith.constant 0 : i32
        %dma_start3A_61 = arith.constant 0 : i32
        %dma_start3A_62 = tpu.memref_slice %arg7[%dma_start3A_60, %dma_start3A_61] : memref<48x128xi32, #tpu.memory_space<vmem>> -> memref<48x128xi32, #tpu.memory_space<vmem>>
        %dma_start3A_63 = arith.constant 0 : i32
        %dma_start3A_64 = tpu.memref_slice %arg2[%add3A_18, %dma_start3A_63] : memref<2560x128xi32, #tpu.memory_space<hbm>> -> memref<48x128xi32, #tpu.memory_space<hbm>>
        %dma_start3A_65 = arith.constant 0 : i32
        %dma_start3A_66 = arith.constant 0 : i32
        %dma_start3A_67 = tpu.memref_slice %arg7[%dma_start3A_65, %dma_start3A_66] : memref<48x128xi32, #tpu.memory_space<vmem>> -> memref<48x128xi32, #tpu.memory_space<vmem>>
        %dma_start3A_68 = arith.constant 0 : i32
        %dma_start3A_69 = tpu.memref_slice %arg2[%add3A_18, %dma_start3A_68] : memref<2560x128xi32, #tpu.memory_space<hbm>> -> memref<48x128xi32, #tpu.memory_space<hbm>>
        tpu.enqueue_dma source(%dma_start3A_69 : memref<48x128xi32, #tpu.memory_space<hbm>>) target(%dma_start3A_67 : memref<48x128xi32, #tpu.memory_space<vmem>>) target_semaphore(%run_scoped3A : memref<!tpu.dma_semaphore, #tpu.memory_space<semaphore_mem>>)
        %dma_wait3A = arith.constant 0 : i32
        %dma_wait3A_70 = arith.constant 0 : i32
        %dma_wait3A_71 = tpu.memref_slice %arg7[%dma_wait3A, %dma_wait3A_70] : memref<48x128xi32, #tpu.memory_space<vmem>> -> memref<48x128xi32, #tpu.memory_space<vmem>>
        %dma_wait3A_72 = arith.constant 0 : i32
        %dma_wait3A_73 = tpu.memref_slice %arg2[%add3A_18, %dma_wait3A_72] : memref<2560x128xi32, #tpu.memory_space<hbm>> -> memref<48x128xi32, #tpu.memory_space<hbm>>
        %dma_wait3A_74 = arith.constant 0 : i32
        %dma_wait3A_75 = arith.constant 0 : i32
        %dma_wait3A_76 = tpu.memref_slice %arg7[%dma_wait3A_74, %dma_wait3A_75] : memref<48x128xi32, #tpu.memory_space<vmem>> -> memref<48x128xi32, #tpu.memory_space<vmem>>
        %dma_wait3A_77 = arith.constant 0 : i32
        %dma_wait3A_78 = tpu.memref_slice %arg2[%add3A_18, %dma_wait3A_77] : memref<2560x128xi32, #tpu.memory_space<hbm>> -> memref<48x128xi32, #tpu.memory_space<hbm>>
        tpu.wait_dma2 semaphore(%run_scoped3A : memref<!tpu.dma_semaphore, #tpu.memory_space<semaphore_mem>>) src(%dma_wait3A_78 : memref<48x128xi32, #tpu.memory_space<hbm>>) dst(%dma_wait3A_76 : memref<48x128xi32, #tpu.memory_space<vmem>>)
        tpu.yield
      }) : () -> ()
      "tpu.region"() ({
        %run_scoped3A = tpu.sem_alloc : memref<!tpu.dma_semaphore, #tpu.memory_space<semaphore_mem>>
        %dma_start3A_60 = arith.constant 0 : i32
        %dma_start3A_61 = arith.constant 0 : i32
        %dma_start3A_62 = tpu.memref_slice %arg8[%dma_start3A_60, %dma_start3A_61] : memref<48x128xi32, #tpu.memory_space<vmem>> -> memref<48x128xi32, #tpu.memory_space<vmem>>
        %dma_start3A_63 = arith.constant 0 : i32
        %dma_start3A_64 = tpu.memref_slice %arg3[%add3A_18, %dma_start3A_63] : memref<2560x128xi32, #tpu.memory_space<hbm>> -> memref<48x128xi32, #tpu.memory_space<hbm>>
        %dma_start3A_65 = arith.constant 0 : i32
        %dma_start3A_66 = arith.constant 0 : i32
        %dma_start3A_67 = tpu.memref_slice %arg8[%dma_start3A_65, %dma_start3A_66] : memref<48x128xi32, #tpu.memory_space<vmem>> -> memref<48x128xi32, #tpu.memory_space<vmem>>
        %dma_start3A_68 = arith.constant 0 : i32
        %dma_start3A_69 = tpu.memref_slice %arg3[%add3A_18, %dma_start3A_68] : memref<2560x128xi32, #tpu.memory_space<hbm>> -> memref<48x128xi32, #tpu.memory_space<hbm>>
        tpu.enqueue_dma source(%dma_start3A_69 : memref<48x128xi32, #tpu.memory_space<hbm>>) target(%dma_start3A_67 : memref<48x128xi32, #tpu.memory_space<vmem>>) target_semaphore(%run_scoped3A : memref<!tpu.dma_semaphore, #tpu.memory_space<semaphore_mem>>)
        %dma_wait3A = arith.constant 0 : i32
        %dma_wait3A_70 = arith.constant 0 : i32
        %dma_wait3A_71 = tpu.memref_slice %arg8[%dma_wait3A, %dma_wait3A_70] : memref<48x128xi32, #tpu.memory_space<vmem>> -> memref<48x128xi32, #tpu.memory_space<vmem>>
        %dma_wait3A_72 = arith.constant 0 : i32
        %dma_wait3A_73 = tpu.memref_slice %arg3[%add3A_18, %dma_wait3A_72] : memref<2560x128xi32, #tpu.memory_space<hbm>> -> memref<48x128xi32, #tpu.memory_space<hbm>>
        %dma_wait3A_74 = arith.constant 0 : i32
        %dma_wait3A_75 = arith.constant 0 : i32
        %dma_wait3A_76 = tpu.memref_slice %arg8[%dma_wait3A_74, %dma_wait3A_75] : memref<48x128xi32, #tpu.memory_space<vmem>> -> memref<48x128xi32, #tpu.memory_space<vmem>>
        %dma_wait3A_77 = arith.constant 0 : i32
        %dma_wait3A_78 = tpu.memref_slice %arg3[%add3A_18, %dma_wait3A_77] : memref<2560x128xi32, #tpu.memory_space<hbm>> -> memref<48x128xi32, #tpu.memory_space<hbm>>
        tpu.wait_dma2 semaphore(%run_scoped3A : memref<!tpu.dma_semaphore, #tpu.memory_space<semaphore_mem>>) src(%dma_wait3A_78 : memref<48x128xi32, #tpu.memory_space<hbm>>) dst(%dma_wait3A_76 : memref<48x128xi32, #tpu.memory_space<vmem>>)
        tpu.yield
      }) : () -> ()
      %dma_start3A = arith.constant 0 : i32
      %dma_start3A_19 = arith.constant 0 : i32
      %dma_start3A_20 = tpu.memref_slice %arg7[%dma_start3A, %dma_start3A_19] : memref<48x128xi32, #tpu.memory_space<vmem>> -> memref<1x128xi32, #tpu.memory_space<vmem>>
      %dma_start3A_21 = tpu.memref_squeeze %dma_start3A_20 : memref<1x128xi32, #tpu.memory_space<vmem>> -> memref<128xi32, #tpu.memory_space<vmem>>
      %dma_start3A_22 = arith.constant 0 : i32
      %dma_start3A_23 = arith.constant 0 : i32
      %dma_start3A_24 = tpu.memref_slice %arg4[%dma_start3A_22, %dma_start3A_23] : memref<10000x128xf32, #tpu.memory_space<hbm>> -> memref<10000x128xf32, #tpu.memory_space<hbm>>
      tpu.enqueue_indirect_dma source(%dma_start3A_24 : memref<10000x128xf32, #tpu.memory_space<hbm>>) target(%arg9 : memref<128x128xf32, #tpu.memory_space<vmem>>) offsets(%dma_start3A_21 : memref<128xi32, #tpu.memory_space<vmem>>) semaphore(%arg12 : memref<!tpu.dma_semaphore, #tpu.memory_space<semaphore_mem>>)
      %scan3A = arith.constant 0 : i32
      %scan3A_25 = arith.constant 0 : i32
      %scan3A_26 = arith.constant 24 : i32
      %scan3A_27 = arith.addi %scan3A_25, %scan3A_26 : i32
      %scan3A_28 = arith.constant 1 : i32
      scf.for %scan3A_60 = %scan3A_25 to %scan3A_27 step %scan3A_28  : i32 {
        %mul3A_61 = arith.constant 2 : i32
        %mul3A_62 = arith.muli %mul3A_61, %scan3A_60 : i32
        %add3A_63 = arith.constant 1 : i32
        %add3A_64 = arith.addi %mul3A_62, %add3A_63 : i32
        %dma_start3A_65 = arith.constant 0 : i32
        %dma_start3A_66 = tpu.memref_slice %arg7[%add3A_64, %dma_start3A_65] : memref<48x128xi32, #tpu.memory_space<vmem>> -> memref<1x128xi32, #tpu.memory_space<vmem>>
        %dma_start3A_67 = tpu.memref_squeeze %dma_start3A_66 : memref<1x128xi32, #tpu.memory_space<vmem>> -> memref<128xi32, #tpu.memory_space<vmem>>
        %dma_start3A_68 = arith.constant 0 : i32
        %dma_start3A_69 = arith.constant 0 : i32
        %dma_start3A_70 = tpu.memref_slice %arg4[%dma_start3A_68, %dma_start3A_69] : memref<10000x128xf32, #tpu.memory_space<hbm>> -> memref<10000x128xf32, #tpu.memory_space<hbm>>
        tpu.enqueue_indirect_dma source(%dma_start3A_70 : memref<10000x128xf32, #tpu.memory_space<hbm>>) target(%arg10 : memref<128x128xf32, #tpu.memory_space<vmem>>) offsets(%dma_start3A_67 : memref<128xi32, #tpu.memory_space<vmem>>) semaphore(%arg13 : memref<!tpu.dma_semaphore, #tpu.memory_space<semaphore_mem>>)
        %dma_wait3A = arith.constant 0 : i32
        %dma_wait3A_71 = tpu.memref_slice %arg7[%mul3A_62, %dma_wait3A] : memref<48x128xi32, #tpu.memory_space<vmem>> -> memref<1x128xi32, #tpu.memory_space<vmem>>
        %dma_wait3A_72 = tpu.memref_squeeze %dma_wait3A_71 : memref<1x128xi32, #tpu.memory_space<vmem>> -> memref<128xi32, #tpu.memory_space<vmem>>
        %dma_wait3A_73 = arith.constant 0 : i32
        %dma_wait3A_74 = arith.constant 0 : i32
        %dma_wait3A_75 = tpu.memref_slice %arg4[%dma_wait3A_73, %dma_wait3A_74] : memref<10000x128xf32, #tpu.memory_space<hbm>> -> memref<10000x128xf32, #tpu.memory_space<hbm>>
        tpu.wait_indirect_dma semaphore(%arg12 : memref<!tpu.dma_semaphore, #tpu.memory_space<semaphore_mem>>) src(%dma_wait3A_75 : memref<10000x128xf32, #tpu.memory_space<hbm>>) dst(%arg9 : memref<128x128xf32, #tpu.memory_space<vmem>>)
        "tpu.region"() ({
          %run_scoped3A = tpu.sem_alloc : memref<!tpu.dma_semaphore, #tpu.memory_space<semaphore_mem>>
          %dma_start3A_90 = arith.constant 0 : i32
          %dma_start3A_91 = tpu.memref_slice %arg8[%mul3A_62, %dma_start3A_90] : memref<48x128xi32, #tpu.memory_space<vmem>> -> memref<1x128xi32, #tpu.memory_space<vmem>>
          %dma_start3A_92 = tpu.memref_squeeze %dma_start3A_91 : memref<1x128xi32, #tpu.memory_space<vmem>> -> memref<128xi32, #tpu.memory_space<vmem>>
          %dma_start3A_93 = arith.constant 0 : i32
          %dma_start3A_94 = arith.constant 0 : i32
          %dma_start3A_95 = tpu.memref_slice %arg11[%dma_start3A_93, %dma_start3A_94] : memref<10240x128xf32, #tpu.memory_space<vmem_shared>> -> memref<10240x128xf32, #tpu.memory_space<vmem_shared>>
          tpu.enqueue_indirect_dma source(%arg9 : memref<128x128xf32, #tpu.memory_space<vmem>>) target(%dma_start3A_95 : memref<10240x128xf32, #tpu.memory_space<vmem_shared>>) offsets(%dma_start3A_92 : memref<128xi32, #tpu.memory_space<vmem>>) semaphore(%run_scoped3A : memref<!tpu.dma_semaphore, #tpu.memory_space<semaphore_mem>>) {add = true}
          %dma_wait3A_96 = arith.constant 0 : i32
          %dma_wait3A_97 = tpu.memref_slice %arg8[%mul3A_62, %dma_wait3A_96] : memref<48x128xi32, #tpu.memory_space<vmem>> -> memref<1x128xi32, #tpu.memory_space<vmem>>
          %dma_wait3A_98 = tpu.memref_squeeze %dma_wait3A_97 : memref<1x128xi32, #tpu.memory_space<vmem>> -> memref<128xi32, #tpu.memory_space<vmem>>
          %dma_wait3A_99 = arith.constant 0 : i32
          %dma_wait3A_100 = arith.constant 0 : i32
          %dma_wait3A_101 = tpu.memref_slice %arg11[%dma_wait3A_99, %dma_wait3A_100] : memref<10240x128xf32, #tpu.memory_space<vmem_shared>> -> memref<10240x128xf32, #tpu.memory_space<vmem_shared>>
          tpu.wait_indirect_dma semaphore(%run_scoped3A : memref<!tpu.dma_semaphore, #tpu.memory_space<semaphore_mem>>) src(%arg9 : memref<128x128xf32, #tpu.memory_space<vmem>>) dst(%dma_wait3A_101 : memref<10240x128xf32, #tpu.memory_space<vmem_shared>>)
          tpu.yield
        }) : () -> ()
        %lt3A = arith.constant 23 : i32
        %lt3A_76 = arith.cmpi slt, %scan3A_60, %lt3A : i32
        %convert_element_type3A_77 = arith.extui %lt3A_76 : i1 to i32
        %cond3A_78 = arith.constant 0 : i32
        %cond3A_79 = arith.cmpi ne, %convert_element_type3A_77, %cond3A_78 : i32
        scf.if %cond3A_79 {
          %add3A_90 = arith.constant 2 : i32
          %add3A_91 = arith.addi %mul3A_62, %add3A_90 : i32
          %dma_start3A_92 = arith.constant 0 : i32
          %dma_start3A_93 = tpu.memref_slice %arg7[%add3A_91, %dma_start3A_92] : memref<48x128xi32, #tpu.memory_space<vmem>> -> memref<1x128xi32, #tpu.memory_space<vmem>>
          %dma_start3A_94 = tpu.memref_squeeze %dma_start3A_93 : memref<1x128xi32, #tpu.memory_space<vmem>> -> memref<128xi32, #tpu.memory_space<vmem>>
          %dma_start3A_95 = arith.constant 0 : i32
          %dma_start3A_96 = arith.constant 0 : i32
          %dma_start3A_97 = tpu.memref_slice %arg4[%dma_start3A_95, %dma_start3A_96] : memref<10000x128xf32, #tpu.memory_space<hbm>> -> memref<10000x128xf32, #tpu.memory_space<hbm>>
          tpu.enqueue_indirect_dma source(%dma_start3A_97 : memref<10000x128xf32, #tpu.memory_space<hbm>>) target(%arg9 : memref<128x128xf32, #tpu.memory_space<vmem>>) offsets(%dma_start3A_94 : memref<128xi32, #tpu.memory_space<vmem>>) semaphore(%arg12 : memref<!tpu.dma_semaphore, #tpu.memory_space<semaphore_mem>>)
        } else {
        }
        %add3A_80 = arith.constant 1 : i32
        %add3A_81 = arith.addi %mul3A_62, %add3A_80 : i32
        %dma_wait3A_82 = arith.constant 0 : i32
        %dma_wait3A_83 = tpu.memref_slice %arg7[%add3A_81, %dma_wait3A_82] : memref<48x128xi32, #tpu.memory_space<vmem>> -> memref<1x128xi32, #tpu.memory_space<vmem>>
        %dma_wait3A_84 = tpu.memref_squeeze %dma_wait3A_83 : memref<1x128xi32, #tpu.memory_space<vmem>> -> memref<128xi32, #tpu.memory_space<vmem>>
        %dma_wait3A_85 = arith.constant 0 : i32
        %dma_wait3A_86 = arith.constant 0 : i32
        %dma_wait3A_87 = tpu.memref_slice %arg4[%dma_wait3A_85, %dma_wait3A_86] : memref<10000x128xf32, #tpu.memory_space<hbm>> -> memref<10000x128xf32, #tpu.memory_space<hbm>>
        tpu.wait_indirect_dma semaphore(%arg13 : memref<!tpu.dma_semaphore, #tpu.memory_space<semaphore_mem>>) src(%dma_wait3A_87 : memref<10000x128xf32, #tpu.memory_space<hbm>>) dst(%arg10 : memref<128x128xf32, #tpu.memory_space<vmem>>)
        %add3A_88 = arith.constant 1 : i32
        %add3A_89 = arith.addi %mul3A_62, %add3A_88 : i32
        "tpu.region"() ({
          %run_scoped3A = tpu.sem_alloc : memref<!tpu.dma_semaphore, #tpu.memory_space<semaphore_mem>>
          %dma_start3A_90 = arith.constant 0 : i32
          %dma_start3A_91 = tpu.memref_slice %arg8[%add3A_89, %dma_start3A_90] : memref<48x128xi32, #tpu.memory_space<vmem>> -> memref<1x128xi32, #tpu.memory_space<vmem>>
          %dma_start3A_92 = tpu.memref_squeeze %dma_start3A_91 : memref<1x128xi32, #tpu.memory_space<vmem>> -> memref<128xi32, #tpu.memory_space<vmem>>
          %dma_start3A_93 = arith.constant 0 : i32
          %dma_start3A_94 = arith.constant 0 : i32
          %dma_start3A_95 = tpu.memref_slice %arg11[%dma_start3A_93, %dma_start3A_94] : memref<10240x128xf32, #tpu.memory_space<vmem_shared>> -> memref<10240x128xf32, #tpu.memory_space<vmem_shared>>
          tpu.enqueue_indirect_dma source(%arg10 : memref<128x128xf32, #tpu.memory_space<vmem>>) target(%dma_start3A_95 : memref<10240x128xf32, #tpu.memory_space<vmem_shared>>) offsets(%dma_start3A_92 : memref<128xi32, #tpu.memory_space<vmem>>) semaphore(%run_scoped3A : memref<!tpu.dma_semaphore, #tpu.memory_space<semaphore_mem>>) {add = true}
          %dma_wait3A_96 = arith.constant 0 : i32
          %dma_wait3A_97 = tpu.memref_slice %arg8[%add3A_89, %dma_wait3A_96] : memref<48x128xi32, #tpu.memory_space<vmem>> -> memref<1x128xi32, #tpu.memory_space<vmem>>
          %dma_wait3A_98 = tpu.memref_squeeze %dma_wait3A_97 : memref<1x128xi32, #tpu.memory_space<vmem>> -> memref<128xi32, #tpu.memory_space<vmem>>
          %dma_wait3A_99 = arith.constant 0 : i32
          %dma_wait3A_100 = arith.constant 0 : i32
          %dma_wait3A_101 = tpu.memref_slice %arg11[%dma_wait3A_99, %dma_wait3A_100] : memref<10240x128xf32, #tpu.memory_space<vmem_shared>> -> memref<10240x128xf32, #tpu.memory_space<vmem_shared>>
          tpu.wait_indirect_dma semaphore(%run_scoped3A : memref<!tpu.dma_semaphore, #tpu.memory_space<semaphore_mem>>) src(%arg10 : memref<128x128xf32, #tpu.memory_space<vmem>>) dst(%dma_wait3A_101 : memref<10240x128xf32, #tpu.memory_space<vmem_shared>>)
          tpu.yield
        }) : () -> ()
      }
      %scan3A_29 = arith.constant 24 : i32
      %add3A_30 = arith.constant 48 : i32
      %add3A_31 = arith.addi %mul3A_16, %add3A_30 : i32
      "tpu.region"() ({
        %run_scoped3A = tpu.sem_alloc : memref<!tpu.dma_semaphore, #tpu.memory_space<semaphore_mem>>
        %dma_start3A_60 = arith.constant 0 : i32
        %dma_start3A_61 = arith.constant 0 : i32
        %dma_start3A_62 = tpu.memref_slice %arg7[%dma_start3A_60, %dma_start3A_61] : memref<48x128xi32, #tpu.memory_space<vmem>> -> memref<48x128xi32, #tpu.memory_space<vmem>>
        %dma_start3A_63 = arith.constant 0 : i32
        %dma_start3A_64 = tpu.memref_slice %arg2[%add3A_31, %dma_start3A_63] : memref<2560x128xi32, #tpu.memory_space<hbm>> -> memref<48x128xi32, #tpu.memory_space<hbm>>
        %dma_start3A_65 = arith.constant 0 : i32
        %dma_start3A_66 = arith.constant 0 : i32
        %dma_start3A_67 = tpu.memref_slice %arg7[%dma_start3A_65, %dma_start3A_66] : memref<48x128xi32, #tpu.memory_space<vmem>> -> memref<48x128xi32, #tpu.memory_space<vmem>>
        %dma_start3A_68 = arith.constant 0 : i32
        %dma_start3A_69 = tpu.memref_slice %arg2[%add3A_31, %dma_start3A_68] : memref<2560x128xi32, #tpu.memory_space<hbm>> -> memref<48x128xi32, #tpu.memory_space<hbm>>
        tpu.enqueue_dma source(%dma_start3A_69 : memref<48x128xi32, #tpu.memory_space<hbm>>) target(%dma_start3A_67 : memref<48x128xi32, #tpu.memory_space<vmem>>) target_semaphore(%run_scoped3A : memref<!tpu.dma_semaphore, #tpu.memory_space<semaphore_mem>>)
        %dma_wait3A = arith.constant 0 : i32
        %dma_wait3A_70 = arith.constant 0 : i32
        %dma_wait3A_71 = tpu.memref_slice %arg7[%dma_wait3A, %dma_wait3A_70] : memref<48x128xi32, #tpu.memory_space<vmem>> -> memref<48x128xi32, #tpu.memory_space<vmem>>
        %dma_wait3A_72 = arith.constant 0 : i32
        %dma_wait3A_73 = tpu.memref_slice %arg2[%add3A_31, %dma_wait3A_72] : memref<2560x128xi32, #tpu.memory_space<hbm>> -> memref<48x128xi32, #tpu.memory_space<hbm>>
        %dma_wait3A_74 = arith.constant 0 : i32
        %dma_wait3A_75 = arith.constant 0 : i32
        %dma_wait3A_76 = tpu.memref_slice %arg7[%dma_wait3A_74, %dma_wait3A_75] : memref<48x128xi32, #tpu.memory_space<vmem>> -> memref<48x128xi32, #tpu.memory_space<vmem>>
        %dma_wait3A_77 = arith.constant 0 : i32
        %dma_wait3A_78 = tpu.memref_slice %arg2[%add3A_31, %dma_wait3A_77] : memref<2560x128xi32, #tpu.memory_space<hbm>> -> memref<48x128xi32, #tpu.memory_space<hbm>>
        tpu.wait_dma2 semaphore(%run_scoped3A : memref<!tpu.dma_semaphore, #tpu.memory_space<semaphore_mem>>) src(%dma_wait3A_78 : memref<48x128xi32, #tpu.memory_space<hbm>>) dst(%dma_wait3A_76 : memref<48x128xi32, #tpu.memory_space<vmem>>)
        tpu.yield
      }) : () -> ()
      "tpu.region"() ({
        %run_scoped3A = tpu.sem_alloc : memref<!tpu.dma_semaphore, #tpu.memory_space<semaphore_mem>>
        %dma_start3A_60 = arith.constant 0 : i32
        %dma_start3A_61 = arith.constant 0 : i32
        %dma_start3A_62 = tpu.memref_slice %arg8[%dma_start3A_60, %dma_start3A_61] : memref<48x128xi32, #tpu.memory_space<vmem>> -> memref<48x128xi32, #tpu.memory_space<vmem>>
        %dma_start3A_63 = arith.constant 0 : i32
        %dma_start3A_64 = tpu.memref_slice %arg3[%add3A_31, %dma_start3A_63] : memref<2560x128xi32, #tpu.memory_space<hbm>> -> memref<48x128xi32, #tpu.memory_space<hbm>>
        %dma_start3A_65 = arith.constant 0 : i32
        %dma_start3A_66 = arith.constant 0 : i32
        %dma_start3A_67 = tpu.memref_slice %arg8[%dma_start3A_65, %dma_start3A_66] : memref<48x128xi32, #tpu.memory_space<vmem>> -> memref<48x128xi32, #tpu.memory_space<vmem>>
        %dma_start3A_68 = arith.constant 0 : i32
        %dma_start3A_69 = tpu.memref_slice %arg3[%add3A_31, %dma_start3A_68] : memref<2560x128xi32, #tpu.memory_space<hbm>> -> memref<48x128xi32, #tpu.memory_space<hbm>>
        tpu.enqueue_dma source(%dma_start3A_69 : memref<48x128xi32, #tpu.memory_space<hbm>>) target(%dma_start3A_67 : memref<48x128xi32, #tpu.memory_space<vmem>>) target_semaphore(%run_scoped3A : memref<!tpu.dma_semaphore, #tpu.memory_space<semaphore_mem>>)
        %dma_wait3A = arith.constant 0 : i32
        %dma_wait3A_70 = arith.constant 0 : i32
        %dma_wait3A_71 = tpu.memref_slice %arg8[%dma_wait3A, %dma_wait3A_70] : memref<48x128xi32, #tpu.memory_space<vmem>> -> memref<48x128xi32, #tpu.memory_space<vmem>>
        %dma_wait3A_72 = arith.constant 0 : i32
        %dma_wait3A_73 = tpu.memref_slice %arg3[%add3A_31, %dma_wait3A_72] : memref<2560x128xi32, #tpu.memory_space<hbm>> -> memref<48x128xi32, #tpu.memory_space<hbm>>
        %dma_wait3A_74 = arith.constant 0 : i32
        %dma_wait3A_75 = arith.constant 0 : i32
        %dma_wait3A_76 = tpu.memref_slice %arg8[%dma_wait3A_74, %dma_wait3A_75] : memref<48x128xi32, #tpu.memory_space<vmem>> -> memref<48x128xi32, #tpu.memory_space<vmem>>
        %dma_wait3A_77 = arith.constant 0 : i32
        %dma_wait3A_78 = tpu.memref_slice %arg3[%add3A_31, %dma_wait3A_77] : memref<2560x128xi32, #tpu.memory_space<hbm>> -> memref<48x128xi32, #tpu.memory_space<hbm>>
        tpu.wait_dma2 semaphore(%run_scoped3A : memref<!tpu.dma_semaphore, #tpu.memory_space<semaphore_mem>>) src(%dma_wait3A_78 : memref<48x128xi32, #tpu.memory_space<hbm>>) dst(%dma_wait3A_76 : memref<48x128xi32, #tpu.memory_space<vmem>>)
        tpu.yield
      }) : () -> ()
      %dma_start3A_32 = arith.constant 0 : i32
      %dma_start3A_33 = arith.constant 0 : i32
      %dma_start3A_34 = tpu.memref_slice %arg7[%dma_start3A_32, %dma_start3A_33] : memref<48x128xi32, #tpu.memory_space<vmem>> -> memref<1x128xi32, #tpu.memory_space<vmem>>
      %dma_start3A_35 = tpu.memref_squeeze %dma_start3A_34 : memref<1x128xi32, #tpu.memory_space<vmem>> -> memref<128xi32, #tpu.memory_space<vmem>>
      %dma_start3A_36 = arith.constant 0 : i32
      %dma_start3A_37 = arith.constant 0 : i32
      %dma_start3A_38 = tpu.memref_slice %arg4[%dma_start3A_36, %dma_start3A_37] : memref<10000x128xf32, #tpu.memory_space<hbm>> -> memref<10000x128xf32, #tpu.memory_space<hbm>>
      tpu.enqueue_indirect_dma source(%dma_start3A_38 : memref<10000x128xf32, #tpu.memory_space<hbm>>) target(%arg9 : memref<128x128xf32, #tpu.memory_space<vmem>>) offsets(%dma_start3A_35 : memref<128xi32, #tpu.memory_space<vmem>>) semaphore(%arg12 : memref<!tpu.dma_semaphore, #tpu.memory_space<semaphore_mem>>)
      %scan3A_39 = arith.constant 0 : i32
      %scan3A_40 = arith.constant 0 : i32
      %scan3A_41 = arith.constant 24 : i32
      %scan3A_42 = arith.addi %scan3A_40, %scan3A_41 : i32
      %scan3A_43 = arith.constant 1 : i32
      scf.for %scan3A_60 = %scan3A_40 to %scan3A_42 step %scan3A_43  : i32 {
        %mul3A_61 = arith.constant 2 : i32
        %mul3A_62 = arith.muli %mul3A_61, %scan3A_60 : i32
        %add3A_63 = arith.constant 1 : i32
        %add3A_64 = arith.addi %mul3A_62, %add3A_63 : i32
        %dma_start3A_65 = arith.constant 0 : i32
        %dma_start3A_66 = tpu.memref_slice %arg7[%add3A_64, %dma_start3A_65] : memref<48x128xi32, #tpu.memory_space<vmem>> -> memref<1x128xi32, #tpu.memory_space<vmem>>
        %dma_start3A_67 = tpu.memref_squeeze %dma_start3A_66 : memref<1x128xi32, #tpu.memory_space<vmem>> -> memref<128xi32, #tpu.memory_space<vmem>>
        %dma_start3A_68 = arith.constant 0 : i32
        %dma_start3A_69 = arith.constant 0 : i32
        %dma_start3A_70 = tpu.memref_slice %arg4[%dma_start3A_68, %dma_start3A_69] : memref<10000x128xf32, #tpu.memory_space<hbm>> -> memref<10000x128xf32, #tpu.memory_space<hbm>>
        tpu.enqueue_indirect_dma source(%dma_start3A_70 : memref<10000x128xf32, #tpu.memory_space<hbm>>) target(%arg10 : memref<128x128xf32, #tpu.memory_space<vmem>>) offsets(%dma_start3A_67 : memref<128xi32, #tpu.memory_space<vmem>>) semaphore(%arg13 : memref<!tpu.dma_semaphore, #tpu.memory_space<semaphore_mem>>)
        %dma_wait3A = arith.constant 0 : i32
        %dma_wait3A_71 = tpu.memref_slice %arg7[%mul3A_62, %dma_wait3A] : memref<48x128xi32, #tpu.memory_space<vmem>> -> memref<1x128xi32, #tpu.memory_space<vmem>>
        %dma_wait3A_72 = tpu.memref_squeeze %dma_wait3A_71 : memref<1x128xi32, #tpu.memory_space<vmem>> -> memref<128xi32, #tpu.memory_space<vmem>>
        %dma_wait3A_73 = arith.constant 0 : i32
        %dma_wait3A_74 = arith.constant 0 : i32
        %dma_wait3A_75 = tpu.memref_slice %arg4[%dma_wait3A_73, %dma_wait3A_74] : memref<10000x128xf32, #tpu.memory_space<hbm>> -> memref<10000x128xf32, #tpu.memory_space<hbm>>
        tpu.wait_indirect_dma semaphore(%arg12 : memref<!tpu.dma_semaphore, #tpu.memory_space<semaphore_mem>>) src(%dma_wait3A_75 : memref<10000x128xf32, #tpu.memory_space<hbm>>) dst(%arg9 : memref<128x128xf32, #tpu.memory_space<vmem>>)
        "tpu.region"() ({
          %run_scoped3A = tpu.sem_alloc : memref<!tpu.dma_semaphore, #tpu.memory_space<semaphore_mem>>
          %dma_start3A_90 = arith.constant 0 : i32
          %dma_start3A_91 = tpu.memref_slice %arg8[%mul3A_62, %dma_start3A_90] : memref<48x128xi32, #tpu.memory_space<vmem>> -> memref<1x128xi32, #tpu.memory_space<vmem>>
          %dma_start3A_92 = tpu.memref_squeeze %dma_start3A_91 : memref<1x128xi32, #tpu.memory_space<vmem>> -> memref<128xi32, #tpu.memory_space<vmem>>
          %dma_start3A_93 = arith.constant 0 : i32
          %dma_start3A_94 = arith.constant 0 : i32
          %dma_start3A_95 = tpu.memref_slice %arg11[%dma_start3A_93, %dma_start3A_94] : memref<10240x128xf32, #tpu.memory_space<vmem_shared>> -> memref<10240x128xf32, #tpu.memory_space<vmem_shared>>
          tpu.enqueue_indirect_dma source(%arg9 : memref<128x128xf32, #tpu.memory_space<vmem>>) target(%dma_start3A_95 : memref<10240x128xf32, #tpu.memory_space<vmem_shared>>) offsets(%dma_start3A_92 : memref<128xi32, #tpu.memory_space<vmem>>) semaphore(%run_scoped3A : memref<!tpu.dma_semaphore, #tpu.memory_space<semaphore_mem>>) {add = true}
          %dma_wait3A_96 = arith.constant 0 : i32
          %dma_wait3A_97 = tpu.memref_slice %arg8[%mul3A_62, %dma_wait3A_96] : memref<48x128xi32, #tpu.memory_space<vmem>> -> memref<1x128xi32, #tpu.memory_space<vmem>>
          %dma_wait3A_98 = tpu.memref_squeeze %dma_wait3A_97 : memref<1x128xi32, #tpu.memory_space<vmem>> -> memref<128xi32, #tpu.memory_space<vmem>>
          %dma_wait3A_99 = arith.constant 0 : i32
          %dma_wait3A_100 = arith.constant 0 : i32
          %dma_wait3A_101 = tpu.memref_slice %arg11[%dma_wait3A_99, %dma_wait3A_100] : memref<10240x128xf32, #tpu.memory_space<vmem_shared>> -> memref<10240x128xf32, #tpu.memory_space<vmem_shared>>
          tpu.wait_indirect_dma semaphore(%run_scoped3A : memref<!tpu.dma_semaphore, #tpu.memory_space<semaphore_mem>>) src(%arg9 : memref<128x128xf32, #tpu.memory_space<vmem>>) dst(%dma_wait3A_101 : memref<10240x128xf32, #tpu.memory_space<vmem_shared>>)
          tpu.yield
        }) : () -> ()
        %lt3A = arith.constant 23 : i32
        %lt3A_76 = arith.cmpi slt, %scan3A_60, %lt3A : i32
        %convert_element_type3A_77 = arith.extui %lt3A_76 : i1 to i32
        %cond3A_78 = arith.constant 0 : i32
        %cond3A_79 = arith.cmpi ne, %convert_element_type3A_77, %cond3A_78 : i32
        scf.if %cond3A_79 {
          %add3A_90 = arith.constant 2 : i32
          %add3A_91 = arith.addi %mul3A_62, %add3A_90 : i32
          %dma_start3A_92 = arith.constant 0 : i32
          %dma_start3A_93 = tpu.memref_slice %arg7[%add3A_91, %dma_start3A_92] : memref<48x128xi32, #tpu.memory_space<vmem>> -> memref<1x128xi32, #tpu.memory_space<vmem>>
          %dma_start3A_94 = tpu.memref_squeeze %dma_start3A_93 : memref<1x128xi32, #tpu.memory_space<vmem>> -> memref<128xi32, #tpu.memory_space<vmem>>
          %dma_start3A_95 = arith.constant 0 : i32
          %dma_start3A_96 = arith.constant 0 : i32
          %dma_start3A_97 = tpu.memref_slice %arg4[%dma_start3A_95, %dma_start3A_96] : memref<10000x128xf32, #tpu.memory_space<hbm>> -> memref<10000x128xf32, #tpu.memory_space<hbm>>
          tpu.enqueue_indirect_dma source(%dma_start3A_97 : memref<10000x128xf32, #tpu.memory_space<hbm>>) target(%arg9 : memref<128x128xf32, #tpu.memory_space<vmem>>) offsets(%dma_start3A_94 : memref<128xi32, #tpu.memory_space<vmem>>) semaphore(%arg12 : memref<!tpu.dma_semaphore, #tpu.memory_space<semaphore_mem>>)
        } else {
        }
        %add3A_80 = arith.constant 1 : i32
        %add3A_81 = arith.addi %mul3A_62, %add3A_80 : i32
        %dma_wait3A_82 = arith.constant 0 : i32
        %dma_wait3A_83 = tpu.memref_slice %arg7[%add3A_81, %dma_wait3A_82] : memref<48x128xi32, #tpu.memory_space<vmem>> -> memref<1x128xi32, #tpu.memory_space<vmem>>
        %dma_wait3A_84 = tpu.memref_squeeze %dma_wait3A_83 : memref<1x128xi32, #tpu.memory_space<vmem>> -> memref<128xi32, #tpu.memory_space<vmem>>
        %dma_wait3A_85 = arith.constant 0 : i32
        %dma_wait3A_86 = arith.constant 0 : i32
        %dma_wait3A_87 = tpu.memref_slice %arg4[%dma_wait3A_85, %dma_wait3A_86] : memref<10000x128xf32, #tpu.memory_space<hbm>> -> memref<10000x128xf32, #tpu.memory_space<hbm>>
        tpu.wait_indirect_dma semaphore(%arg13 : memref<!tpu.dma_semaphore, #tpu.memory_space<semaphore_mem>>) src(%dma_wait3A_87 : memref<10000x128xf32, #tpu.memory_space<hbm>>) dst(%arg10 : memref<128x128xf32, #tpu.memory_space<vmem>>)
        %add3A_88 = arith.constant 1 : i32
        %add3A_89 = arith.addi %mul3A_62, %add3A_88 : i32
        "tpu.region"() ({
          %run_scoped3A = tpu.sem_alloc : memref<!tpu.dma_semaphore, #tpu.memory_space<semaphore_mem>>
          %dma_start3A_90 = arith.constant 0 : i32
          %dma_start3A_91 = tpu.memref_slice %arg8[%add3A_89, %dma_start3A_90] : memref<48x128xi32, #tpu.memory_space<vmem>> -> memref<1x128xi32, #tpu.memory_space<vmem>>
          %dma_start3A_92 = tpu.memref_squeeze %dma_start3A_91 : memref<1x128xi32, #tpu.memory_space<vmem>> -> memref<128xi32, #tpu.memory_space<vmem>>
          %dma_start3A_93 = arith.constant 0 : i32
          %dma_start3A_94 = arith.constant 0 : i32
          %dma_start3A_95 = tpu.memref_slice %arg11[%dma_start3A_93, %dma_start3A_94] : memref<10240x128xf32, #tpu.memory_space<vmem_shared>> -> memref<10240x128xf32, #tpu.memory_space<vmem_shared>>
          tpu.enqueue_indirect_dma source(%arg10 : memref<128x128xf32, #tpu.memory_space<vmem>>) target(%dma_start3A_95 : memref<10240x128xf32, #tpu.memory_space<vmem_shared>>) offsets(%dma_start3A_92 : memref<128xi32, #tpu.memory_space<vmem>>) semaphore(%run_scoped3A : memref<!tpu.dma_semaphore, #tpu.memory_space<semaphore_mem>>) {add = true}
          %dma_wait3A_96 = arith.constant 0 : i32
          %dma_wait3A_97 = tpu.memref_slice %arg8[%add3A_89, %dma_wait3A_96] : memref<48x128xi32, #tpu.memory_space<vmem>> -> memref<1x128xi32, #tpu.memory_space<vmem>>
          %dma_wait3A_98 = tpu.memref_squeeze %dma_wait3A_97 : memref<1x128xi32, #tpu.memory_space<vmem>> -> memref<128xi32, #tpu.memory_space<vmem>>
          %dma_wait3A_99 = arith.constant 0 : i32
          %dma_wait3A_100 = arith.constant 0 : i32
          %dma_wait3A_101 = tpu.memref_slice %arg11[%dma_wait3A_99, %dma_wait3A_100] : memref<10240x128xf32, #tpu.memory_space<vmem_shared>> -> memref<10240x128xf32, #tpu.memory_space<vmem_shared>>
          tpu.wait_indirect_dma semaphore(%run_scoped3A : memref<!tpu.dma_semaphore, #tpu.memory_space<semaphore_mem>>) src(%arg10 : memref<128x128xf32, #tpu.memory_space<vmem>>) dst(%dma_wait3A_101 : memref<10240x128xf32, #tpu.memory_space<vmem_shared>>)
          tpu.yield
        }) : () -> ()
      }
      %scan3A_44 = arith.constant 24 : i32
      %add3A_45 = arith.constant 96 : i32
      %add3A_46 = arith.addi %mul3A_16, %add3A_45 : i32
      "tpu.region"() ({
        %run_scoped3A = tpu.sem_alloc : memref<!tpu.dma_semaphore, #tpu.memory_space<semaphore_mem>>
        %dma_start3A_60 = arith.constant 0 : i32
        %dma_start3A_61 = arith.constant 0 : i32
        %dma_start3A_62 = tpu.memref_slice %arg7[%dma_start3A_60, %dma_start3A_61] : memref<48x128xi32, #tpu.memory_space<vmem>> -> memref<48x128xi32, #tpu.memory_space<vmem>>
        %dma_start3A_63 = arith.constant 0 : i32
        %dma_start3A_64 = tpu.memref_slice %arg2[%add3A_46, %dma_start3A_63] : memref<2560x128xi32, #tpu.memory_space<hbm>> -> memref<48x128xi32, #tpu.memory_space<hbm>>
        %dma_start3A_65 = arith.constant 0 : i32
        %dma_start3A_66 = arith.constant 0 : i32
        %dma_start3A_67 = tpu.memref_slice %arg7[%dma_start3A_65, %dma_start3A_66] : memref<48x128xi32, #tpu.memory_space<vmem>> -> memref<48x128xi32, #tpu.memory_space<vmem>>
        %dma_start3A_68 = arith.constant 0 : i32
        %dma_start3A_69 = tpu.memref_slice %arg2[%add3A_46, %dma_start3A_68] : memref<2560x128xi32, #tpu.memory_space<hbm>> -> memref<48x128xi32, #tpu.memory_space<hbm>>
        tpu.enqueue_dma source(%dma_start3A_69 : memref<48x128xi32, #tpu.memory_space<hbm>>) target(%dma_start3A_67 : memref<48x128xi32, #tpu.memory_space<vmem>>) target_semaphore(%run_scoped3A : memref<!tpu.dma_semaphore, #tpu.memory_space<semaphore_mem>>)
        %dma_wait3A = arith.constant 0 : i32
        %dma_wait3A_70 = arith.constant 0 : i32
        %dma_wait3A_71 = tpu.memref_slice %arg7[%dma_wait3A, %dma_wait3A_70] : memref<48x128xi32, #tpu.memory_space<vmem>> -> memref<48x128xi32, #tpu.memory_space<vmem>>
        %dma_wait3A_72 = arith.constant 0 : i32
        %dma_wait3A_73 = tpu.memref_slice %arg2[%add3A_46, %dma_wait3A_72] : memref<2560x128xi32, #tpu.memory_space<hbm>> -> memref<48x128xi32, #tpu.memory_space<hbm>>
        %dma_wait3A_74 = arith.constant 0 : i32
        %dma_wait3A_75 = arith.constant 0 : i32
        %dma_wait3A_76 = tpu.memref_slice %arg7[%dma_wait3A_74, %dma_wait3A_75] : memref<48x128xi32, #tpu.memory_space<vmem>> -> memref<48x128xi32, #tpu.memory_space<vmem>>
        %dma_wait3A_77 = arith.constant 0 : i32
        %dma_wait3A_78 = tpu.memref_slice %arg2[%add3A_46, %dma_wait3A_77] : memref<2560x128xi32, #tpu.memory_space<hbm>> -> memref<48x128xi32, #tpu.memory_space<hbm>>
        tpu.wait_dma2 semaphore(%run_scoped3A : memref<!tpu.dma_semaphore, #tpu.memory_space<semaphore_mem>>) src(%dma_wait3A_78 : memref<48x128xi32, #tpu.memory_space<hbm>>) dst(%dma_wait3A_76 : memref<48x128xi32, #tpu.memory_space<vmem>>)
        tpu.yield
      }) : () -> ()
      "tpu.region"() ({
        %run_scoped3A = tpu.sem_alloc : memref<!tpu.dma_semaphore, #tpu.memory_space<semaphore_mem>>
        %dma_start3A_60 = arith.constant 0 : i32
        %dma_start3A_61 = arith.constant 0 : i32
        %dma_start3A_62 = tpu.memref_slice %arg8[%dma_start3A_60, %dma_start3A_61] : memref<48x128xi32, #tpu.memory_space<vmem>> -> memref<48x128xi32, #tpu.memory_space<vmem>>
        %dma_start3A_63 = arith.constant 0 : i32
        %dma_start3A_64 = tpu.memref_slice %arg3[%add3A_46, %dma_start3A_63] : memref<2560x128xi32, #tpu.memory_space<hbm>> -> memref<48x128xi32, #tpu.memory_space<hbm>>
        %dma_start3A_65 = arith.constant 0 : i32
        %dma_start3A_66 = arith.constant 0 : i32
        %dma_start3A_67 = tpu.memref_slice %arg8[%dma_start3A_65, %dma_start3A_66] : memref<48x128xi32, #tpu.memory_space<vmem>> -> memref<48x128xi32, #tpu.memory_space<vmem>>
        %dma_start3A_68 = arith.constant 0 : i32
        %dma_start3A_69 = tpu.memref_slice %arg3[%add3A_46, %dma_start3A_68] : memref<2560x128xi32, #tpu.memory_space<hbm>> -> memref<48x128xi32, #tpu.memory_space<hbm>>
        tpu.enqueue_dma source(%dma_start3A_69 : memref<48x128xi32, #tpu.memory_space<hbm>>) target(%dma_start3A_67 : memref<48x128xi32, #tpu.memory_space<vmem>>) target_semaphore(%run_scoped3A : memref<!tpu.dma_semaphore, #tpu.memory_space<semaphore_mem>>)
        %dma_wait3A = arith.constant 0 : i32
        %dma_wait3A_70 = arith.constant 0 : i32
        %dma_wait3A_71 = tpu.memref_slice %arg8[%dma_wait3A, %dma_wait3A_70] : memref<48x128xi32, #tpu.memory_space<vmem>> -> memref<48x128xi32, #tpu.memory_space<vmem>>
        %dma_wait3A_72 = arith.constant 0 : i32
        %dma_wait3A_73 = tpu.memref_slice %arg3[%add3A_46, %dma_wait3A_72] : memref<2560x128xi32, #tpu.memory_space<hbm>> -> memref<48x128xi32, #tpu.memory_space<hbm>>
        %dma_wait3A_74 = arith.constant 0 : i32
        %dma_wait3A_75 = arith.constant 0 : i32
        %dma_wait3A_76 = tpu.memref_slice %arg8[%dma_wait3A_74, %dma_wait3A_75] : memref<48x128xi32, #tpu.memory_space<vmem>> -> memref<48x128xi32, #tpu.memory_space<vmem>>
        %dma_wait3A_77 = arith.constant 0 : i32
        %dma_wait3A_78 = tpu.memref_slice %arg3[%add3A_46, %dma_wait3A_77] : memref<2560x128xi32, #tpu.memory_space<hbm>> -> memref<48x128xi32, #tpu.memory_space<hbm>>
        tpu.wait_dma2 semaphore(%run_scoped3A : memref<!tpu.dma_semaphore, #tpu.memory_space<semaphore_mem>>) src(%dma_wait3A_78 : memref<48x128xi32, #tpu.memory_space<hbm>>) dst(%dma_wait3A_76 : memref<48x128xi32, #tpu.memory_space<vmem>>)
        tpu.yield
      }) : () -> ()
      %dma_start3A_47 = arith.constant 0 : i32
      %dma_start3A_48 = arith.constant 0 : i32
      %dma_start3A_49 = tpu.memref_slice %arg7[%dma_start3A_47, %dma_start3A_48] : memref<48x128xi32, #tpu.memory_space<vmem>> -> memref<1x128xi32, #tpu.memory_space<vmem>>
      %dma_start3A_50 = tpu.memref_squeeze %dma_start3A_49 : memref<1x128xi32, #tpu.memory_space<vmem>> -> memref<128xi32, #tpu.memory_space<vmem>>
      %dma_start3A_51 = arith.constant 0 : i32
      %dma_start3A_52 = arith.constant 0 : i32
      %dma_start3A_53 = tpu.memref_slice %arg4[%dma_start3A_51, %dma_start3A_52] : memref<10000x128xf32, #tpu.memory_space<hbm>> -> memref<10000x128xf32, #tpu.memory_space<hbm>>
      tpu.enqueue_indirect_dma source(%dma_start3A_53 : memref<10000x128xf32, #tpu.memory_space<hbm>>) target(%arg9 : memref<128x128xf32, #tpu.memory_space<vmem>>) offsets(%dma_start3A_50 : memref<128xi32, #tpu.memory_space<vmem>>) semaphore(%arg12 : memref<!tpu.dma_semaphore, #tpu.memory_space<semaphore_mem>>)
      %scan3A_54 = arith.constant 0 : i32
      %scan3A_55 = arith.constant 0 : i32
      %scan3A_56 = arith.constant 24 : i32
      %scan3A_57 = arith.addi %scan3A_55, %scan3A_56 : i32
      %scan3A_58 = arith.constant 1 : i32
      scf.for %scan3A_60 = %scan3A_55 to %scan3A_57 step %scan3A_58  : i32 {
        %mul3A_61 = arith.constant 2 : i32
        %mul3A_62 = arith.muli %mul3A_61, %scan3A_60 : i32
        %add3A_63 = arith.constant 1 : i32
        %add3A_64 = arith.addi %mul3A_62, %add3A_63 : i32
        %dma_start3A_65 = arith.constant 0 : i32
        %dma_start3A_66 = tpu.memref_slice %arg7[%add3A_64, %dma_start3A_65] : memref<48x128xi32, #tpu.memory_space<vmem>> -> memref<1x128xi32, #tpu.memory_space<vmem>>
        %dma_start3A_67 = tpu.memref_squeeze %dma_start3A_66 : memref<1x128xi32, #tpu.memory_space<vmem>> -> memref<128xi32, #tpu.memory_space<vmem>>
        %dma_start3A_68 = arith.constant 0 : i32
        %dma_start3A_69 = arith.constant 0 : i32
        %dma_start3A_70 = tpu.memref_slice %arg4[%dma_start3A_68, %dma_start3A_69] : memref<10000x128xf32, #tpu.memory_space<hbm>> -> memref<10000x128xf32, #tpu.memory_space<hbm>>
        tpu.enqueue_indirect_dma source(%dma_start3A_70 : memref<10000x128xf32, #tpu.memory_space<hbm>>) target(%arg10 : memref<128x128xf32, #tpu.memory_space<vmem>>) offsets(%dma_start3A_67 : memref<128xi32, #tpu.memory_space<vmem>>) semaphore(%arg13 : memref<!tpu.dma_semaphore, #tpu.memory_space<semaphore_mem>>)
        %dma_wait3A = arith.constant 0 : i32
        %dma_wait3A_71 = tpu.memref_slice %arg7[%mul3A_62, %dma_wait3A] : memref<48x128xi32, #tpu.memory_space<vmem>> -> memref<1x128xi32, #tpu.memory_space<vmem>>
        %dma_wait3A_72 = tpu.memref_squeeze %dma_wait3A_71 : memref<1x128xi32, #tpu.memory_space<vmem>> -> memref<128xi32, #tpu.memory_space<vmem>>
        %dma_wait3A_73 = arith.constant 0 : i32
        %dma_wait3A_74 = arith.constant 0 : i32
        %dma_wait3A_75 = tpu.memref_slice %arg4[%dma_wait3A_73, %dma_wait3A_74] : memref<10000x128xf32, #tpu.memory_space<hbm>> -> memref<10000x128xf32, #tpu.memory_space<hbm>>
        tpu.wait_indirect_dma semaphore(%arg12 : memref<!tpu.dma_semaphore, #tpu.memory_space<semaphore_mem>>) src(%dma_wait3A_75 : memref<10000x128xf32, #tpu.memory_space<hbm>>) dst(%arg9 : memref<128x128xf32, #tpu.memory_space<vmem>>)
        "tpu.region"() ({
          %run_scoped3A = tpu.sem_alloc : memref<!tpu.dma_semaphore, #tpu.memory_space<semaphore_mem>>
          %dma_start3A_90 = arith.constant 0 : i32
          %dma_start3A_91 = tpu.memref_slice %arg8[%mul3A_62, %dma_start3A_90] : memref<48x128xi32, #tpu.memory_space<vmem>> -> memref<1x128xi32, #tpu.memory_space<vmem>>
          %dma_start3A_92 = tpu.memref_squeeze %dma_start3A_91 : memref<1x128xi32, #tpu.memory_space<vmem>> -> memref<128xi32, #tpu.memory_space<vmem>>
          %dma_start3A_93 = arith.constant 0 : i32
          %dma_start3A_94 = arith.constant 0 : i32
          %dma_start3A_95 = tpu.memref_slice %arg11[%dma_start3A_93, %dma_start3A_94] : memref<10240x128xf32, #tpu.memory_space<vmem_shared>> -> memref<10240x128xf32, #tpu.memory_space<vmem_shared>>
          tpu.enqueue_indirect_dma source(%arg9 : memref<128x128xf32, #tpu.memory_space<vmem>>) target(%dma_start3A_95 : memref<10240x128xf32, #tpu.memory_space<vmem_shared>>) offsets(%dma_start3A_92 : memref<128xi32, #tpu.memory_space<vmem>>) semaphore(%run_scoped3A : memref<!tpu.dma_semaphore, #tpu.memory_space<semaphore_mem>>) {add = true}
          %dma_wait3A_96 = arith.constant 0 : i32
          %dma_wait3A_97 = tpu.memref_slice %arg8[%mul3A_62, %dma_wait3A_96] : memref<48x128xi32, #tpu.memory_space<vmem>> -> memref<1x128xi32, #tpu.memory_space<vmem>>
          %dma_wait3A_98 = tpu.memref_squeeze %dma_wait3A_97 : memref<1x128xi32, #tpu.memory_space<vmem>> -> memref<128xi32, #tpu.memory_space<vmem>>
          %dma_wait3A_99 = arith.constant 0 : i32
          %dma_wait3A_100 = arith.constant 0 : i32
          %dma_wait3A_101 = tpu.memref_slice %arg11[%dma_wait3A_99, %dma_wait3A_100] : memref<10240x128xf32, #tpu.memory_space<vmem_shared>> -> memref<10240x128xf32, #tpu.memory_space<vmem_shared>>
          tpu.wait_indirect_dma semaphore(%run_scoped3A : memref<!tpu.dma_semaphore, #tpu.memory_space<semaphore_mem>>) src(%arg9 : memref<128x128xf32, #tpu.memory_space<vmem>>) dst(%dma_wait3A_101 : memref<10240x128xf32, #tpu.memory_space<vmem_shared>>)
          tpu.yield
        }) : () -> ()
        %lt3A = arith.constant 23 : i32
        %lt3A_76 = arith.cmpi slt, %scan3A_60, %lt3A : i32
        %convert_element_type3A_77 = arith.extui %lt3A_76 : i1 to i32
        %cond3A_78 = arith.constant 0 : i32
        %cond3A_79 = arith.cmpi ne, %convert_element_type3A_77, %cond3A_78 : i32
        scf.if %cond3A_79 {
          %add3A_90 = arith.constant 2 : i32
          %add3A_91 = arith.addi %mul3A_62, %add3A_90 : i32
          %dma_start3A_92 = arith.constant 0 : i32
          %dma_start3A_93 = tpu.memref_slice %arg7[%add3A_91, %dma_start3A_92] : memref<48x128xi32, #tpu.memory_space<vmem>> -> memref<1x128xi32, #tpu.memory_space<vmem>>
          %dma_start3A_94 = tpu.memref_squeeze %dma_start3A_93 : memref<1x128xi32, #tpu.memory_space<vmem>> -> memref<128xi32, #tpu.memory_space<vmem>>
          %dma_start3A_95 = arith.constant 0 : i32
          %dma_start3A_96 = arith.constant 0 : i32
          %dma_start3A_97 = tpu.memref_slice %arg4[%dma_start3A_95, %dma_start3A_96] : memref<10000x128xf32, #tpu.memory_space<hbm>> -> memref<10000x128xf32, #tpu.memory_space<hbm>>
          tpu.enqueue_indirect_dma source(%dma_start3A_97 : memref<10000x128xf32, #tpu.memory_space<hbm>>) target(%arg9 : memref<128x128xf32, #tpu.memory_space<vmem>>) offsets(%dma_start3A_94 : memref<128xi32, #tpu.memory_space<vmem>>) semaphore(%arg12 : memref<!tpu.dma_semaphore, #tpu.memory_space<semaphore_mem>>)
        } else {
        }
        %add3A_80 = arith.constant 1 : i32
        %add3A_81 = arith.addi %mul3A_62, %add3A_80 : i32
        %dma_wait3A_82 = arith.constant 0 : i32
        %dma_wait3A_83 = tpu.memref_slice %arg7[%add3A_81, %dma_wait3A_82] : memref<48x128xi32, #tpu.memory_space<vmem>> -> memref<1x128xi32, #tpu.memory_space<vmem>>
        %dma_wait3A_84 = tpu.memref_squeeze %dma_wait3A_83 : memref<1x128xi32, #tpu.memory_space<vmem>> -> memref<128xi32, #tpu.memory_space<vmem>>
        %dma_wait3A_85 = arith.constant 0 : i32
        %dma_wait3A_86 = arith.constant 0 : i32
        %dma_wait3A_87 = tpu.memref_slice %arg4[%dma_wait3A_85, %dma_wait3A_86] : memref<10000x128xf32, #tpu.memory_space<hbm>> -> memref<10000x128xf32, #tpu.memory_space<hbm>>
        tpu.wait_indirect_dma semaphore(%arg13 : memref<!tpu.dma_semaphore, #tpu.memory_space<semaphore_mem>>) src(%dma_wait3A_87 : memref<10000x128xf32, #tpu.memory_space<hbm>>) dst(%arg10 : memref<128x128xf32, #tpu.memory_space<vmem>>)
        %add3A_88 = arith.constant 1 : i32
        %add3A_89 = arith.addi %mul3A_62, %add3A_88 : i32
        "tpu.region"() ({
          %run_scoped3A = tpu.sem_alloc : memref<!tpu.dma_semaphore, #tpu.memory_space<semaphore_mem>>
          %dma_start3A_90 = arith.constant 0 : i32
          %dma_start3A_91 = tpu.memref_slice %arg8[%add3A_89, %dma_start3A_90] : memref<48x128xi32, #tpu.memory_space<vmem>> -> memref<1x128xi32, #tpu.memory_space<vmem>>
          %dma_start3A_92 = tpu.memref_squeeze %dma_start3A_91 : memref<1x128xi32, #tpu.memory_space<vmem>> -> memref<128xi32, #tpu.memory_space<vmem>>
          %dma_start3A_93 = arith.constant 0 : i32
          %dma_start3A_94 = arith.constant 0 : i32
          %dma_start3A_95 = tpu.memref_slice %arg11[%dma_start3A_93, %dma_start3A_94] : memref<10240x128xf32, #tpu.memory_space<vmem_shared>> -> memref<10240x128xf32, #tpu.memory_space<vmem_shared>>
          tpu.enqueue_indirect_dma source(%arg10 : memref<128x128xf32, #tpu.memory_space<vmem>>) target(%dma_start3A_95 : memref<10240x128xf32, #tpu.memory_space<vmem_shared>>) offsets(%dma_start3A_92 : memref<128xi32, #tpu.memory_space<vmem>>) semaphore(%run_scoped3A : memref<!tpu.dma_semaphore, #tpu.memory_space<semaphore_mem>>) {add = true}
          %dma_wait3A_96 = arith.constant 0 : i32
          %dma_wait3A_97 = tpu.memref_slice %arg8[%add3A_89, %dma_wait3A_96] : memref<48x128xi32, #tpu.memory_space<vmem>> -> memref<1x128xi32, #tpu.memory_space<vmem>>
          %dma_wait3A_98 = tpu.memref_squeeze %dma_wait3A_97 : memref<1x128xi32, #tpu.memory_space<vmem>> -> memref<128xi32, #tpu.memory_space<vmem>>
          %dma_wait3A_99 = arith.constant 0 : i32
          %dma_wait3A_100 = arith.constant 0 : i32
          %dma_wait3A_101 = tpu.memref_slice %arg11[%dma_wait3A_99, %dma_wait3A_100] : memref<10240x128xf32, #tpu.memory_space<vmem_shared>> -> memref<10240x128xf32, #tpu.memory_space<vmem_shared>>
          tpu.wait_indirect_dma semaphore(%run_scoped3A : memref<!tpu.dma_semaphore, #tpu.memory_space<semaphore_mem>>) src(%arg10 : memref<128x128xf32, #tpu.memory_space<vmem>>) dst(%dma_wait3A_101 : memref<10240x128xf32, #tpu.memory_space<vmem_shared>>)
          tpu.yield
        }) : () -> ()
      }
      %scan3A_59 = arith.constant 24 : i32
    } else {
    }
    %eq3A_3 = arith.constant 1 : i32
    %eq3A_4 = arith.cmpi eq, %arg0, %eq3A_3 : i32
    %convert_element_type3A_5 = arith.extui %eq3A_4 : i1 to i32
    %cond3A_6 = arith.constant 0 : i32
    %cond3A_7 = arith.cmpi ne, %convert_element_type3A_5, %cond3A_6 : i32
    scf.if %cond3A_7 {
      %mul3A_15 = arith.constant 16 : i32
      %mul3A_16 = arith.muli %arg1, %mul3A_15 : i32
      %add3A_17 = arith.constant 2304 : i32
      %add3A_18 = arith.addi %add3A_17, %mul3A_16 : i32
      %add3A_19 = arith.constant 0 : i32
      %add3A_20 = arith.addi %add3A_18, %add3A_19 : i32
      "tpu.region"() ({
        %run_scoped3A = tpu.sem_alloc : memref<!tpu.dma_semaphore, #tpu.memory_space<semaphore_mem>>
        %dma_start3A_32 = arith.constant 0 : i32
        %dma_start3A_33 = arith.constant 0 : i32
        %dma_start3A_34 = tpu.memref_slice %arg7[%dma_start3A_32, %dma_start3A_33] : memref<48x128xi32, #tpu.memory_space<vmem>> -> memref<16x128xi32, #tpu.memory_space<vmem>>
        %dma_start3A_35 = arith.constant 0 : i32
        %dma_start3A_36 = tpu.memref_slice %arg2[%add3A_20, %dma_start3A_35] : memref<2560x128xi32, #tpu.memory_space<hbm>> -> memref<16x128xi32, #tpu.memory_space<hbm>>
        %dma_start3A_37 = arith.constant 0 : i32
        %dma_start3A_38 = arith.constant 0 : i32
        %dma_start3A_39 = tpu.memref_slice %arg7[%dma_start3A_37, %dma_start3A_38] : memref<48x128xi32, #tpu.memory_space<vmem>> -> memref<16x128xi32, #tpu.memory_space<vmem>>
        %dma_start3A_40 = arith.constant 0 : i32
        %dma_start3A_41 = tpu.memref_slice %arg2[%add3A_20, %dma_start3A_40] : memref<2560x128xi32, #tpu.memory_space<hbm>> -> memref<16x128xi32, #tpu.memory_space<hbm>>
        tpu.enqueue_dma source(%dma_start3A_41 : memref<16x128xi32, #tpu.memory_space<hbm>>) target(%dma_start3A_39 : memref<16x128xi32, #tpu.memory_space<vmem>>) target_semaphore(%run_scoped3A : memref<!tpu.dma_semaphore, #tpu.memory_space<semaphore_mem>>)
        %dma_wait3A = arith.constant 0 : i32
        %dma_wait3A_42 = arith.constant 0 : i32
        %dma_wait3A_43 = tpu.memref_slice %arg7[%dma_wait3A, %dma_wait3A_42] : memref<48x128xi32, #tpu.memory_space<vmem>> -> memref<16x128xi32, #tpu.memory_space<vmem>>
        %dma_wait3A_44 = arith.constant 0 : i32
        %dma_wait3A_45 = tpu.memref_slice %arg2[%add3A_20, %dma_wait3A_44] : memref<2560x128xi32, #tpu.memory_space<hbm>> -> memref<16x128xi32, #tpu.memory_space<hbm>>
        %dma_wait3A_46 = arith.constant 0 : i32
        %dma_wait3A_47 = arith.constant 0 : i32
        %dma_wait3A_48 = tpu.memref_slice %arg7[%dma_wait3A_46, %dma_wait3A_47] : memref<48x128xi32, #tpu.memory_space<vmem>> -> memref<16x128xi32, #tpu.memory_space<vmem>>
        %dma_wait3A_49 = arith.constant 0 : i32
        %dma_wait3A_50 = tpu.memref_slice %arg2[%add3A_20, %dma_wait3A_49] : memref<2560x128xi32, #tpu.memory_space<hbm>> -> memref<16x128xi32, #tpu.memory_space<hbm>>
        tpu.wait_dma2 semaphore(%run_scoped3A : memref<!tpu.dma_semaphore, #tpu.memory_space<semaphore_mem>>) src(%dma_wait3A_50 : memref<16x128xi32, #tpu.memory_space<hbm>>) dst(%dma_wait3A_48 : memref<16x128xi32, #tpu.memory_space<vmem>>)
        tpu.yield
      }) : () -> ()
      "tpu.region"() ({
        %run_scoped3A = tpu.sem_alloc : memref<!tpu.dma_semaphore, #tpu.memory_space<semaphore_mem>>
        %dma_start3A_32 = arith.constant 0 : i32
        %dma_start3A_33 = arith.constant 0 : i32
        %dma_start3A_34 = tpu.memref_slice %arg8[%dma_start3A_32, %dma_start3A_33] : memref<48x128xi32, #tpu.memory_space<vmem>> -> memref<16x128xi32, #tpu.memory_space<vmem>>
        %dma_start3A_35 = arith.constant 0 : i32
        %dma_start3A_36 = tpu.memref_slice %arg3[%add3A_20, %dma_start3A_35] : memref<2560x128xi32, #tpu.memory_space<hbm>> -> memref<16x128xi32, #tpu.memory_space<hbm>>
        %dma_start3A_37 = arith.constant 0 : i32
        %dma_start3A_38 = arith.constant 0 : i32
        %dma_start3A_39 = tpu.memref_slice %arg8[%dma_start3A_37, %dma_start3A_38] : memref<48x128xi32, #tpu.memory_space<vmem>> -> memref<16x128xi32, #tpu.memory_space<vmem>>
        %dma_start3A_40 = arith.constant 0 : i32
        %dma_start3A_41 = tpu.memref_slice %arg3[%add3A_20, %dma_start3A_40] : memref<2560x128xi32, #tpu.memory_space<hbm>> -> memref<16x128xi32, #tpu.memory_space<hbm>>
        tpu.enqueue_dma source(%dma_start3A_41 : memref<16x128xi32, #tpu.memory_space<hbm>>) target(%dma_start3A_39 : memref<16x128xi32, #tpu.memory_space<vmem>>) target_semaphore(%run_scoped3A : memref<!tpu.dma_semaphore, #tpu.memory_space<semaphore_mem>>)
        %dma_wait3A = arith.constant 0 : i32
        %dma_wait3A_42 = arith.constant 0 : i32
        %dma_wait3A_43 = tpu.memref_slice %arg8[%dma_wait3A, %dma_wait3A_42] : memref<48x128xi32, #tpu.memory_space<vmem>> -> memref<16x128xi32, #tpu.memory_space<vmem>>
        %dma_wait3A_44 = arith.constant 0 : i32
        %dma_wait3A_45 = tpu.memref_slice %arg3[%add3A_20, %dma_wait3A_44] : memref<2560x128xi32, #tpu.memory_space<hbm>> -> memref<16x128xi32, #tpu.memory_space<hbm>>
        %dma_wait3A_46 = arith.constant 0 : i32
        %dma_wait3A_47 = arith.constant 0 : i32
        %dma_wait3A_48 = tpu.memref_slice %arg8[%dma_wait3A_46, %dma_wait3A_47] : memref<48x128xi32, #tpu.memory_space<vmem>> -> memref<16x128xi32, #tpu.memory_space<vmem>>
        %dma_wait3A_49 = arith.constant 0 : i32
        %dma_wait3A_50 = tpu.memref_slice %arg3[%add3A_20, %dma_wait3A_49] : memref<2560x128xi32, #tpu.memory_space<hbm>> -> memref<16x128xi32, #tpu.memory_space<hbm>>
        tpu.wait_dma2 semaphore(%run_scoped3A : memref<!tpu.dma_semaphore, #tpu.memory_space<semaphore_mem>>) src(%dma_wait3A_50 : memref<16x128xi32, #tpu.memory_space<hbm>>) dst(%dma_wait3A_48 : memref<16x128xi32, #tpu.memory_space<vmem>>)
        tpu.yield
      }) : () -> ()
      %dma_start3A = arith.constant 0 : i32
      %dma_start3A_21 = arith.constant 0 : i32
      %dma_start3A_22 = tpu.memref_slice %arg7[%dma_start3A, %dma_start3A_21] : memref<48x128xi32, #tpu.memory_space<vmem>> -> memref<1x128xi32, #tpu.memory_space<vmem>>
      %dma_start3A_23 = tpu.memref_squeeze %dma_start3A_22 : memref<1x128xi32, #tpu.memory_space<vmem>> -> memref<128xi32, #tpu.memory_space<vmem>>
      %dma_start3A_24 = arith.constant 0 : i32
      %dma_start3A_25 = arith.constant 0 : i32
      %dma_start3A_26 = tpu.memref_slice %arg4[%dma_start3A_24, %dma_start3A_25] : memref<10000x128xf32, #tpu.memory_space<hbm>> -> memref<10000x128xf32, #tpu.memory_space<hbm>>
      tpu.enqueue_indirect_dma source(%dma_start3A_26 : memref<10000x128xf32, #tpu.memory_space<hbm>>) target(%arg9 : memref<128x128xf32, #tpu.memory_space<vmem>>) offsets(%dma_start3A_23 : memref<128xi32, #tpu.memory_space<vmem>>) semaphore(%arg12 : memref<!tpu.dma_semaphore, #tpu.memory_space<semaphore_mem>>)
      %scan3A = arith.constant 0 : i32
      %scan3A_27 = arith.constant 0 : i32
      %scan3A_28 = arith.constant 8 : i32
      %scan3A_29 = arith.addi %scan3A_27, %scan3A_28 : i32
      %scan3A_30 = arith.constant 1 : i32
      scf.for %scan3A_32 = %scan3A_27 to %scan3A_29 step %scan3A_30  : i32 {
        %mul3A_33 = arith.constant 2 : i32
        %mul3A_34 = arith.muli %mul3A_33, %scan3A_32 : i32
        %add3A_35 = arith.constant 1 : i32
        %add3A_36 = arith.addi %mul3A_34, %add3A_35 : i32
        %dma_start3A_37 = arith.constant 0 : i32
        %dma_start3A_38 = tpu.memref_slice %arg7[%add3A_36, %dma_start3A_37] : memref<48x128xi32, #tpu.memory_space<vmem>> -> memref<1x128xi32, #tpu.memory_space<vmem>>
        %dma_start3A_39 = tpu.memref_squeeze %dma_start3A_38 : memref<1x128xi32, #tpu.memory_space<vmem>> -> memref<128xi32, #tpu.memory_space<vmem>>
        %dma_start3A_40 = arith.constant 0 : i32
        %dma_start3A_41 = arith.constant 0 : i32
        %dma_start3A_42 = tpu.memref_slice %arg4[%dma_start3A_40, %dma_start3A_41] : memref<10000x128xf32, #tpu.memory_space<hbm>> -> memref<10000x128xf32, #tpu.memory_space<hbm>>
        tpu.enqueue_indirect_dma source(%dma_start3A_42 : memref<10000x128xf32, #tpu.memory_space<hbm>>) target(%arg10 : memref<128x128xf32, #tpu.memory_space<vmem>>) offsets(%dma_start3A_39 : memref<128xi32, #tpu.memory_space<vmem>>) semaphore(%arg13 : memref<!tpu.dma_semaphore, #tpu.memory_space<semaphore_mem>>)
        %dma_wait3A = arith.constant 0 : i32
        %dma_wait3A_43 = tpu.memref_slice %arg7[%mul3A_34, %dma_wait3A] : memref<48x128xi32, #tpu.memory_space<vmem>> -> memref<1x128xi32, #tpu.memory_space<vmem>>
        %dma_wait3A_44 = tpu.memref_squeeze %dma_wait3A_43 : memref<1x128xi32, #tpu.memory_space<vmem>> -> memref<128xi32, #tpu.memory_space<vmem>>
        %dma_wait3A_45 = arith.constant 0 : i32
        %dma_wait3A_46 = arith.constant 0 : i32
        %dma_wait3A_47 = tpu.memref_slice %arg4[%dma_wait3A_45, %dma_wait3A_46] : memref<10000x128xf32, #tpu.memory_space<hbm>> -> memref<10000x128xf32, #tpu.memory_space<hbm>>
        tpu.wait_indirect_dma semaphore(%arg12 : memref<!tpu.dma_semaphore, #tpu.memory_space<semaphore_mem>>) src(%dma_wait3A_47 : memref<10000x128xf32, #tpu.memory_space<hbm>>) dst(%arg9 : memref<128x128xf32, #tpu.memory_space<vmem>>)
        "tpu.region"() ({
          %run_scoped3A = tpu.sem_alloc : memref<!tpu.dma_semaphore, #tpu.memory_space<semaphore_mem>>
          %dma_start3A_62 = arith.constant 0 : i32
          %dma_start3A_63 = tpu.memref_slice %arg8[%mul3A_34, %dma_start3A_62] : memref<48x128xi32, #tpu.memory_space<vmem>> -> memref<1x128xi32, #tpu.memory_space<vmem>>
          %dma_start3A_64 = tpu.memref_squeeze %dma_start3A_63 : memref<1x128xi32, #tpu.memory_space<vmem>> -> memref<128xi32, #tpu.memory_space<vmem>>
          %dma_start3A_65 = arith.constant 0 : i32
          %dma_start3A_66 = arith.constant 0 : i32
          %dma_start3A_67 = tpu.memref_slice %arg11[%dma_start3A_65, %dma_start3A_66] : memref<10240x128xf32, #tpu.memory_space<vmem_shared>> -> memref<10240x128xf32, #tpu.memory_space<vmem_shared>>
          tpu.enqueue_indirect_dma source(%arg9 : memref<128x128xf32, #tpu.memory_space<vmem>>) target(%dma_start3A_67 : memref<10240x128xf32, #tpu.memory_space<vmem_shared>>) offsets(%dma_start3A_64 : memref<128xi32, #tpu.memory_space<vmem>>) semaphore(%run_scoped3A : memref<!tpu.dma_semaphore, #tpu.memory_space<semaphore_mem>>) {add = true}
          %dma_wait3A_68 = arith.constant 0 : i32
          %dma_wait3A_69 = tpu.memref_slice %arg8[%mul3A_34, %dma_wait3A_68] : memref<48x128xi32, #tpu.memory_space<vmem>> -> memref<1x128xi32, #tpu.memory_space<vmem>>
          %dma_wait3A_70 = tpu.memref_squeeze %dma_wait3A_69 : memref<1x128xi32, #tpu.memory_space<vmem>> -> memref<128xi32, #tpu.memory_space<vmem>>
          %dma_wait3A_71 = arith.constant 0 : i32
          %dma_wait3A_72 = arith.constant 0 : i32
          %dma_wait3A_73 = tpu.memref_slice %arg11[%dma_wait3A_71, %dma_wait3A_72] : memref<10240x128xf32, #tpu.memory_space<vmem_shared>> -> memref<10240x128xf32, #tpu.memory_space<vmem_shared>>
          tpu.wait_indirect_dma semaphore(%run_scoped3A : memref<!tpu.dma_semaphore, #tpu.memory_space<semaphore_mem>>) src(%arg9 : memref<128x128xf32, #tpu.memory_space<vmem>>) dst(%dma_wait3A_73 : memref<10240x128xf32, #tpu.memory_space<vmem_shared>>)
          tpu.yield
        }) : () -> ()
        %lt3A = arith.constant 7 : i32
        %lt3A_48 = arith.cmpi slt, %scan3A_32, %lt3A : i32
        %convert_element_type3A_49 = arith.extui %lt3A_48 : i1 to i32
        %cond3A_50 = arith.constant 0 : i32
        %cond3A_51 = arith.cmpi ne, %convert_element_type3A_49, %cond3A_50 : i32
        scf.if %cond3A_51 {
          %add3A_62 = arith.constant 2 : i32
          %add3A_63 = arith.addi %mul3A_34, %add3A_62 : i32
          %dma_start3A_64 = arith.constant 0 : i32
          %dma_start3A_65 = tpu.memref_slice %arg7[%add3A_63, %dma_start3A_64] : memref<48x128xi32, #tpu.memory_space<vmem>> -> memref<1x128xi32, #tpu.memory_space<vmem>>
          %dma_start3A_66 = tpu.memref_squeeze %dma_start3A_65 : memref<1x128xi32, #tpu.memory_space<vmem>> -> memref<128xi32, #tpu.memory_space<vmem>>
          %dma_start3A_67 = arith.constant 0 : i32
          %dma_start3A_68 = arith.constant 0 : i32
          %dma_start3A_69 = tpu.memref_slice %arg4[%dma_start3A_67, %dma_start3A_68] : memref<10000x128xf32, #tpu.memory_space<hbm>> -> memref<10000x128xf32, #tpu.memory_space<hbm>>
          tpu.enqueue_indirect_dma source(%dma_start3A_69 : memref<10000x128xf32, #tpu.memory_space<hbm>>) target(%arg9 : memref<128x128xf32, #tpu.memory_space<vmem>>) offsets(%dma_start3A_66 : memref<128xi32, #tpu.memory_space<vmem>>) semaphore(%arg12 : memref<!tpu.dma_semaphore, #tpu.memory_space<semaphore_mem>>)
        } else {
        }
        %add3A_52 = arith.constant 1 : i32
        %add3A_53 = arith.addi %mul3A_34, %add3A_52 : i32
        %dma_wait3A_54 = arith.constant 0 : i32
        %dma_wait3A_55 = tpu.memref_slice %arg7[%add3A_53, %dma_wait3A_54] : memref<48x128xi32, #tpu.memory_space<vmem>> -> memref<1x128xi32, #tpu.memory_space<vmem>>
        %dma_wait3A_56 = tpu.memref_squeeze %dma_wait3A_55 : memref<1x128xi32, #tpu.memory_space<vmem>> -> memref<128xi32, #tpu.memory_space<vmem>>
        %dma_wait3A_57 = arith.constant 0 : i32
        %dma_wait3A_58 = arith.constant 0 : i32
        %dma_wait3A_59 = tpu.memref_slice %arg4[%dma_wait3A_57, %dma_wait3A_58] : memref<10000x128xf32, #tpu.memory_space<hbm>> -> memref<10000x128xf32, #tpu.memory_space<hbm>>
        tpu.wait_indirect_dma semaphore(%arg13 : memref<!tpu.dma_semaphore, #tpu.memory_space<semaphore_mem>>) src(%dma_wait3A_59 : memref<10000x128xf32, #tpu.memory_space<hbm>>) dst(%arg10 : memref<128x128xf32, #tpu.memory_space<vmem>>)
        %add3A_60 = arith.constant 1 : i32
        %add3A_61 = arith.addi %mul3A_34, %add3A_60 : i32
        "tpu.region"() ({
          %run_scoped3A = tpu.sem_alloc : memref<!tpu.dma_semaphore, #tpu.memory_space<semaphore_mem>>
          %dma_start3A_62 = arith.constant 0 : i32
          %dma_start3A_63 = tpu.memref_slice %arg8[%add3A_61, %dma_start3A_62] : memref<48x128xi32, #tpu.memory_space<vmem>> -> memref<1x128xi32, #tpu.memory_space<vmem>>
          %dma_start3A_64 = tpu.memref_squeeze %dma_start3A_63 : memref<1x128xi32, #tpu.memory_space<vmem>> -> memref<128xi32, #tpu.memory_space<vmem>>
          %dma_start3A_65 = arith.constant 0 : i32
          %dma_start3A_66 = arith.constant 0 : i32
          %dma_start3A_67 = tpu.memref_slice %arg11[%dma_start3A_65, %dma_start3A_66] : memref<10240x128xf32, #tpu.memory_space<vmem_shared>> -> memref<10240x128xf32, #tpu.memory_space<vmem_shared>>
          tpu.enqueue_indirect_dma source(%arg10 : memref<128x128xf32, #tpu.memory_space<vmem>>) target(%dma_start3A_67 : memref<10240x128xf32, #tpu.memory_space<vmem_shared>>) offsets(%dma_start3A_64 : memref<128xi32, #tpu.memory_space<vmem>>) semaphore(%run_scoped3A : memref<!tpu.dma_semaphore, #tpu.memory_space<semaphore_mem>>) {add = true}
          %dma_wait3A_68 = arith.constant 0 : i32
          %dma_wait3A_69 = tpu.memref_slice %arg8[%add3A_61, %dma_wait3A_68] : memref<48x128xi32, #tpu.memory_space<vmem>> -> memref<1x128xi32, #tpu.memory_space<vmem>>
          %dma_wait3A_70 = tpu.memref_squeeze %dma_wait3A_69 : memref<1x128xi32, #tpu.memory_space<vmem>> -> memref<128xi32, #tpu.memory_space<vmem>>
          %dma_wait3A_71 = arith.constant 0 : i32
          %dma_wait3A_72 = arith.constant 0 : i32
          %dma_wait3A_73 = tpu.memref_slice %arg11[%dma_wait3A_71, %dma_wait3A_72] : memref<10240x128xf32, #tpu.memory_space<vmem_shared>> -> memref<10240x128xf32, #tpu.memory_space<vmem_shared>>
          tpu.wait_indirect_dma semaphore(%run_scoped3A : memref<!tpu.dma_semaphore, #tpu.memory_space<semaphore_mem>>) src(%arg10 : memref<128x128xf32, #tpu.memory_space<vmem>>) dst(%dma_wait3A_73 : memref<10240x128xf32, #tpu.memory_space<vmem_shared>>)
          tpu.yield
        }) : () -> ()
      }
      %scan3A_31 = arith.constant 8 : i32
    } else {
    }
    %barrier3A_8 = arith.constant 0 : index
    tpu.barrier barrier_id(%barrier3A_8)
    %mul3A_9 = arith.constant 640 : i32
    %mul3A_10 = arith.muli %arg1, %mul3A_9 : i32
    %mul3A_11 = arith.constant 10240 : i32
    %mul3A_12 = arith.muli %arg0, %mul3A_11 : i32
    %mul3A_13 = arith.constant 640 : i32
    %mul3A_14 = arith.muli %arg1, %mul3A_13 : i32
    %add3A = arith.addi %mul3A_12, %mul3A_14 : i32
    "tpu.region"() ({
      %run_scoped3A = tpu.sem_alloc : memref<!tpu.dma_semaphore, #tpu.memory_space<semaphore_mem>>
      %dma_start3A = arith.constant 0 : i32
      %dma_start3A_15 = tpu.memref_slice %arg6[%add3A, %dma_start3A] : memref<20480x128xf32, #tpu.memory_space<hbm>> -> memref<640x128xf32, #tpu.memory_space<hbm>>
      %dma_start3A_16 = arith.constant 0 : i32
      %dma_start3A_17 = tpu.memref_slice %arg11[%mul3A_10, %dma_start3A_16] : memref<10240x128xf32, #tpu.memory_space<vmem_shared>> -> memref<640x128xf32, #tpu.memory_space<vmem_shared>>
      tpu.enqueue_dma source(%dma_start3A_17 : memref<640x128xf32, #tpu.memory_space<vmem_shared>>) target(%dma_start3A_15 : memref<640x128xf32, #tpu.memory_space<hbm>>) target_semaphore(%run_scoped3A : memref<!tpu.dma_semaphore, #tpu.memory_space<semaphore_mem>>)
      %dma_wait3A = arith.constant 0 : i32
      %dma_wait3A_18 = tpu.memref_slice %arg6[%add3A, %dma_wait3A] : memref<20480x128xf32, #tpu.memory_space<hbm>> -> memref<640x128xf32, #tpu.memory_space<hbm>>
      %dma_wait3A_19 = arith.constant 0 : i32
      %dma_wait3A_20 = tpu.memref_slice %arg11[%mul3A_10, %dma_wait3A_19] : memref<10240x128xf32, #tpu.memory_space<vmem_shared>> -> memref<640x128xf32, #tpu.memory_space<vmem_shared>>
      tpu.wait_dma2 semaphore(%run_scoped3A : memref<!tpu.dma_semaphore, #tpu.memory_space<semaphore_mem>>) src(%dma_wait3A_20 : memref<640x128xf32, #tpu.memory_space<vmem_shared>>) dst(%dma_wait3A_18 : memref<640x128xf32, #tpu.memory_space<hbm>>)
      tpu.yield
    }) : () -> ()
    return
  }
}

module attributes {stable_mosaic.version = 14 : i64} {
  func.func @_layer_body(%arg0: i32, %arg1: memref<2000x128xf32, #tpu.memory_space<vmem>>, %arg2: memref<2000x128xf32, #tpu.memory_space<vmem>>, %arg3: memref<2000x128xf32, #tpu.memory_space<vmem>>, %arg4: memref<128x128xf32, #tpu.memory_space<vmem>>, %arg5: memref<2000x128xf32, #tpu.memory_space<vmem>>) attributes {dimension_semantics = [#tpu.dimension_semantics<arbitrary>], iteration_bounds = array<i64: 5>, scalar_prefetch = 0 : i64, scratch_operands = 0 : i64, tpu.core_type = #tpu.core_type<tc>, window_params = [{transform_indices = @transform_0, window_bounds = array<i64: 2000, 128>}, {transform_indices = @transform_1, window_bounds = array<i64: 2000, 128>}, {transform_indices = @transform_2, window_bounds = array<i64: 2000, 128>}, {pipeline_mode = #tpu.pipeline_mode<synchronous>, transform_indices = @transform_3, window_bounds = array<i64: 128, 128>}, {transform_indices = @transform_4, window_bounds = array<i64: 2000, 128>}]} {
    %get3A = arith.constant 0 : index
    %get3A_0 = arith.constant 0 : index
    %get3A_1 = vector.load %arg1[%get3A, %get3A_0] : memref<2000x128xf32, #tpu.memory_space<vmem>>, vector<2000x128xf32>
    %get3A_2 = arith.constant 0 : index
    %get3A_3 = arith.constant 0 : index
    %get3A_4 = vector.load %arg2[%get3A_2, %get3A_3] : memref<2000x128xf32, #tpu.memory_space<vmem>>, vector<2000x128xf32>
    %add3A = arith.addf %get3A_1, %get3A_4 : vector<2000x128xf32>
    %get3A_5 = arith.constant 0 : index
    %get3A_6 = arith.constant 0 : index
    %get3A_7 = vector.load %arg3[%get3A_5, %get3A_6] : memref<2000x128xf32, #tpu.memory_space<vmem>>, vector<2000x128xf32>
    %add3A_8 = arith.addf %add3A, %get3A_7 : vector<2000x128xf32>
    %get3A_9 = arith.constant 0 : index
    %get3A_10 = arith.constant 0 : index
    %get3A_11 = vector.load %arg4[%get3A_9, %get3A_10] : memref<128x128xf32, #tpu.memory_space<vmem>>, vector<128x128xf32>
    %dot_general3A = arith.constant dense<0.000000e+00> : vector<2000x128xf32>
    %dot_general3A_12 = tpu.matmul %add3A_8, %get3A_11, %dot_general3A {dimension_numbers = #tpu.dot_dimension_numbers<[1], [0], [0], [1], [0, 0, 1, 1], [], []>, precision = #tpu.contract_precision<fp32>, transpose_lhs_hint = false} : vector<2000x128xf32>, vector<128x128xf32>, vector<2000x128xf32> -> vector<2000x128xf32>
    %max3A = arith.constant 0.000000e+00 : f32
    %max3A_13 = vector.broadcast %max3A : f32 to vector<2000x128xf32>
    %max3A_14 = arith.maximumf %dot_general3A_12, %max3A_13 : vector<2000x128xf32>
    %swap3A = arith.constant 0 : index
    %swap3A_15 = arith.constant 0 : index
    %swap3A_16 = vector.load %arg5[%swap3A, %swap3A_15] : memref<2000x128xf32, #tpu.memory_space<vmem>>, vector<2000x128xf32>
    tpu.vector_store %arg5[%swap3A, %swap3A_15], %max3A_14 {strides = array<i32>} : memref<2000x128xf32, #tpu.memory_space<vmem>>, vector<2000x128xf32>,
    return
  }
  func.func @transform_0(%arg0: i32) -> (i32, i32) {
    %c0_i32 = arith.constant 0 : i32
    %c0_i32_0 = arith.constant 0 : i32
    return %arg0, %c0_i32 : i32, i32
  }
  func.func @transform_1(%arg0: i32) -> (i32, i32) {
    %c0_i32 = arith.constant 0 : i32
    %c0_i32_0 = arith.constant 0 : i32
    return %arg0, %c0_i32 : i32, i32
  }
  func.func @transform_2(%arg0: i32) -> (i32, i32) {
    %c0_i32 = arith.constant 0 : i32
    %c0_i32_0 = arith.constant 0 : i32
    return %arg0, %c0_i32 : i32, i32
  }
  func.func @transform_3(%arg0: i32) -> (i32, i32) {
    %c0_i32 = arith.constant 0 : i32
    %c0_i32_0 = arith.constant 0 : i32
    %c0_i32_1 = arith.constant 0 : i32
    return %c0_i32, %c0_i32_0 : i32, i32
  }
  func.func @transform_4(%arg0: i32) -> (i32, i32) {
    %c0_i32 = arith.constant 0 : i32
    %c0_i32_0 = arith.constant 0 : i32
    return %arg0, %c0_i32 : i32, i32
  }
}

module attributes {stable_mosaic.version = 14 : i64} {
  func.func @_final_body(%arg0: i32, %arg1: memref<2000x128xf32, #tpu.memory_space<vmem>>, %arg2: memref<2000x128xf32, #tpu.memory_space<vmem>>, %arg3: memref<2000x128xf32, #tpu.memory_space<vmem>>, %arg4: memref<128x128xf32, #tpu.memory_space<vmem>>, %arg5: memref<128x64xf32, #tpu.memory_space<vmem>>, %arg6: memref<1x64xf32, #tpu.memory_space<vmem>>, %arg7: memref<2000x64xf32, #tpu.memory_space<vmem>>, %arg8: memref<2000x128xf32, #tpu.memory_space<vmem>>) attributes {dimension_semantics = [#tpu.dimension_semantics<arbitrary>], iteration_bounds = array<i64: 5>, scalar_prefetch = 0 : i64, scratch_operands = 0 : i64, tpu.core_type = #tpu.core_type<tc>, window_params = [{transform_indices = @transform_0, window_bounds = array<i64: 2000, 128>}, {transform_indices = @transform_1, window_bounds = array<i64: 2000, 128>}, {transform_indices = @transform_2, window_bounds = array<i64: 2000, 128>}, {pipeline_mode = #tpu.pipeline_mode<synchronous>, transform_indices = @transform_3, window_bounds = array<i64: 128, 128>}, {pipeline_mode = #tpu.pipeline_mode<synchronous>, transform_indices = @transform_4, window_bounds = array<i64: 128, 64>}, {pipeline_mode = #tpu.pipeline_mode<synchronous>, transform_indices = @transform_5, window_bounds = array<i64: 1, 64>}, {transform_indices = @transform_6, window_bounds = array<i64: 2000, 64>}, {transform_indices = @transform_7, window_bounds = array<i64: 2000, 128>}]} {
    %get3A = arith.constant 0 : index
    %get3A_0 = arith.constant 0 : index
    %get3A_1 = vector.load %arg1[%get3A, %get3A_0] : memref<2000x128xf32, #tpu.memory_space<vmem>>, vector<2000x128xf32>
    %get3A_2 = arith.constant 0 : index
    %get3A_3 = arith.constant 0 : index
    %get3A_4 = vector.load %arg2[%get3A_2, %get3A_3] : memref<2000x128xf32, #tpu.memory_space<vmem>>, vector<2000x128xf32>
    %add3A = arith.addf %get3A_1, %get3A_4 : vector<2000x128xf32>
    %get3A_5 = arith.constant 0 : index
    %get3A_6 = arith.constant 0 : index
    %get3A_7 = vector.load %arg3[%get3A_5, %get3A_6] : memref<2000x128xf32, #tpu.memory_space<vmem>>, vector<2000x128xf32>
    %add3A_8 = arith.addf %add3A, %get3A_7 : vector<2000x128xf32>
    %get3A_9 = arith.constant 0 : index
    %get3A_10 = arith.constant 0 : index
    %get3A_11 = vector.load %arg4[%get3A_9, %get3A_10] : memref<128x128xf32, #tpu.memory_space<vmem>>, vector<128x128xf32>
    %dot_general3A = arith.constant dense<0.000000e+00> : vector<2000x128xf32>
    %dot_general3A_12 = tpu.matmul %add3A_8, %get3A_11, %dot_general3A {dimension_numbers = #tpu.dot_dimension_numbers<[1], [0], [0], [1], [0, 0, 1, 1], [], []>, precision = #tpu.contract_precision<fp32>, transpose_lhs_hint = false} : vector<2000x128xf32>, vector<128x128xf32>, vector<2000x128xf32> -> vector<2000x128xf32>
    %max3A = arith.constant 0.000000e+00 : f32
    %max3A_13 = vector.broadcast %max3A : f32 to vector<2000x128xf32>
    %max3A_14 = arith.maximumf %dot_general3A_12, %max3A_13 : vector<2000x128xf32>
    %mul3A = arith.mulf %max3A_14, %max3A_14 : vector<2000x128xf32>
    %reduce_sum3A = arith.constant dense<0.000000e+00> : vector<2000xf32>
    %reduce_sum3A_15 = vector.multi_reduction <add>, %mul3A, %reduce_sum3A [1] : vector<2000x128xf32> to vector<2000xf32>
    %broadcast_in_dim3A = vector.shape_cast %reduce_sum3A_15 : vector<2000xf32> to vector<2000x1xf32>
    %sqrt3A = math.sqrt %broadcast_in_dim3A : vector<2000x1xf32>
    %max3A_16 = arith.constant 9.99999996E-13 : f32
    %max3A_17 = vector.broadcast %max3A_16 : f32 to vector<2000x1xf32>
    %max3A_18 = arith.maximumf %sqrt3A, %max3A_17 : vector<2000x1xf32>
    %div3A = vector.broadcast %max3A_18 : vector<2000x1xf32> to vector<2000x128xf32>
    %div3A_19 = arith.divf %max3A_14, %div3A : vector<2000x128xf32>
    %swap3A = arith.constant 0 : index
    %swap3A_20 = arith.constant 0 : index
    %swap3A_21 = vector.load %arg8[%swap3A, %swap3A_20] : memref<2000x128xf32, #tpu.memory_space<vmem>>, vector<2000x128xf32>
    tpu.vector_store %arg8[%swap3A, %swap3A_20], %div3A_19 {strides = array<i32>} : memref<2000x128xf32, #tpu.memory_space<vmem>>, vector<2000x128xf32>,
    %get3A_22 = arith.constant 0 : index
    %get3A_23 = arith.constant 0 : index
    %get3A_24 = vector.load %arg5[%get3A_22, %get3A_23] : memref<128x64xf32, #tpu.memory_space<vmem>>, vector<128x64xf32>
    %dot_general3A_25 = arith.constant dense<0.000000e+00> : vector<2000x64xf32>
    %dot_general3A_26 = tpu.matmul %div3A_19, %get3A_24, %dot_general3A_25 {dimension_numbers = #tpu.dot_dimension_numbers<[1], [0], [0], [1], [0, 0, 1, 1], [], []>, precision = #tpu.contract_precision<fp32>, transpose_lhs_hint = false} : vector<2000x128xf32>, vector<128x64xf32>, vector<2000x64xf32> -> vector<2000x64xf32>
    %get3A_27 = arith.constant 0 : index
    %get3A_28 = arith.constant 0 : index
    %get3A_29 = vector.load %arg6[%get3A_27, %get3A_28] : memref<1x64xf32, #tpu.memory_space<vmem>>, vector<1x64xf32>
    %add3A_30 = vector.broadcast %get3A_29 : vector<1x64xf32> to vector<2000x64xf32>
    %add3A_31 = arith.addf %dot_general3A_26, %add3A_30 : vector<2000x64xf32>
    %swap3A_32 = arith.constant 0 : index
    %swap3A_33 = arith.constant 0 : index
    %swap3A_34 = vector.load %arg7[%swap3A_32, %swap3A_33] : memref<2000x64xf32, #tpu.memory_space<vmem>>, vector<2000x64xf32>
    tpu.vector_store %arg7[%swap3A_32, %swap3A_33], %add3A_31 {strides = array<i32>} : memref<2000x64xf32, #tpu.memory_space<vmem>>, vector<2000x64xf32>,
    return
  }
  func.func @transform_0(%arg0: i32) -> (i32, i32) {
    %c0_i32 = arith.constant 0 : i32
    %c0_i32_0 = arith.constant 0 : i32
    return %arg0, %c0_i32 : i32, i32
  }
  func.func @transform_1(%arg0: i32) -> (i32, i32) {
    %c0_i32 = arith.constant 0 : i32
    %c0_i32_0 = arith.constant 0 : i32
    return %arg0, %c0_i32 : i32, i32
  }
  func.func @transform_2(%arg0: i32) -> (i32, i32) {
    %c0_i32 = arith.constant 0 : i32
    %c0_i32_0 = arith.constant 0 : i32
    return %arg0, %c0_i32 : i32, i32
  }
  func.func @transform_3(%arg0: i32) -> (i32, i32) {
    %c0_i32 = arith.constant 0 : i32
    %c0_i32_0 = arith.constant 0 : i32
    %c0_i32_1 = arith.constant 0 : i32
    return %c0_i32, %c0_i32_0 : i32, i32
  }
  func.func @transform_4(%arg0: i32) -> (i32, i32) {
    %c0_i32 = arith.constant 0 : i32
    %c0_i32_0 = arith.constant 0 : i32
    %c0_i32_1 = arith.constant 0 : i32
    return %c0_i32, %c0_i32_0 : i32, i32
  }
  func.func @transform_5(%arg0: i32) -> (i32, i32) {
    %c0_i32 = arith.constant 0 : i32
    %c0_i32_0 = arith.constant 0 : i32
    %c0_i32_1 = arith.constant 0 : i32
    return %c0_i32, %c0_i32_0 : i32, i32
  }
  func.func @transform_6(%arg0: i32) -> (i32, i32) {
    %c0_i32 = arith.constant 0 : i32
    %c0_i32_0 = arith.constant 0 : i32
    return %arg0, %c0_i32 : i32, i32
  }
  func.func @transform_7(%arg0: i32) -> (i32, i32) {
    %c0_i32 = arith.constant 0 : i32
    %c0_i32_0 = arith.constant 0 : i32
    return %arg0, %c0_i32 : i32, i32
  }
}

</mosaic_0001>

<sc_bundles>
// kernel: kernel.6.cloned.1.call-start
scs
__scs_entry_jumppad:
0x0: {  	(pc) =	sbr.rel $0x88, $3  }
0x1: {  	(tag) =	ssettag $0x0;
	lr =	simm.s32 $0x1  }
0x2: {  	[smem:$0x3F9B] =	sst lr;
	_ =	strace $0xD0000000  }
0x3: {  	_ = 	snop  }
0x4: {  	_ = 	snop  }
0x5: {  	_ = 	snop  }
0x6: {  	_ = 	snop  }
0x7: {  	_ = 	snop  }
__scs_overlays_trampoline_lowered:
0x8: {  	[smem:$0x3FAA] =	sst s0  }
0x9: {  	[smem:$0x3FAB] =	sst s1  }
0xa: {  	[smem:$0x3FAC] =	sst s2  }
0xb: {  	[smem:$0x3FAD] =	sst s3  }
0xc: {  	[smem:$0x3FAE] =	sst s4  }
0xd: {  	[smem:$0x3FAF] =	sst s5  }
0xe: {  	[smem:$0x3FB0] =	sst s6  }
0xf: {  	[smem:$0x3FB1] =	sst s7  }
0x10: {  	[smem:$0x3FB2] =	sst s8  }
0x11: {  	[smem:$0x3FB3] =	sst s9;
	s0 =	simm.s32 @!p0 $0x0  }
0x12: {  	s1 =	sld [smem:$0x3F99];
	s0 =	simm.s32 @p0 $0x1  }
0x13: {  	[smem:$0x3FB4] =	sst s0;
	s0 =	simm.s32 @!p1 $0x0  }
0x14: {  	s2 =	sld [smem:$0x3F98];
	s0 =	simm.s32 @p1 $0x1  }
0x15: {  	[smem:$0x3FB5] =	sst s0;
	s0 =	simm.s32 @!p2 $0x0  }
0x16: {  	s3 =	sld [smem:$0x3FDB];
	s0 =	simm.s32 @p2 $0x1  }
0x17: {  	s4 =	simm.s32 $0x1BF5;
	[smem:$0x3FB7] =	sst s0  }
0x18: {  	s0 =	sld [smem:$0x3F9A];
	_ =	swait.ge [sflag:s4], $0x0  }
0x19: {  	s7 =	sld [smem:$0x3F9B]  }
0x1a: {  	s8 =	sadd.s32 $0xFFFFE003, lr  }
0x1b: {  	s9 =	sadd.s32 $0xFFFFFEF7, lr;
	s5 =	simm.s32 $0xFFFFFFFF;
	p2 =	slt.u32 s8, $0xFFFFF086  }
0x1c: {  	p1 =	slt.u32 s9, $0xF7A;
	s5 =	simm.s32 @!p2 $0x0  }
0x1d: {  	s5 =	simm.s32 @p1 $0x1;
	p0 =	seq.s32 s7, s2  }
0x1e: {  	s7 =	smul.u32 @!p0 $0xF7A, s2;
	p2 =	seq.s32 @!p0 s5, $0x0  }
0x1f: {  	s9 =	smul.u32 $0xF7A, s1;
	s8 =	simm.s32 @!p0 $0x1BF5;
	p2 =	por !p2, p0  }
0x20: {  	[sflag:s8] =	ssyncset.s32 @!p0 $0xFFFFF086;
	s6 =	sadd.s32 @!p0 s3, s7;
	s7 =	simm.s32 @!p0 $0x108  }
0x21: {  	s3 =	sadd.s32 s3, s9;
	s6 =	sadd.s32 @!p0 $0x88, s6;
	s7 =	simm.s32 @p2 $0x1082  }
0x22: {  	[simem:s7], [sflag:s8] =	dma.local @!p0 [hbm:s6], $0xF7A  }
0x23: {  	s9 =	sor.u32 $0xD0000000, s2;
	s6 =	simm.s32 $0x108;
	_ =	swait.ge @!p0 [sflag:s8], $0x0  }
0x24: {  	s3 =	sadd.s32 $0x88, s3;
	s6 =	simm.s32 @!p1 $0x1082;
	[sflag:s4] =	ssyncset.s32 $0xFFFFF086  }
0x25: {  	[simem:s6], [sflag:s4] =	dma.local [hbm:s3], $0xF7A  }
0x26: {  	[smem:$0x3F9B] =	sst s1;
	(tag) =	ssettag s2;
	_ =	strace s9  }
0x27: {  	s1 =	sld [smem:$0x3FAB]  }
0x28: {  	s2 =	sld [smem:$0x3FAC]  }
0x29: {  	s4 =	sld [smem:$0x3FAE]  }
0x2a: {  	p0 =	seq.s32 s5, $0x0;
	s5 =	sld [smem:$0x3FAF]  }
0x2b: {  	s6 =	sld [smem:$0x3FB0]  }
0x2c: {  	s7 =	sld [smem:$0x3FB1]  }
0x2d: {  	s3 =	simm.s32 $0x108;
	s8 =	sld [smem:$0x3FB2]  }
0x2e: {  	s3 =	simm.s32 @!p0 $0x1082;
	s9 =	sld [smem:$0x3FB3]  }
0x2f: {  	lr =	sadd.s32 s0, s3;
	s0 =	sld [smem:$0x3FAA]  }
0x30: {  	s3 =	sld [smem:$0x3FAD]  }
0x31: {  	[smem:$0x3FB6] =	sst s10  }
0x32: {  	s10 =	sld [smem:$0x3FB4];
	_ =	sdelay $0x3  }
0x33: {  	p0 =	seq.s32 s10, $0x1;
	s10 =	sld [smem:$0x3FB6];
	_ =	sdelay $0x3  }
0x34: {  	[smem:$0x3FB6] =	sst s10  }
0x35: {  	s10 =	sld [smem:$0x3FB5];
	_ =	sdelay $0x3  }
0x36: {  	p1 =	seq.s32 s10, $0x1;
	s10 =	sld [smem:$0x3FB6];
	_ =	sdelay $0x3  }
0x37: {  	[smem:$0x3FB6] =	sst s10  }
0x38: {  	s10 =	sld [smem:$0x3FB7]  }
0x39: {  	_ = 	snop;
	(pc) =	sbr.ind lr, $3  }
0x3a: {  	_ = 	snop  }
0x3b: {  	_ = 	snop  }
0x3c: {  	p2 =	seq.s32 s10, $0x1;
	s10 =	sld [smem:$0x3FB6]  }
0x3d: {  	_ =	shalt  }
0x3e: {  	_ =	shalt  }
0x3f: {  	_ =	shalt  }
0x40: {  	_ =	shalt  }
0x41: {  	_ =	shalt  }
0x42: {  	_ =	shalt  }
0x43: {  	_ =	shalt  }
0x44: {  	_ =	shalt  }
0x45: {  	_ =	shalt  }
0x46: {  	_ =	shalt  }
0x47: {  	_ =	shalt  }
0x48: {  	_ =	shalt  }
0x49: {  	_ =	shalt  }
0x4a: {  	_ =	shalt  }
0x4b: {  	_ =	shalt  }
0x4c: {  	_ =	shalt  }
0x4d: {  	_ =	shalt  }
0x4e: {  	_ =	shalt  }
0x4f: {  	_ =	shalt  }
0x50: {  	_ =	shalt  }
0x51: {  	_ =	shalt  }
0x52: {  	_ =	shalt  }
0x53: {  	_ =	shalt  }
0x54: {  	_ =	shalt  }
0x55: {  	_ =	shalt  }
0x56: {  	_ =	shalt  }
0x57: {  	_ =	shalt  }
0x58: {  	_ =	shalt  }
0x59: {  	_ =	shalt  }
0x5a: {  	_ =	shalt  }
0x5b: {  	_ =	shalt  }
0x5c: {  	_ =	shalt  }
0x5d: {  	_ =	shalt  }
0x5e: {  	_ =	shalt  }
0x5f: {  	_ =	shalt  }
0x60: {  	_ =	shalt  }
0x61: {  	_ =	shalt  }
0x62: {  	_ =	shalt  }
0x63: {  	_ =	shalt  }
0x64: {  	_ =	shalt  }
0x65: {  	_ =	shalt  }
0x66: {  	_ =	shalt  }
0x67: {  	_ =	shalt  }
0x68: {  	_ =	shalt  }
0x69: {  	_ =	shalt  }
0x6a: {  	_ =	shalt  }
0x6b: {  	_ =	shalt  }
0x6c: {  	_ =	shalt  }
0x6d: {  	_ =	shalt  }
0x6e: {  	_ =	shalt  }
0x6f: {  	_ =	shalt  }
0x70: {  	_ =	shalt  }
0x71: {  	_ =	shalt  }
0x72: {  	_ =	shalt  }
0x73: {  	_ =	shalt  }
0x74: {  	_ =	shalt  }
0x75: {  	_ =	shalt  }
0x76: {  	_ =	shalt  }
0x77: {  	_ =	shalt  }
0x78: {  	_ =	shalt  }
0x79: {  	_ =	shalt  }
0x7a: {  	_ =	shalt  }
0x7b: {  	_ =	shalt  }
0x7c: {  	_ =	shalt  }
0x7d: {  	_ =	shalt  }
0x7e: {  	_ =	shalt  }
0x7f: {  	_ =	shalt  }
0x80: {  	_ =	shalt  }
0x81: {  	_ =	shalt  }
0x82: {  	_ =	shalt  }
0x83: {  	_ =	shalt  }
0x84: {  	_ =	shalt  }
0x85: {  	_ =	shalt  }
0x86: {  	_ =	shalt  }
0x87: {  	_ =	shalt  }
.Lfunc_end0:
.L_simem_size_0:
called_computation_lowered:
.L_overlay_start_0:
0x88: {  	s2 =	sld [smem:$0x3FD9]  }
0x89: {  	s3 =	sld [smem:$0x3FFE];
	_ =	sdelay $0x1  }
0x8a: {  	s1 =	srdreg.scid  }
0x8b: {  	s0 =	sand.u32 $0x1, s1  }
0x8c: {  	s14 =	sshll.u32 s0, $0xA;
	s2 =	sadd.s32 s3, s2  }
0x8d: {  	s2 =	sadd.s32 s2, s14  }
0x8e: {  	[smem:$0x3FC2] =	sst s2  }
0x8f: {  	_ = 	snop  }
0x90: {  	s2 =	sld [smem:$0x3FD0];
	_ =	sdelay $0x2  }
0x91: {  	s4 =	simm.s32 $0xA;
	s5 =	simm.s32 $0x10;
	s15 =	sld [smem:$0x3FC9]  }
0x92: {  	[smem:s5], [sflag:s4] =	dma.local [hbm:s2], $0x1  }
0x93: {  	_ =	swait.eq [sflag:s4], $0x1  }
0x94: {  	[sflag:s4] =	ssyncset.done $0x0  }
0x95: {  	[sflag:s4] =	ssyncadd.s32 $0xFFFFFFFF  }
0x96: {  	s16 =	sld [smem:$0x10];
	(tm) =	ssettm $0x1  }
0x97: {  	s17 =	sld [smem:$0x3FFB];
	_ =	sdelay $0x3  }
0x98: {  	_ =	strace s17  }
0x99: {  	s4 =	sld [smem:$0x3FFC];
	_ =	sdelay $0x3  }
0x9a: {  	_ =	strace s4  }
0x9b: {  	s4 =	sld [smem:$0x3FFD];
	_ =	sdelay $0x3  }
0x9c: {  	_ =	strace s4  }
0x9d: {  	_ =	strace $0x8FFFFFFF  }
0x9e: {  	s18 =	sld [smem:$0x3FDB];
	_ =	sdelay $0x1  }
0x9f: {  	s19 =	simm.s32 $_scs_section_size  }
0xa0: {  	s6 =	simm.s32 $_size__tile_overlayer_lowered;
	s7 =	simm.s32 $_tile_overlayer_lowered  }
0xa1: {  	s22 =	simm.s32 $0x1BFF;
	s21 =	sshll.u32 s7, $0x1;
	s4 =	sadd.s32 s19, s18  }
0xa2: {  	s8 =	simm.s32 $0x0;
	s20 =	sshll.u32 s6, $0x1;
	s6 =	sadd.s32 s21, s4  }
0xa3: {  	[timem:s8], [sflag:s22] =	dma.local [hbm:s6], s20  }
0xa4: {  	_ =	swait.ge [sflag:s22], s20  }
0xa5: {  	s5 =	ssub.s32 $0x0, s20;
	[sflag:s22] =	ssyncset.done $0x0  }
0xa6: {  	[sflag:s22] =	ssyncadd.s32 s5;
	_ =	sdelay $0x1  }
0xa7: {  	s23 =	simm.s32 $0x1B8B  }
0xa8: {  	_ =	swait.ge [sflag:s23], $0x1  }
0xa9: {  	[sflag:s23] =	ssyncset.done $0x0  }
0xaa: {  	s25 =	simm.s32 $0x1B8E;
	s24 =	sld [smem:$0x3FFE];
	[sflag:s23] =	ssyncadd.s32 $0xFFFFFFFF  }
0xab: {  	s26 =	simm.s32 $execute0_lowered;
	[smem:$0x3FD2] =	sst s25  }
0xac: {  	s6 =	sshll.u32 s26, $0x1;
	_ =	strace $0x80000046;
	[dreg:$0x1] =	wrdreg $0xFFFFFFFF  }
0xad: {  	s28 =	simm.s32 $_size_execute0_lowered;
	s4 =	sadd.s32 s4, s6;
	[dreg:$0x0] =	wrdreg $0x0  }
0xae: {  	s6 =	sshll.u32 s28, $0x1;
	[dreg:$0x2] =	wrdreg s4  }
0xaf: {  	[dreg:$0x3] =	wrdreg s6  }
0xb0: {  	[dreg:$0x4] =	wrdreg $0xC0  }
0xb1: {  	_ =	task [dreg:s8], $0x5FFFF  }
0xb2: {  	[dreg:$0x1] =	wrdreg $0xFFFFFFFF  }
0xb3: {  	[dreg:$0x0] =	wrdreg $0x60  }
0xb4: {  	[dreg:$0x2] =	wrdreg s24  }
0xb5: {  	[dreg:$0x3] =	wrdreg s16  }
0xb6: {  	[dreg:$0x4] =	wrdreg s15  }
0xb7: {  	[dreg:$0x5] =	wrdreg $0xB0000  }
0xb8: {  	[dreg:$0x6] =	wrdreg $0x9  }
0xb9: {  	_ =	task.clear_ibuf [dreg:s8], $0x7FFFF;
	_ =	strace $0x90000046  }
0xba: {  	s29 =	simm.s32 $0x9;
	_ =	strace $0x80000048  }
0xbb: {  	_ =	swait.ge [sflag:s29], $0x1  }
0xbc: {  	[sflag:s29] =	ssyncadd.s32 $0xFFFFFFFF  }
0xbd: {  	_ =	strace $0x90000048  }
0xbe: {  	_ =	sfence  }
0xbf: {  	s30 =	sld [smem:$0x0];
	_ =	sdelay $0x2  }
0xc0: {  	s31 =	sshll.u32 s1, $0xD;
	s1 =	sshrl.u32 s1, $0x2  }
0xc1: {  	s3 =	sand.u32 $0x4000, s31;
	s1 =	sadd.s32 s1, s30  }
0xc2: {  	s0 =	sor.u32 s3, s0;
	s1 =	sshll.u32 s1, $0x11  }
0xc3: {  	s0 =	sor.u32 s1, s0  }
0xc4: {  	s0 =	sadd.s32 $0x8F2B, s0  }
0xc5: {  	[sflag:s0] =	ssyncadd.remote.s32 $0x1  }
0xc6: {  	_ =	sfence.sel $0xFFFF  }
0xc7: {  	[dreg:$0x0] =	wrdreg $0xFFFFFFFF;
	(pc) =	sbr.abs _section_cstart, $3  }
0xc8: {  	[dreg:$0x1] =	wrdreg $0xFFFFFFFF  }
0xc9: {  	_ =	task.clear_ibuf [dreg:s8], $0x2FFFF;
	_ =	strace $0x9FFFFFFF  }
0xca: {  	(tm) =	ssettm $0x7FFFFFFF  }
0xcb: {  	_ =	shalt  }
tec
execute0_lowered:
.L_overlay_start_1:
0x0: {  	(tag) =	ssettag $0x1  }
0x1: {  	s0 =	rddreg [dreg:$0x0]  }
0x2: {  	s1 =	rddreg [dreg:$0x1]  }
0x3: {  	s2 =	rddreg [dreg:$0x2]  }
0x4: {  	s3 =	rddreg [dreg:$0x3];
	s5 =	srdreg.scid  }
0x5: {  	s14 =	stileid.u32;
	s4 =	simm.s32 $0x0;
	s18 =	simm.s32 $0x3  }
0x6: {  	s19 =	simm.s32 $0x1800;
	s20 =	simm.s32 $0x80;
	s21 =	simm.s32 $0x3000  }
0x7: {  	s28 =	simm.s32 $0x1780;
	s29 =	simm.s32 $0x2F00;
	s6 =	smul.u32 $0x2800, s14  }
0x8: {  	s30 =	simm.s32 $0x2F80;
	s31 =	simm.s32 $0x0;
	s9 =	smul.u32 $0x50000, s14  }
0x9: {  	s7 =	sand.u32 $0x1, s5;
	[smem:$0x7FF] =	sst s4;
	s11 =	smul.u32 $0x4800, s14  }
0xa: {  	s13 =	sadd.s32 $0x2200, s0;
	s5 =	sadd.s32 $0xC200, s0;
	s24 =	smul.u32 $0x900, s14  }
0xb: {  	s23 =	sshll.u32 s14, $0x6;
	s14 =	sshll.u32 s14, $0x8;
	s8 =	smul.u32 $0x28000, s7  }
0xc: {  	_ =	strace $0x80000047;
	s22 =	ssub.s32 $0x2, s7;
	p0 =	seq.s32 s7, $0x1  }
0xd: {  	s14 =	sor.u32 $0x9000, s14;
	s10 =	sshrl.u32 s22, $0x1;
	s9 =	sshrl.u32 s9, $0x2  }
0xe: {  	s11 =	sshrl.u32 s11, $0x3;
	s26 =	sadd.s32 s13, s24;
	s6 =	sadd.s32 s6, s8  }
0xf: {  	s16 =	ssub.s32 s22, s10;
	s17 =	sadd.s32 s9, s3;
	s25 =	sadd.s32 $0x300, s11  }
0x10: {  	[dreg:$0x5] =	wrdreg s26;
	s8 =	sadd.s32 s1, s24;
	s12 =	sadd.s32 $0x600, s11  }
.Ltmp0:
0x11: {  	s22 =	simm.s32 $0x7000;
	s0 =	sadd.s32 s6, s0;
	(pc) =	sbr.rel .LBB2_1-.Ltmp0, $4  }
0x12: {  	s6 =	sor.u32 $0x1C03, s23;
	s9 =	sadd.s32 s13, s25;
	s10 =	sadd.s32 s1, s25  }
0x13: {  	s11 =	sadd.s32 s13, s12;
	s12 =	sadd.s32 s1, s12;
	s13 =	sadd.s32 s13, s14  }
0x14: {  	s14 =	sadd.s32 s1, s14;
	s16 =	smax.u32 s16, $0x1;
	s17 =	sshrl.u32 s17, $0x3  }
0x15: {  	s23 =	simm.s32 $0x1;
	s25 =	simm.s32 $0x2;
	s15 =	sadd.s32 $0xEA00, s0  }
.LBB2_10:
0x16: {  	[tilespmem:s4], [sflag:$0x3] =	stream.linear.gather [hbm4b:s13+s4], $0x800, $0x38;
	[tilespmem:$0x1F000] =	vst v63  }
0x17: {  	_ =	swait.ge [sflag:s18], $0x800  }
0x18: {  	[sflag:s18] =	ssyncset.done $0x0  }
0x19: {  	[sflag:s18] =	ssyncadd.s32 $0xFFFFF800  }
0x1a: {  	[tilespmem:s19], [sflag:$0x3] =	stream.linear.gather [hbm4b:s14+s4], $0x800, $0x38;
	[tilespmem:$0x1F000] =	vst v63  }
0x1b: {  	_ =	swait.ge [sflag:s18], $0x800  }
0x1c: {  	[sflag:s18] =	ssyncset.done $0x0  }
0x1d: {  	[sflag:s18] =	ssyncadd.s32 $0xFFFFF800  }
0x1e: {  	[tilespmem:s21], [sflag:$0x1] =	stream.indirect.gather [hbm4b:s2+s20], $0x80, s4, s20, $0xb8;
	[tilespmem:$0x1F000] =	vst v63  }
0x1f: {  	_ = 	snop  }
0x20: {  	[tilespmem:s22], [sflag:$0x2] =	stream.indirect.gather [hbm4b:s2+s20], $0x80, s20, s20, $0xb8;
	[tilespmem:$0x1F000] =	vst v63  }
0x21: {  	_ =	swait.ge [sflag:s23], $0x4000  }
0x22: {  	[sflag:s23] =	ssyncset.done $0x0  }
0x23: {  	[sflag:s23] =	ssyncadd.s32 $0xFFFFC000  }
0x24: {  	[spmem:s3] =	stream.indirect.scatter.add.f32 [tilespmem:s21], [sflag:$0x3], $0x80, s19, s20, $0xb8;
	[tilespmem:$0x1F000] =	vst v63  }
0x25: {  	_ =	swait.ge [sflag:s18], $0x4000  }
0x26: {  	[sflag:s18] =	ssyncset.done $0x0  }
0x27: {  	s0 =	simm.s32 $0x100;
	[sflag:s18] =	ssyncadd.s32 $0xFFFFC000  }
0x28: {  	[tilespmem:s21], [sflag:$0x1] =	stream.indirect.gather [hbm4b:s2+s20], $0x80, s0, s20, $0xb8;
	[tilespmem:$0x1F000] =	vst v63  }
0x29: {  	_ =	swait.ge [sflag:s25], $0x4000  }
0x2a: {  	[sflag:s25] =	ssyncset.done $0x0  }
0x2b: {  	s26 =	simm.s32 $0x1880;
	[sflag:s25] =	ssyncadd.s32 $0xFFFFC000  }
0x2c: {  	[spmem:s3] =	stream.indirect.scatter.add.f32 [tilespmem:s22], [sflag:$0x3], $0x80, s26, s20, $0xb8;
	[tilespmem:$0x1F000] =	vst v63  }
0x2d: {  	_ =	swait.ge [sflag:s18], $0x4000  }
0x2e: {  	[sflag:s18] =	ssyncset.done $0x0  }
0x2f: {  	s1 =	simm.s32 $0x180;
	[sflag:s18] =	ssyncadd.s32 $0xFFFFC000  }
0x30: {  	[tilespmem:s22], [sflag:$0x2] =	stream.indirect.gather [hbm4b:s2+s20], $0x80, s1, s20, $0xb8;
	[tilespmem:$0x1F000] =	vst v63  }
0x31: {  	_ =	swait.ge [sflag:s23], $0x4000  }
0x32: {  	[sflag:s23] =	ssyncset.done $0x0  }
0x33: {  	s7 =	simm.s32 $0x1900;
	[sflag:s23] =	ssyncadd.s32 $0xFFFFC000  }
0x34: {  	[spmem:s3] =	stream.indirect.scatter.add.f32 [tilespmem:s21], [sflag:$0x3], $0x80, s7, s20, $0xb8;
	[tilespmem:$0x1F000] =	vst v63  }
0x35: {  	_ =	swait.ge [sflag:s18], $0x4000  }
0x36: {  	[sflag:s18] =	ssyncset.done $0x0  }
0x37: {  	s24 =	simm.s32 $0x200;
	[sflag:s18] =	ssyncadd.s32 $0xFFFFC000  }
0x38: {  	[tilespmem:s21], [sflag:$0x1] =	stream.indirect.gather [hbm4b:s2+s20], $0x80, s24, s20, $0xb8;
	[tilespmem:$0x1F000] =	vst v63  }
0x39: {  	_ =	swait.ge [sflag:s25], $0x4000  }
0x3a: {  	[sflag:s25] =	ssyncset.done $0x0  }
0x3b: {  	s26 =	simm.s32 $0x1980;
	[sflag:s25] =	ssyncadd.s32 $0xFFFFC000  }
0x3c: {  	[spmem:s3] =	stream.indirect.scatter.add.f32 [tilespmem:s22], [sflag:$0x3], $0x80, s26, s20, $0xb8;
	[tilespmem:$0x1F000] =	vst v63  }
0x3d: {  	_ =	swait.ge [sflag:s18], $0x4000  }
0x3e: {  	[sflag:s18] =	ssyncset.done $0x0  }
0x3f: {  	s1 =	simm.s32 $0x280;
	[sflag:s18] =	ssyncadd.s32 $0xFFFFC000  }
0x40: {  	[tilespmem:s22], [sflag:$0x2] =	stream.indirect.gather [hbm4b:s2+s20], $0x80, s1, s20, $0xb8;
	[tilespmem:$0x1F000] =	vst v63  }
0x41: {  	_ =	swait.ge [sflag:s23], $0x4000  }
0x42: {  	[sflag:s23] =	ssyncset.done $0x0  }
0x43: {  	s7 =	simm.s32 $0x1A00;
	[sflag:s23] =	ssyncadd.s32 $0xFFFFC000  }
0x44: {  	[spmem:s3] =	stream.indirect.scatter.add.f32 [tilespmem:s21], [sflag:$0x3], $0x80, s7, s20, $0xb8;
	[tilespmem:$0x1F000] =	vst v63  }
0x45: {  	_ =	swait.ge [sflag:s18], $0x4000  }
0x46: {  	[sflag:s18] =	ssyncset.done $0x0  }
0x47: {  	s24 =	simm.s32 $0x300;
	[sflag:s18] =	ssyncadd.s32 $0xFFFFC000  }
0x48: {  	[tilespmem:s21], [sflag:$0x1] =	stream.indirect.gather [hbm4b:s2+s20], $0x80, s24, s20, $0xb8;
	[tilespmem:$0x1F000] =	vst v63  }
0x49: {  	_ =	swait.ge [sflag:s25], $0x4000  }
0x4a: {  	[sflag:s25] =	ssyncset.done $0x0  }
0x4b: {  	s26 =	simm.s32 $0x1A80;
	[sflag:s25] =	ssyncadd.s32 $0xFFFFC000  }
0x4c: {  	[spmem:s3] =	stream.indirect.scatter.add.f32 [tilespmem:s22], [sflag:$0x3], $0x80, s26, s20, $0xb8;
	[tilespmem:$0x1F000] =	vst v63  }
0x4d: {  	_ =	swait.ge [sflag:s18], $0x4000  }
0x4e: {  	[sflag:s18] =	ssyncset.done $0x0  }
0x4f: {  	s1 =	simm.s32 $0x380;
	[sflag:s18] =	ssyncadd.s32 $0xFFFFC000  }
0x50: {  	[tilespmem:s22], [sflag:$0x2] =	stream.indirect.gather [hbm4b:s2+s20], $0x80, s1, s20, $0xb8;
	[tilespmem:$0x1F000] =	vst v63  }
0x51: {  	_ =	swait.ge [sflag:s23], $0x4000  }
0x52: {  	[sflag:s23] =	ssyncset.done $0x0  }
0x53: {  	s7 =	simm.s32 $0x1B00;
	[sflag:s23] =	ssyncadd.s32 $0xFFFFC000  }
0x54: {  	[spmem:s3] =	stream.indirect.scatter.add.f32 [tilespmem:s21], [sflag:$0x3], $0x80, s7, s20, $0xb8;
	[tilespmem:$0x1F000] =	vst v63  }
0x55: {  	_ =	swait.ge [sflag:s18], $0x4000  }
0x56: {  	[sflag:s18] =	ssyncset.done $0x0  }
0x57: {  	s24 =	simm.s32 $0x400;
	[sflag:s18] =	ssyncadd.s32 $0xFFFFC000  }
0x58: {  	[tilespmem:s21], [sflag:$0x1] =	stream.indirect.gather [hbm4b:s2+s20], $0x80, s24, s20, $0xb8;
	[tilespmem:$0x1F000] =	vst v63  }
0x59: {  	_ =	swait.ge [sflag:s25], $0x4000  }
0x5a: {  	[sflag:s25] =	ssyncset.done $0x0  }
0x5b: {  	s26 =	simm.s32 $0x1B80;
	[sflag:s25] =	ssyncadd.s32 $0xFFFFC000  }
0x5c: {  	[spmem:s3] =	stream.indirect.scatter.add.f32 [tilespmem:s22], [sflag:$0x3], $0x80, s26, s20, $0xb8;
	[tilespmem:$0x1F000] =	vst v63  }
0x5d: {  	_ =	swait.ge [sflag:s18], $0x4000  }
0x5e: {  	[sflag:s18] =	ssyncset.done $0x0  }
0x5f: {  	s1 =	simm.s32 $0x480;
	[sflag:s18] =	ssyncadd.s32 $0xFFFFC000  }
0x60: {  	[tilespmem:s22], [sflag:$0x2] =	stream.indirect.gather [hbm4b:s2+s20], $0x80, s1, s20, $0xb8;
	[tilespmem:$0x1F000] =	vst v63  }
0x61: {  	_ =	swait.ge [sflag:s23], $0x4000  }
0x62: {  	[sflag:s23] =	ssyncset.done $0x0  }
0x63: {  	s7 =	simm.s32 $0x1C00;
	[sflag:s23] =	ssyncadd.s32 $0xFFFFC000  }
0x64: {  	[spmem:s3] =	stream.indirect.scatter.add.f32 [tilespmem:s21], [sflag:$0x3], $0x80, s7, s20, $0xb8;
	[tilespmem:$0x1F000] =	vst v63  }
0x65: {  	_ =	swait.ge [sflag:s18], $0x4000  }
0x66: {  	[sflag:s18] =	ssyncset.done $0x0  }
0x67: {  	s24 =	simm.s32 $0x500;
	[sflag:s18] =	ssyncadd.s32 $0xFFFFC000  }
0x68: {  	[tilespmem:s21], [sflag:$0x1] =	stream.indirect.gather [hbm4b:s2+s20], $0x80, s24, s20, $0xb8;
	[tilespmem:$0x1F000] =	vst v63  }
0x69: {  	_ =	swait.ge [sflag:s25], $0x4000  }
0x6a: {  	[sflag:s25] =	ssyncset.done $0x0  }
0x6b: {  	s26 =	simm.s32 $0x1C80;
	[sflag:s25] =	ssyncadd.s32 $0xFFFFC000  }
0x6c: {  	[spmem:s3] =	stream.indirect.scatter.add.f32 [tilespmem:s22], [sflag:$0x3], $0x80, s26, s20, $0xb8;
	[tilespmem:$0x1F000] =	vst v63  }
0x6d: {  	_ =	swait.ge [sflag:s18], $0x4000  }
0x6e: {  	[sflag:s18] =	ssyncset.done $0x0  }
0x6f: {  	s1 =	simm.s32 $0x580;
	[sflag:s18] =	ssyncadd.s32 $0xFFFFC000  }
0x70: {  	[tilespmem:s22], [sflag:$0x2] =	stream.indirect.gather [hbm4b:s2+s20], $0x80, s1, s20, $0xb8;
	[tilespmem:$0x1F000] =	vst v63  }
0x71: {  	_ =	swait.ge [sflag:s23], $0x4000  }
0x72: {  	[sflag:s23] =	ssyncset.done $0x0  }
0x73: {  	s7 =	simm.s32 $0x1D00;
	[sflag:s23] =	ssyncadd.s32 $0xFFFFC000  }
0x74: {  	[spmem:s3] =	stream.indirect.scatter.add.f32 [tilespmem:s21], [sflag:$0x3], $0x80, s7, s20, $0xb8;
	[tilespmem:$0x1F000] =	vst v63  }
0x75: {  	_ =	swait.ge [sflag:s18], $0x4000  }
0x76: {  	[sflag:s18] =	ssyncset.done $0x0  }
0x77: {  	s24 =	simm.s32 $0x600;
	[sflag:s18] =	ssyncadd.s32 $0xFFFFC000  }
0x78: {  	[tilespmem:s21], [sflag:$0x1] =	stream.indirect.gather [hbm4b:s2+s20], $0x80, s24, s20, $0xb8;
	[tilespmem:$0x1F000] =	vst v63  }
0x79: {  	_ =	swait.ge [sflag:s25], $0x4000  }
0x7a: {  	[sflag:s25] =	ssyncset.done $0x0  }
0x7b: {  	s26 =	simm.s32 $0x1D80;
	[sflag:s25] =	ssyncadd.s32 $0xFFFFC000  }
0x7c: {  	[spmem:s3] =	stream.indirect.scatter.add.f32 [tilespmem:s22], [sflag:$0x3], $0x80, s26, s20, $0xb8;
	[tilespmem:$0x1F000] =	vst v63  }
0x7d: {  	_ =	swait.ge [sflag:s18], $0x4000  }
0x7e: {  	[sflag:s18] =	ssyncset.done $0x0  }
0x7f: {  	s1 =	simm.s32 $0x680;
	[sflag:s18] =	ssyncadd.s32 $0xFFFFC000  }
0x80: {  	[tilespmem:s22], [sflag:$0x2] =	stream.indirect.gather [hbm4b:s2+s20], $0x80, s1, s20, $0xb8;
	[tilespmem:$0x1F000] =	vst v63  }
0x81: {  	_ =	swait.ge [sflag:s23], $0x4000  }
0x82: {  	[sflag:s23] =	ssyncset.done $0x0  }
0x83: {  	s7 =	simm.s32 $0x1E00;
	[sflag:s23] =	ssyncadd.s32 $0xFFFFC000  }
0x84: {  	[spmem:s3] =	stream.indirect.scatter.add.f32 [tilespmem:s21], [sflag:$0x3], $0x80, s7, s20, $0xb8;
	[tilespmem:$0x1F000] =	vst v63  }
0x85: {  	_ =	swait.ge [sflag:s18], $0x4000  }
0x86: {  	[sflag:s18] =	ssyncset.done $0x0  }
0x87: {  	s24 =	simm.s32 $0x700;
	[sflag:s18] =	ssyncadd.s32 $0xFFFFC000  }
0x88: {  	[tilespmem:s21], [sflag:$0x1] =	stream.indirect.gather [hbm4b:s2+s20], $0x80, s24, s20, $0xb8;
	[tilespmem:$0x1F000] =	vst v63  }
0x89: {  	_ =	swait.ge [sflag:s25], $0x4000  }
0x8a: {  	[sflag:s25] =	ssyncset.done $0x0  }
0x8b: {  	s26 =	simm.s32 $0x1E80;
	[sflag:s25] =	ssyncadd.s32 $0xFFFFC000  }
0x8c: {  	[spmem:s3] =	stream.indirect.scatter.add.f32 [tilespmem:s22], [sflag:$0x3], $0x80, s26, s20, $0xb8;
	[tilespmem:$0x1F000] =	vst v63  }
0x8d: {  	_ =	swait.ge [sflag:s18], $0x4000  }
0x8e: {  	s0 =	simm.s32 $0x1F80;
	[sflag:s18] =	ssyncset.done $0x0  }
0x8f: {  	s1 =	simm.s32 $0x1F00;
	s24 =	simm.s32 $0x780;
	[sflag:s18] =	ssyncadd.s32 $0xFFFFC000  }
.LBB2_11:
0x90: {  	[tilespmem:s22], [sflag:$0x2] =	stream.indirect.gather [hbm4b:s2+s20], $0x80, s24, s20, $0xb8;
	[tilespmem:$0x1F000] =	vst v63  }
0x91: {  	_ =	swait.ge [sflag:s23], $0x4000  }
0x92: {  	[sflag:s23] =	ssyncset.done $0x0  }
0x93: {  	[sflag:s23] =	ssyncadd.s32 $0xFFFFC000  }
0x94: {  	[spmem:s3] =	stream.indirect.scatter.add.f32 [tilespmem:s21], [sflag:$0x3], $0x80, s1, s20, $0xb8;
	[tilespmem:$0x1F000] =	vst v63  }
0x95: {  	_ =	swait.ge [sflag:s18], $0x4000  }
0x96: {  	[sflag:s18] =	ssyncset.done $0x0  }
0x97: {  	[sflag:s18] =	ssyncadd.s32 $0xFFFFC000  }
0x98: {  	_ =	swait.ge [sflag:s25], $0x4000  }
0x99: {  	[sflag:s25] =	ssyncset.done $0x0  }
0x9a: {  	[sflag:s25] =	ssyncadd.s32 $0xFFFFC000  }
0x9b: {  	[spmem:s3] =	stream.indirect.scatter.add.f32 [tilespmem:s22], [sflag:$0x3], $0x80, s0, s20, $0xb8;
	[tilespmem:$0x1F000] =	vst v63  }
0x9c: {  	_ =	swait.ge [sflag:s18], $0x4000  }
0x9d: {  	s31 =	sadd.s32 $0x1, s31;
	[sflag:s18] =	ssyncset.done $0x0  }
0x9e: {  	p1 =	sne.s32 s31, s16;
	[sflag:s18] =	ssyncadd.s32 $0xFFFFC000  }
.Ltmp1:
0x9f: {  	[bflag:$0x0] =	sbarrier.arrive $0xFFFF;
	(pc) =	sbr.rel @!p1 .LBB2_12-.Ltmp1, $4  }
0xa0: {  	[hbm:s15], [sflag:s6] =	dma.local [spmem:s17], $0x2800  }
0xa1: {  	_ =	swait.ge [sflag:s18], $0x2800  }
0xa2: {  	[sflag:s18] =	ssyncset.done $0x0  }
0xa3: {  	[sflag:s18] =	ssyncadd.s32 $0xFFFFD800  }
.LBB2_1:
0xa4: {  	[spmem:s17], [sflag:s6] =	dma.local [hbm:s5], $0x2800  }
.Ltmp2:
0xa5: {  	_ =	swait.ge [sflag:s18], $0x2800;
	(pc) =	sbr.rel @p0 .LBB2_10-.Ltmp2, $3  }
0xa6: {  	[sflag:s18] =	ssyncset.done $0x0  }
0xa7: {  	[sflag:s18] =	ssyncadd.s32 $0xFFFFD800  }
0xa8: {  	[bflag:$0x0] =	sbarrier.arrive $0xFFFF;
	_ =	sdelay $0x1  }
0xa9: {  	s0 =	simm.s32 $0x0;
	s1 =	rddreg [dreg:$0x5]  }
0xaa: {  	[tilespmem:s0], [sflag:$0x3] =	stream.linear.gather [hbm4b:s1+s0], $0x1800, $0x38;
	[tilespmem:$0x1F000] =	vst v63  }
0xab: {  	_ =	swait.ge [sflag:s18], $0x1800  }
0xac: {  	[sflag:s18] =	ssyncset.done $0x0  }
0xad: {  	[sflag:s18] =	ssyncadd.s32 $0xFFFFE800  }
0xae: {  	[tilespmem:s19], [sflag:$0x3] =	stream.linear.gather [hbm4b:s8+s0], $0x1800, $0x38;
	[tilespmem:$0x1F000] =	vst v63  }
0xaf: {  	_ =	swait.ge [sflag:s18], $0x1800  }
0xb0: {  	[sflag:s18] =	ssyncset.done $0x0  }
0xb1: {  	[sflag:s18] =	ssyncadd.s32 $0xFFFFE800  }
0xb2: {  	[tilespmem:s21], [sflag:$0x1] =	stream.indirect.gather [hbm4b:s2+s20], $0x80, s0, s20, $0xb8;
	[tilespmem:$0x1F000] =	vst v63  }
0xb3: {  	s1 =	simm.s32 $0x80  }
0xb4: {  	[tilespmem:s22], [sflag:$0x2] =	stream.indirect.gather [hbm4b:s2+s20], $0x80, s1, s20, $0xb8;
	[tilespmem:$0x1F000] =	vst v63  }
0xb5: {  	_ =	swait.ge [sflag:s23], $0x4000  }
0xb6: {  	[sflag:s23] =	ssyncset.done $0x0  }
0xb7: {  	s7 =	simm.s32 $0x1800;
	[sflag:s23] =	ssyncadd.s32 $0xFFFFC000  }
0xb8: {  	[spmem:s3] =	stream.indirect.scatter.add.f32 [tilespmem:s21], [sflag:$0x3], $0x80, s7, s20, $0xb8;
	[tilespmem:$0x1F000] =	vst v63  }
0xb9: {  	_ =	swait.ge [sflag:s18], $0x4000  }
0xba: {  	[sflag:s18] =	ssyncset.done $0x0  }
0xbb: {  	s24 =	simm.s32 $0x100;
	[sflag:s18] =	ssyncadd.s32 $0xFFFFC000  }
0xbc: {  	[tilespmem:s21], [sflag:$0x1] =	stream.indirect.gather [hbm4b:s2+s20], $0x80, s24, s20, $0xb8;
	[tilespmem:$0x1F000] =	vst v63  }
0xbd: {  	_ =	swait.ge [sflag:s25], $0x4000  }
0xbe: {  	[sflag:s25] =	ssyncset.done $0x0  }
0xbf: {  	s26 =	simm.s32 $0x1880;
	[sflag:s25] =	ssyncadd.s32 $0xFFFFC000  }
0xc0: {  	[spmem:s3] =	stream.indirect.scatter.add.f32 [tilespmem:s22], [sflag:$0x3], $0x80, s26, s20, $0xb8;
	[tilespmem:$0x1F000] =	vst v63  }
0xc1: {  	_ =	swait.ge [sflag:s18], $0x4000  }
0xc2: {  	s0 =	simm.s32 $0x100;
	s1 =	simm.s32 $0x800;
	[sflag:s18] =	ssyncset.done $0x0  }
.LBB2_3:
0xc3: {  	s24 =	sadd.s32 $0x80, s0  }
0xc4: {  	[sflag:s18] =	ssyncadd.s32 $0xFFFFC000;
	s26 =	smov.u32 s1;
	s7 =	sadd.s32 $0x400, s1  }
0xc5: {  	[tilespmem:s22], [sflag:$0x2] =	stream.indirect.gather [hbm4b:s2+s20], $0x80, s24, s20, $0xb8;
	[tilespmem:$0x1F000] =	vst v63  }
0xc6: {  	p1 =	sne.s32 s1, $0x5800;
	_ =	swait.ge [sflag:s23], $0x4000  }
0xc7: {  	[sflag:s23] =	ssyncset.done $0x0  }
0xc8: {  	s1 =	sadd.s32 $0x1800, s0;
	[sflag:s23] =	ssyncadd.s32 $0xFFFFC000  }
0xc9: {  	[spmem:s3] =	stream.indirect.scatter.add.f32 [tilespmem:s21], [sflag:$0x3], $0x80, s1, s20, $0xb8;
	[tilespmem:$0x1F000] =	vst v63  }
0xca: {  	_ =	swait.ge [sflag:s18], $0x4000  }
0xcb: {  	[sflag:s18] =	ssyncset.done $0x0  }
0xcc: {  	s1 =	sadd.s32 $0x100, s0;
	[sflag:s18] =	ssyncadd.s32 $0xFFFFC000  }
0xcd: {  	[tilespmem:s21], [sflag:$0x1] =	stream.indirect.gather [hbm4b:s2+s20], $0x80, s1, s20, $0xb8;
	[tilespmem:$0x1F000] =	vst v63  }
0xce: {  	_ =	swait.ge [sflag:s25], $0x4000  }
.Ltmp3:
0xcf: {  	[sflag:s25] =	ssyncset.done $0x0;
	(pc) =	sbr.rel @p1 .LBB2_3-.Ltmp3, $4  }
0xd0: {  	s0 =	sadd.s32 $0x1880, s0;
	[sflag:s25] =	ssyncadd.s32 $0xFFFFC000  }
0xd1: {  	[spmem:s3] =	stream.indirect.scatter.add.f32 [tilespmem:s22], [sflag:$0x3], $0x80, s0, s20, $0xb8;
	[tilespmem:$0x1F000] =	vst v63  }
0xd2: {  	_ =	swait.ge [sflag:s18], $0x4000  }
0xd3: {  	s1 =	smov.u32 s7;
	s0 =	sshra.s32 s26, $0x2;
	[sflag:s18] =	ssyncset.done $0x0  }
0xd4: {  	s1 =	sadd.s32 $0x80, s0;
	[sflag:s18] =	ssyncadd.s32 $0xFFFFC000  }
0xd5: {  	[tilespmem:s22], [sflag:$0x2] =	stream.indirect.gather [hbm4b:s2+s20], $0x80, s1, s20, $0xb8;
	[tilespmem:$0x1F000] =	vst v63  }
0xd6: {  	_ =	swait.ge [sflag:s23], $0x4000  }
0xd7: {  	[sflag:s23] =	ssyncset.done $0x0  }
0xd8: {  	s26 =	sadd.s32 $0x1800, s0;
	[sflag:s23] =	ssyncadd.s32 $0xFFFFC000  }
0xd9: {  	[spmem:s3] =	stream.indirect.scatter.add.f32 [tilespmem:s21], [sflag:$0x3], $0x80, s26, s20, $0xb8;
	[tilespmem:$0x1F000] =	vst v63  }
0xda: {  	_ =	swait.ge [sflag:s18], $0x4000  }
0xdb: {  	[sflag:s18] =	ssyncset.done $0x0  }
0xdc: {  	s7 =	sadd.s32 $0x100, s0;
	[sflag:s18] =	ssyncadd.s32 $0xFFFFC000  }
0xdd: {  	[tilespmem:s21], [sflag:$0x1] =	stream.indirect.gather [hbm4b:s2+s20], $0x80, s7, s20, $0xb8;
	[tilespmem:$0x1F000] =	vst v63  }
0xde: {  	_ =	swait.ge [sflag:s25], $0x4000  }
0xdf: {  	[sflag:s25] =	ssyncset.done $0x0  }
0xe0: {  	s24 =	sadd.s32 $0x1880, s0;
	[sflag:s25] =	ssyncadd.s32 $0xFFFFC000  }
0xe1: {  	[spmem:s3] =	stream.indirect.scatter.add.f32 [tilespmem:s22], [sflag:$0x3], $0x80, s24, s20, $0xb8;
	[tilespmem:$0x1F000] =	vst v63  }
0xe2: {  	_ =	swait.ge [sflag:s18], $0x4000  }
0xe3: {  	[sflag:s18] =	ssyncset.done $0x0  }
0xe4: {  	[sflag:s18] =	ssyncadd.s32 $0xFFFFC000  }
0xe5: {  	[tilespmem:s22], [sflag:$0x2] =	stream.indirect.gather [hbm4b:s2+s20], $0x80, s28, s20, $0xb8;
	[tilespmem:$0x1F000] =	vst v63  }
0xe6: {  	_ =	swait.ge [sflag:s23], $0x4000  }
0xe7: {  	[sflag:s23] =	ssyncset.done $0x0  }
0xe8: {  	[sflag:s23] =	ssyncadd.s32 $0xFFFFC000  }
0xe9: {  	[spmem:s3] =	stream.indirect.scatter.add.f32 [tilespmem:s21], [sflag:$0x3], $0x80, s29, s20, $0xb8;
	[tilespmem:$0x1F000] =	vst v63  }
0xea: {  	_ =	swait.ge [sflag:s18], $0x4000  }
0xeb: {  	[sflag:s18] =	ssyncset.done $0x0  }
0xec: {  	[sflag:s18] =	ssyncadd.s32 $0xFFFFC000  }
0xed: {  	_ =	swait.ge [sflag:s25], $0x4000  }
0xee: {  	[sflag:s25] =	ssyncset.done $0x0  }
0xef: {  	[sflag:s25] =	ssyncadd.s32 $0xFFFFC000  }
0xf0: {  	[spmem:s3] =	stream.indirect.scatter.add.f32 [tilespmem:s22], [sflag:$0x3], $0x80, s30, s20, $0xb8;
	[tilespmem:$0x1F000] =	vst v63  }
0xf1: {  	_ =	swait.ge [sflag:s18], $0x4000  }
0xf2: {  	[sflag:s18] =	ssyncset.done $0x0  }
0xf3: {  	s26 =	simm.s32 $0x0;
	[sflag:s18] =	ssyncadd.s32 $0xFFFFC000  }
0xf4: {  	[tilespmem:s26], [sflag:$0x3] =	stream.linear.gather [hbm4b:s9+s26], $0x1800, $0x38;
	[tilespmem:$0x1F000] =	vst v63  }
0xf5: {  	_ =	swait.ge [sflag:s18], $0x1800  }
0xf6: {  	[sflag:s18] =	ssyncset.done $0x0  }
0xf7: {  	[sflag:s18] =	ssyncadd.s32 $0xFFFFE800  }
0xf8: {  	[tilespmem:s19], [sflag:$0x3] =	stream.linear.gather [hbm4b:s10+s26], $0x1800, $0x38;
	[tilespmem:$0x1F000] =	vst v63  }
0xf9: {  	_ =	swait.ge [sflag:s18], $0x1800  }
0xfa: {  	[sflag:s18] =	ssyncset.done $0x0  }
0xfb: {  	[sflag:s18] =	ssyncadd.s32 $0xFFFFE800  }
0xfc: {  	[tilespmem:s21], [sflag:$0x1] =	stream.indirect.gather [hbm4b:s2+s20], $0x80, s26, s20, $0xb8;
	[tilespmem:$0x1F000] =	vst v63  }
0xfd: {  	s1 =	simm.s32 $0x80  }
0xfe: {  	[tilespmem:s22], [sflag:$0x2] =	stream.indirect.gather [hbm4b:s2+s20], $0x80, s1, s20, $0xb8;
	[tilespmem:$0x1F000] =	vst v63  }
0xff: {  	_ =	swait.ge [sflag:s23], $0x4000  }
0x100: {  	[sflag:s23] =	ssyncset.done $0x0  }
0x101: {  	s7 =	simm.s32 $0x1800;
	[sflag:s23] =	ssyncadd.s32 $0xFFFFC000  }
0x102: {  	[spmem:s3] =	stream.indirect.scatter.add.f32 [tilespmem:s21], [sflag:$0x3], $0x80, s7, s20, $0xb8;
	[tilespmem:$0x1F000] =	vst v63  }
0x103: {  	_ =	swait.ge [sflag:s18], $0x4000  }
0x104: {  	[sflag:s18] =	ssyncset.done $0x0  }
0x105: {  	s24 =	simm.s32 $0x100;
	[sflag:s18] =	ssyncadd.s32 $0xFFFFC000  }
0x106: {  	[tilespmem:s21], [sflag:$0x1] =	stream.indirect.gather [hbm4b:s2+s20], $0x80, s24, s20, $0xb8;
	[tilespmem:$0x1F000] =	vst v63  }
0x107: {  	_ =	swait.ge [sflag:s25], $0x4000  }
0x108: {  	[sflag:s25] =	ssyncset.done $0x0  }
0x109: {  	s26 =	simm.s32 $0x1880;
	[sflag:s25] =	ssyncadd.s32 $0xFFFFC000  }
0x10a: {  	[spmem:s3] =	stream.indirect.scatter.add.f32 [tilespmem:s22], [sflag:$0x3], $0x80, s26, s20, $0xb8;
	[tilespmem:$0x1F000] =	vst v63  }
0x10b: {  	_ =	swait.ge [sflag:s18], $0x4000  }
0x10c: {  	s0 =	simm.s32 $0x100;
	s1 =	simm.s32 $0x800;
	[sflag:s18] =	ssyncset.done $0x0  }
.LBB2_5:
0x10d: {  	s7 =	sadd.s32 $0x80, s0  }
0x10e: {  	[sflag:s18] =	ssyncadd.s32 $0xFFFFC000;
	s24 =	smov.u32 s1;
	s26 =	sadd.s32 $0x400, s1  }
0x10f: {  	[tilespmem:s22], [sflag:$0x2] =	stream.indirect.gather [hbm4b:s2+s20], $0x80, s7, s20, $0xb8;
	[tilespmem:$0x1F000] =	vst v63  }
0x110: {  	p1 =	sne.s32 s1, $0x5800;
	_ =	swait.ge [sflag:s23], $0x4000  }
0x111: {  	[sflag:s23] =	ssyncset.done $0x0  }
0x112: {  	s1 =	sadd.s32 $0x1800, s0;
	[sflag:s23] =	ssyncadd.s32 $0xFFFFC000  }
0x113: {  	[spmem:s3] =	stream.indirect.scatter.add.f32 [tilespmem:s21], [sflag:$0x3], $0x80, s1, s20, $0xb8;
	[tilespmem:$0x1F000] =	vst v63  }
0x114: {  	_ =	swait.ge [sflag:s18], $0x4000  }
0x115: {  	[sflag:s18] =	ssyncset.done $0x0  }
0x116: {  	s1 =	sadd.s32 $0x100, s0;
	[sflag:s18] =	ssyncadd.s32 $0xFFFFC000  }
0x117: {  	[tilespmem:s21], [sflag:$0x1] =	stream.indirect.gather [hbm4b:s2+s20], $0x80, s1, s20, $0xb8;
	[tilespmem:$0x1F000] =	vst v63  }
0x118: {  	_ =	swait.ge [sflag:s25], $0x4000  }
.Ltmp4:
0x119: {  	[sflag:s25] =	ssyncset.done $0x0;
	(pc) =	sbr.rel @p1 .LBB2_5-.Ltmp4, $4  }
0x11a: {  	s0 =	sadd.s32 $0x1880, s0;
	[sflag:s25] =	ssyncadd.s32 $0xFFFFC000  }
0x11b: {  	[spmem:s3] =	stream.indirect.scatter.add.f32 [tilespmem:s22], [sflag:$0x3], $0x80, s0, s20, $0xb8;
	[tilespmem:$0x1F000] =	vst v63  }
0x11c: {  	_ =	swait.ge [sflag:s18], $0x4000  }
0x11d: {  	s1 =	smov.u32 s26;
	s0 =	sshra.s32 s24, $0x2;
	[sflag:s18] =	ssyncset.done $0x0  }
0x11e: {  	s1 =	sadd.s32 $0x80, s0;
	[sflag:s18] =	ssyncadd.s32 $0xFFFFC000  }
0x11f: {  	[tilespmem:s22], [sflag:$0x2] =	stream.indirect.gather [hbm4b:s2+s20], $0x80, s1, s20, $0xb8;
	[tilespmem:$0x1F000] =	vst v63  }
0x120: {  	_ =	swait.ge [sflag:s23], $0x4000  }
0x121: {  	[sflag:s23] =	ssyncset.done $0x0  }
0x122: {  	s26 =	sadd.s32 $0x1800, s0;
	[sflag:s23] =	ssyncadd.s32 $0xFFFFC000  }
0x123: {  	[spmem:s3] =	stream.indirect.scatter.add.f32 [tilespmem:s21], [sflag:$0x3], $0x80, s26, s20, $0xb8;
	[tilespmem:$0x1F000] =	vst v63  }
0x124: {  	_ =	swait.ge [sflag:s18], $0x4000  }
0x125: {  	[sflag:s18] =	ssyncset.done $0x0  }
0x126: {  	s7 =	sadd.s32 $0x100, s0;
	[sflag:s18] =	ssyncadd.s32 $0xFFFFC000  }
0x127: {  	[tilespmem:s21], [sflag:$0x1] =	stream.indirect.gather [hbm4b:s2+s20], $0x80, s7, s20, $0xb8;
	[tilespmem:$0x1F000] =	vst v63  }
0x128: {  	_ =	swait.ge [sflag:s25], $0x4000  }
0x129: {  	[sflag:s25] =	ssyncset.done $0x0  }
0x12a: {  	s24 =	sadd.s32 $0x1880, s0;
	[sflag:s25] =	ssyncadd.s32 $0xFFFFC000  }
0x12b: {  	[spmem:s3] =	stream.indirect.scatter.add.f32 [tilespmem:s22], [sflag:$0x3], $0x80, s24, s20, $0xb8;
	[tilespmem:$0x1F000] =	vst v63  }
0x12c: {  	_ =	swait.ge [sflag:s18], $0x4000  }
0x12d: {  	[sflag:s18] =	ssyncset.done $0x0  }
0x12e: {  	[sflag:s18] =	ssyncadd.s32 $0xFFFFC000  }
0x12f: {  	[tilespmem:s22], [sflag:$0x2] =	stream.indirect.gather [hbm4b:s2+s20], $0x80, s28, s20, $0xb8;
	[tilespmem:$0x1F000] =	vst v63  }
0x130: {  	_ =	swait.ge [sflag:s23], $0x4000  }
0x131: {  	[sflag:s23] =	ssyncset.done $0x0  }
0x132: {  	[sflag:s23] =	ssyncadd.s32 $0xFFFFC000  }
0x133: {  	[spmem:s3] =	stream.indirect.scatter.add.f32 [tilespmem:s21], [sflag:$0x3], $0x80, s29, s20, $0xb8;
	[tilespmem:$0x1F000] =	vst v63  }
0x134: {  	_ =	swait.ge [sflag:s18], $0x4000  }
0x135: {  	[sflag:s18] =	ssyncset.done $0x0  }
0x136: {  	[sflag:s18] =	ssyncadd.s32 $0xFFFFC000  }
0x137: {  	_ =	swait.ge [sflag:s25], $0x4000  }
0x138: {  	[sflag:s25] =	ssyncset.done $0x0  }
0x139: {  	[sflag:s25] =	ssyncadd.s32 $0xFFFFC000  }
0x13a: {  	[spmem:s3] =	stream.indirect.scatter.add.f32 [tilespmem:s22], [sflag:$0x3], $0x80, s30, s20, $0xb8;
	[tilespmem:$0x1F000] =	vst v63  }
0x13b: {  	_ =	swait.ge [sflag:s18], $0x4000  }
0x13c: {  	[sflag:s18] =	ssyncset.done $0x0  }
0x13d: {  	s26 =	simm.s32 $0x0;
	[sflag:s18] =	ssyncadd.s32 $0xFFFFC000  }
0x13e: {  	[tilespmem:s26], [sflag:$0x3] =	stream.linear.gather [hbm4b:s11+s26], $0x1800, $0x38;
	[tilespmem:$0x1F000] =	vst v63  }
0x13f: {  	_ =	swait.ge [sflag:s18], $0x1800  }
0x140: {  	[sflag:s18] =	ssyncset.done $0x0  }
0x141: {  	p2 =	por $0x0, $0x0;
	[sflag:s18] =	ssyncadd.s32 $0xFFFFE800  }
0x142: {  	[tilespmem:s19], [sflag:$0x3] =	stream.linear.gather [hbm4b:s12+s26], $0x1800, $0x38;
	[tilespmem:$0x1F000] =	vst v63  }
.Ltmp5:
0x143: {  	_ = 	snop;
	(pc) =	sbr.rel @p2 .LBB2_9-.Ltmp5, $4  }
0x144: {  	_ =	swait.ge [sflag:s18], $0x1800  }
0x145: {  	[sflag:s18] =	ssyncset.done $0x0  }
0x146: {  	s0 =	simm.s32 $0x0;
	p1 =	por $0x0, $0x0;
	[sflag:s18] =	ssyncadd.s32 $0xFFFFE800  }
0x147: {  	[tilespmem:s21], [sflag:$0x1] =	stream.indirect.gather [hbm4b:s2+s20], $0x80, s26, s20, $0xb8;
	[tilespmem:$0x1F000] =	vst v63  }
0x148: {  	s0 =	simm.s32 $0x80  }
0x149: {  	[tilespmem:s22], [sflag:$0x2] =	stream.indirect.gather [hbm4b:s2+s20], $0x80, s0, s20, $0xb8;
	[tilespmem:$0x1F000] =	vst v63  }
0x14a: {  	_ =	swait.ge [sflag:s23], $0x4000  }
0x14b: {  	[sflag:s23] =	ssyncset.done $0x0  }
0x14c: {  	s7 =	simm.s32 $0x1800;
	[sflag:s23] =	ssyncadd.s32 $0xFFFFC000  }
0x14d: {  	[spmem:s3] =	stream.indirect.scatter.add.f32 [tilespmem:s21], [sflag:$0x3], $0x80, s7, s20, $0xb8;
	[tilespmem:$0x1F000] =	vst v63  }
0x14e: {  	_ =	swait.ge [sflag:s18], $0x4000  }
0x14f: {  	[sflag:s18] =	ssyncset.done $0x0  }
0x150: {  	s24 =	simm.s32 $0x100;
	[sflag:s18] =	ssyncadd.s32 $0xFFFFC000  }
0x151: {  	[tilespmem:s21], [sflag:$0x1] =	stream.indirect.gather [hbm4b:s2+s20], $0x80, s24, s20, $0xb8;
	[tilespmem:$0x1F000] =	vst v63  }
0x152: {  	p2 =	por $0x0, $0x0;
	_ =	swait.ge [sflag:s25], $0x4000  }
.Ltmp6:
0x153: {  	[sflag:s25] =	ssyncset.done $0x0;
	(pc) =	sbr.rel @p2 .LBB2_9-.Ltmp6, $4  }
0x154: {  	s26 =	simm.s32 $0x1880;
	[sflag:s25] =	ssyncadd.s32 $0xFFFFC000  }
0x155: {  	[spmem:s3] =	stream.indirect.scatter.add.f32 [tilespmem:s22], [sflag:$0x3], $0x80, s26, s20, $0xb8;
	[tilespmem:$0x1F000] =	vst v63  }
0x156: {  	s1 =	simm.s32 $0x800;
	_ =	swait.ge [sflag:s18], $0x4000  }
0x157: {  	p1 =	por $0x1, $0x1;
	s0 =	simm.s32 $0x100;
	[sflag:s18] =	ssyncset.done $0x0  }
.LBB2_8:
0x158: {  	s7 =	sadd.s32 $0x80, s0  }
0x159: {  	[sflag:s18] =	ssyncadd.s32 $0xFFFFC000;
	s24 =	smov.u32 s1;
	s26 =	sadd.s32 $0x400, s1  }
0x15a: {  	[tilespmem:s22], [sflag:$0x2] =	stream.indirect.gather [hbm4b:s2+s20], $0x80, s7, s20, $0xb8;
	[tilespmem:$0x1F000] =	vst v63  }
0x15b: {  	p2 =	seq.s32 s1, $0x5800;
	_ =	swait.ge [sflag:s23], $0x4000  }
0x15c: {  	[sflag:s23] =	ssyncset.done $0x0  }
0x15d: {  	s1 =	sadd.s32 $0x1800, s0;
	[sflag:s23] =	ssyncadd.s32 $0xFFFFC000  }
0x15e: {  	[spmem:s3] =	stream.indirect.scatter.add.f32 [tilespmem:s21], [sflag:$0x3], $0x80, s1, s20, $0xb8;
	[tilespmem:$0x1F000] =	vst v63  }
0x15f: {  	_ =	swait.ge [sflag:s18], $0x4000  }
0x160: {  	[sflag:s18] =	ssyncset.done $0x0  }
0x161: {  	s1 =	sadd.s32 $0x100, s0;
	[sflag:s18] =	ssyncadd.s32 $0xFFFFC000  }
0x162: {  	[tilespmem:s21], [sflag:$0x1] =	stream.indirect.gather [hbm4b:s2+s20], $0x80, s1, s20, $0xb8;
	[tilespmem:$0x1F000] =	vst v63  }
0x163: {  	_ =	swait.ge [sflag:s25], $0x4000  }
.Ltmp7:
0x164: {  	[sflag:s25] =	ssyncset.done $0x0;
	(pc) =	sbr.rel @!p2 .LBB2_8-.Ltmp7, $4  }
0x165: {  	s0 =	sadd.s32 $0x1880, s0;
	[sflag:s25] =	ssyncadd.s32 $0xFFFFC000  }
0x166: {  	[spmem:s3] =	stream.indirect.scatter.add.f32 [tilespmem:s22], [sflag:$0x3], $0x80, s0, s20, $0xb8;
	[tilespmem:$0x1F000] =	vst v63  }
0x167: {  	_ =	swait.ge [sflag:s18], $0x4000  }
0x168: {  	s1 =	smov.u32 s26;
	s0 =	sshra.s32 s24, $0x2;
	[sflag:s18] =	ssyncset.done $0x0  }
.LBB2_9:
0x169: {  	s1 =	sadd.s32 $0x80, s0;
	[sflag:s18] =	ssyncadd.s32 @p1 $0xFFFFC000  }
0x16a: {  	[tilespmem:s22], [sflag:$0x2] =	stream.indirect.gather [hbm4b:s2+s20], $0x80, s1, s20, $0xb8;
	[tilespmem:$0x1F000] =	vst v63  }
0x16b: {  	_ =	swait.ge [sflag:s23], $0x4000  }
0x16c: {  	[sflag:s23] =	ssyncset.done $0x0  }
0x16d: {  	s7 =	sadd.s32 $0x1800, s0;
	[sflag:s23] =	ssyncadd.s32 $0xFFFFC000  }
0x16e: {  	[spmem:s3] =	stream.indirect.scatter.add.f32 [tilespmem:s21], [sflag:$0x3], $0x80, s7, s20, $0xb8;
	[tilespmem:$0x1F000] =	vst v63  }
0x16f: {  	_ =	swait.ge [sflag:s18], $0x4000  }
0x170: {  	[sflag:s18] =	ssyncset.done $0x0  }
0x171: {  	s24 =	sadd.s32 $0x100, s0;
	[sflag:s18] =	ssyncadd.s32 $0xFFFFC000  }
0x172: {  	[tilespmem:s21], [sflag:$0x1] =	stream.indirect.gather [hbm4b:s2+s20], $0x80, s24, s20, $0xb8;
	[tilespmem:$0x1F000] =	vst v63  }
0x173: {  	_ =	swait.ge [sflag:s25], $0x4000  }
0x174: {  	[sflag:s25] =	ssyncset.done $0x0  }
.Ltmp8:
0x175: {  	s26 =	sadd.s32 $0x1880, s0;
	[sflag:s25] =	ssyncadd.s32 $0xFFFFC000;
	(pc) =	sbr.rel .LBB2_11-.Ltmp8, $4  }
0x176: {  	[spmem:s3] =	stream.indirect.scatter.add.f32 [tilespmem:s22], [sflag:$0x3], $0x80, s26, s20, $0xb8;
	[tilespmem:$0x1F000] =	vst v63  }
0x177: {  	_ =	swait.ge [sflag:s18], $0x4000  }
0x178: {  	s0 =	simm.s32 $0x2F80;
	[sflag:s18] =	ssyncset.done $0x0  }
0x179: {  	s1 =	simm.s32 $0x2F00;
	s24 =	simm.s32 $0x1780;
	[sflag:s18] =	ssyncadd.s32 $0xFFFFC000  }
.LBB2_12:
0x17a: {  	_ =	sfence.sel $0x180000  }
0x17b: {  	[bflag:$0x0] =	sbarrier.arrive $0xFFFF  }
0x17c: {  	_ =	strace $0x90000047  }
0x17d: {  	s0 =	stileid.u32;
	[bflag:$0x2] =	sbarrier.arrive $0xFFFF  }
0x17e: {  	p0 =	sne.s32 s0, $0x0;
	s0 =	rddreg [dreg:$0x4]  }
0x17f: {  	s0 =	sadd.s32 @!p0 $0x100000, s0  }
0x180: {  	[sflag:s0] =	ssyncadd.tile.s32 @!p0 $0x1;
	_ =	shalt  }
.Lfunc_end2:
_tile_overlayer_lowered:
.L_overlay_start_2:
0x181: {  	(tag) =	ssettag $0x2  }
0x182: {  	s0 =	rddreg [dreg:$0x0];
	s2 =	stileid.u32  }
0x183: {  	s1 =	rddreg [dreg:$0x1];
	p0 =	sne.s32 s2, $0x0  }
0x184: {  	s3 =	rddreg [dreg:$0x2];
	[bflag:$0x3] =	sbarrier.arrive $0xFFFF;
	s2 =	simm.s32 @!p0 $0x1C03  }
0x185: {  	[timem:s3], [sflag:s2] =	dma.local @!p0 [hbm:s0], s1  }
0x186: {  	s0 =	simm.s32 @!p0 $0x3  }
0x187: {  	_ =	swait.ge @!p0 [sflag:s0], s1  }
0x188: {  	s1 =	ssub.s32 @!p0 $0x0, s1;
	[sflag:s0] =	ssyncset.done @!p0 $0x0  }
0x189: {  	[sflag:s0] =	ssyncadd.s32 @!p0 s1  }
0x18a: {  	[bflag:$0x3] =	sbarrier.arrive $0xFFFF  }
0x18b: {  	_ =	shalt  }

// kernel: kernel.9.cloned.1.call-start
scs
__scs_entry_jumppad:
0x0: {  	(pc) =	sbr.rel $0x88, $3  }
0x1: {  	(tag) =	ssettag $0x0;
	lr =	simm.s32 $0x1  }
0x2: {  	[smem:$0x3F9B] =	sst lr;
	_ =	strace $0xD0000000  }
0x3: {  	_ = 	snop  }
0x4: {  	_ = 	snop  }
0x5: {  	_ = 	snop  }
0x6: {  	_ = 	snop  }
0x7: {  	_ = 	snop  }
__scs_overlays_trampoline_lowered:
0x8: {  	[smem:$0x3FAA] =	sst s0  }
0x9: {  	[smem:$0x3FAB] =	sst s1  }
0xa: {  	[smem:$0x3FAC] =	sst s2  }
0xb: {  	[smem:$0x3FAD] =	sst s3  }
0xc: {  	[smem:$0x3FAE] =	sst s4  }
0xd: {  	[smem:$0x3FAF] =	sst s5  }
0xe: {  	[smem:$0x3FB0] =	sst s6  }
0xf: {  	[smem:$0x3FB1] =	sst s7  }
0x10: {  	[smem:$0x3FB2] =	sst s8  }
0x11: {  	[smem:$0x3FB3] =	sst s9;
	s0 =	simm.s32 @!p0 $0x0  }
0x12: {  	s1 =	sld [smem:$0x3F99];
	s0 =	simm.s32 @p0 $0x1  }
0x13: {  	[smem:$0x3FB4] =	sst s0;
	s0 =	simm.s32 @!p1 $0x0  }
0x14: {  	s2 =	sld [smem:$0x3F98];
	s0 =	simm.s32 @p1 $0x1  }
0x15: {  	[smem:$0x3FB5] =	sst s0;
	s0 =	simm.s32 @!p2 $0x0  }
0x16: {  	s3 =	sld [smem:$0x3FDB];
	s0 =	simm.s32 @p2 $0x1  }
0x17: {  	s4 =	simm.s32 $0x1BF5;
	[smem:$0x3FB7] =	sst s0  }
0x18: {  	s0 =	sld [smem:$0x3F9A];
	_ =	swait.ge [sflag:s4], $0x0  }
0x19: {  	s7 =	sld [smem:$0x3F9B]  }
0x1a: {  	s8 =	sadd.s32 $0xFFFFE003, lr  }
0x1b: {  	s9 =	sadd.s32 $0xFFFFFEF7, lr;
	s5 =	simm.s32 $0xFFFFFFFF;
	p2 =	slt.u32 s8, $0xFFFFF086  }
0x1c: {  	p1 =	slt.u32 s9, $0xF7A;
	s5 =	simm.s32 @!p2 $0x0  }
0x1d: {  	s5 =	simm.s32 @p1 $0x1;
	p0 =	seq.s32 s7, s2  }
0x1e: {  	s7 =	smul.u32 @!p0 $0xF7A, s2;
	p2 =	seq.s32 @!p0 s5, $0x0  }
0x1f: {  	s9 =	smul.u32 $0xF7A, s1;
	s8 =	simm.s32 @!p0 $0x1BF5;
	p2 =	por !p2, p0  }
0x20: {  	[sflag:s8] =	ssyncset.s32 @!p0 $0xFFFFF086;
	s6 =	sadd.s32 @!p0 s3, s7;
	s7 =	simm.s32 @!p0 $0x108  }
0x21: {  	s3 =	sadd.s32 s3, s9;
	s6 =	sadd.s32 @!p0 $0x88, s6;
	s7 =	simm.s32 @p2 $0x1082  }
0x22: {  	[simem:s7], [sflag:s8] =	dma.local @!p0 [hbm:s6], $0xF7A  }
0x23: {  	s9 =	sor.u32 $0xD0000000, s2;
	s6 =	simm.s32 $0x108;
	_ =	swait.ge @!p0 [sflag:s8], $0x0  }
0x24: {  	s3 =	sadd.s32 $0x88, s3;
	s6 =	simm.s32 @!p1 $0x1082;
	[sflag:s4] =	ssyncset.s32 $0xFFFFF086  }
0x25: {  	[simem:s6], [sflag:s4] =	dma.local [hbm:s3], $0xF7A  }
0x26: {  	[smem:$0x3F9B] =	sst s1;
	(tag) =	ssettag s2;
	_ =	strace s9  }
0x27: {  	s1 =	sld [smem:$0x3FAB]  }
0x28: {  	s2 =	sld [smem:$0x3FAC]  }
0x29: {  	s4 =	sld [smem:$0x3FAE]  }
0x2a: {  	p0 =	seq.s32 s5, $0x0;
	s5 =	sld [smem:$0x3FAF]  }
0x2b: {  	s6 =	sld [smem:$0x3FB0]  }
0x2c: {  	s7 =	sld [smem:$0x3FB1]  }
0x2d: {  	s3 =	simm.s32 $0x108;
	s8 =	sld [smem:$0x3FB2]  }
0x2e: {  	s3 =	simm.s32 @!p0 $0x1082;
	s9 =	sld [smem:$0x3FB3]  }
0x2f: {  	lr =	sadd.s32 s0, s3;
	s0 =	sld [smem:$0x3FAA]  }
0x30: {  	s3 =	sld [smem:$0x3FAD]  }
0x31: {  	[smem:$0x3FB6] =	sst s10  }
0x32: {  	s10 =	sld [smem:$0x3FB4];
	_ =	sdelay $0x3  }
0x33: {  	p0 =	seq.s32 s10, $0x1;
	s10 =	sld [smem:$0x3FB6];
	_ =	sdelay $0x3  }
0x34: {  	[smem:$0x3FB6] =	sst s10  }
0x35: {  	s10 =	sld [smem:$0x3FB5];
	_ =	sdelay $0x3  }
0x36: {  	p1 =	seq.s32 s10, $0x1;
	s10 =	sld [smem:$0x3FB6];
	_ =	sdelay $0x3  }
0x37: {  	[smem:$0x3FB6] =	sst s10  }
0x38: {  	s10 =	sld [smem:$0x3FB7]  }
0x39: {  	_ = 	snop;
	(pc) =	sbr.ind lr, $3  }
0x3a: {  	_ = 	snop  }
0x3b: {  	_ = 	snop  }
0x3c: {  	p2 =	seq.s32 s10, $0x1;
	s10 =	sld [smem:$0x3FB6]  }
0x3d: {  	_ =	shalt  }
0x3e: {  	_ =	shalt  }
0x3f: {  	_ =	shalt  }
0x40: {  	_ =	shalt  }
0x41: {  	_ =	shalt  }
0x42: {  	_ =	shalt  }
0x43: {  	_ =	shalt  }
0x44: {  	_ =	shalt  }
0x45: {  	_ =	shalt  }
0x46: {  	_ =	shalt  }
0x47: {  	_ =	shalt  }
0x48: {  	_ =	shalt  }
0x49: {  	_ =	shalt  }
0x4a: {  	_ =	shalt  }
0x4b: {  	_ =	shalt  }
0x4c: {  	_ =	shalt  }
0x4d: {  	_ =	shalt  }
0x4e: {  	_ =	shalt  }
0x4f: {  	_ =	shalt  }
0x50: {  	_ =	shalt  }
0x51: {  	_ =	shalt  }
0x52: {  	_ =	shalt  }
0x53: {  	_ =	shalt  }
0x54: {  	_ =	shalt  }
0x55: {  	_ =	shalt  }
0x56: {  	_ =	shalt  }
0x57: {  	_ =	shalt  }
0x58: {  	_ =	shalt  }
0x59: {  	_ =	shalt  }
0x5a: {  	_ =	shalt  }
0x5b: {  	_ =	shalt  }
0x5c: {  	_ =	shalt  }
0x5d: {  	_ =	shalt  }
0x5e: {  	_ =	shalt  }
0x5f: {  	_ =	shalt  }
0x60: {  	_ =	shalt  }
0x61: {  	_ =	shalt  }
0x62: {  	_ =	shalt  }
0x63: {  	_ =	shalt  }
0x64: {  	_ =	shalt  }
0x65: {  	_ =	shalt  }
0x66: {  	_ =	shalt  }
0x67: {  	_ =	shalt  }
0x68: {  	_ =	shalt  }
0x69: {  	_ =	shalt  }
0x6a: {  	_ =	shalt  }
0x6b: {  	_ =	shalt  }
0x6c: {  	_ =	shalt  }
0x6d: {  	_ =	shalt  }
0x6e: {  	_ =	shalt  }
0x6f: {  	_ =	shalt  }
0x70: {  	_ =	shalt  }
0x71: {  	_ =	shalt  }
0x72: {  	_ =	shalt  }
0x73: {  	_ =	shalt  }
0x74: {  	_ =	shalt  }
0x75: {  	_ =	shalt  }
0x76: {  	_ =	shalt  }
0x77: {  	_ =	shalt  }
0x78: {  	_ =	shalt  }
0x79: {  	_ =	shalt  }
0x7a: {  	_ =	shalt  }
0x7b: {  	_ =	shalt  }
0x7c: {  	_ =	shalt  }
0x7d: {  	_ =	shalt  }
0x7e: {  	_ =	shalt  }
0x7f: {  	_ =	shalt  }
0x80: {  	_ =	shalt  }
0x81: {  	_ =	shalt  }
0x82: {  	_ =	shalt  }
0x83: {  	_ =	shalt  }
0x84: {  	_ =	shalt  }
0x85: {  	_ =	shalt  }
0x86: {  	_ =	shalt  }
0x87: {  	_ =	shalt  }
.Lfunc_end0:
.L_simem_size_0:
called_computation.1_lowered:
.L_overlay_start_0:
0x88: {  	s2 =	sld [smem:$0x3FD9]  }
0x89: {  	s3 =	sld [smem:$0x3FFE];
	_ =	sdelay $0x1  }
0x8a: {  	s1 =	srdreg.scid  }
0x8b: {  	s0 =	sand.u32 $0x1, s1  }
0x8c: {  	s14 =	sshll.u32 s0, $0xA;
	s2 =	sadd.s32 s3, s2  }
0x8d: {  	s2 =	sadd.s32 s2, s14  }
0x8e: {  	[smem:$0x3FC2] =	sst s2  }
0x8f: {  	_ = 	snop  }
0x90: {  	s2 =	sld [smem:$0x3FD0];
	_ =	sdelay $0x2  }
0x91: {  	s15 =	simm.s32 $0xA;
	s4 =	simm.s32 $0x10  }
0x92: {  	[smem:s4], [sflag:s15] =	dma.local [hbm:s2], $0x1  }
0x93: {  	_ =	swait.eq [sflag:s15], $0x1  }
0x94: {  	[sflag:s15] =	ssyncset.done $0x0  }
0x95: {  	s16 =	sld [smem:$0x10];
	[sflag:s15] =	ssyncadd.s32 $0xFFFFFFFF  }
0x96: {  	s17 =	sld [smem:$0x11];
	(tm) =	ssettm $0x1  }
0x97: {  	s18 =	sld [smem:$0x3FFB];
	_ =	sdelay $0x3  }
0x98: {  	_ =	strace s18  }
0x99: {  	s4 =	sld [smem:$0x3FFC];
	_ =	sdelay $0x3  }
0x9a: {  	_ =	strace s4  }
0x9b: {  	s4 =	sld [smem:$0x3FFD];
	_ =	sdelay $0x3  }
0x9c: {  	_ =	strace s4  }
0x9d: {  	_ =	strace $0x8FFFFFFF  }
0x9e: {  	s19 =	sld [smem:$0x3FDB];
	_ =	sdelay $0x1  }
0x9f: {  	s5 =	simm.s32 $_scs_section_size  }
0xa0: {  	s6 =	simm.s32 $_size__tile_overlayer_lowered;
	s7 =	simm.s32 $_tile_overlayer_lowered  }
0xa1: {  	s22 =	simm.s32 $0x1BFF;
	s21 =	sshll.u32 s7, $0x1;
	s4 =	sadd.s32 s5, s19  }
0xa2: {  	s8 =	simm.s32 $0x0;
	s20 =	sshll.u32 s6, $0x1;
	s6 =	sadd.s32 s21, s4  }
0xa3: {  	[timem:s8], [sflag:s22] =	dma.local [hbm:s6], s20  }
0xa4: {  	_ =	swait.ge [sflag:s22], s20  }
0xa5: {  	s5 =	ssub.s32 $0x0, s20;
	[sflag:s22] =	ssyncset.done $0x0  }
0xa6: {  	[sflag:s22] =	ssyncadd.s32 s5;
	_ =	sdelay $0x1  }
0xa7: {  	s23 =	simm.s32 $0x1B8B  }
0xa8: {  	_ =	swait.ge [sflag:s23], $0x1  }
0xa9: {  	[sflag:s23] =	ssyncset.done $0x0  }
0xaa: {  	s25 =	simm.s32 $0x1B8E;
	s24 =	sld [smem:$0x3FFE];
	[sflag:s23] =	ssyncadd.s32 $0xFFFFFFFF  }
0xab: {  	s26 =	simm.s32 $execute0_lowered;
	[smem:$0x3FD2] =	sst s25  }
0xac: {  	s6 =	sshll.u32 s26, $0x1;
	_ =	strace $0x80000049;
	[dreg:$0x1] =	wrdreg $0xFFFFFFFF  }
0xad: {  	s28 =	simm.s32 $_size_execute0_lowered;
	s4 =	sadd.s32 s4, s6;
	[dreg:$0x0] =	wrdreg $0x0  }
0xae: {  	s6 =	sshll.u32 s28, $0x1;
	[dreg:$0x2] =	wrdreg s4  }
0xaf: {  	[dreg:$0x3] =	wrdreg s6  }
0xb0: {  	[dreg:$0x4] =	wrdreg $0xC0  }
0xb1: {  	_ =	task [dreg:s8], $0x5FFFF  }
0xb2: {  	[dreg:$0x1] =	wrdreg $0xFFFFFFFF  }
0xb3: {  	[dreg:$0x0] =	wrdreg $0x60  }
0xb4: {  	[dreg:$0x2] =	wrdreg s24  }
0xb5: {  	[dreg:$0x3] =	wrdreg s16  }
0xb6: {  	[dreg:$0x4] =	wrdreg s17  }
0xb7: {  	[dreg:$0x5] =	wrdreg $0xB0000  }
0xb8: {  	[dreg:$0x6] =	wrdreg $0x9  }
0xb9: {  	_ =	task.clear_ibuf [dreg:s8], $0x7FFFF;
	_ =	strace $0x90000049  }
0xba: {  	s29 =	simm.s32 $0x9;
	_ =	strace $0x8000004B  }
0xbb: {  	_ =	swait.ge [sflag:s29], $0x1  }
0xbc: {  	[sflag:s29] =	ssyncadd.s32 $0xFFFFFFFF  }
0xbd: {  	_ =	strace $0x9000004B  }
0xbe: {  	_ =	sfence  }
0xbf: {  	s30 =	sld [smem:$0x0];
	_ =	sdelay $0x2  }
0xc0: {  	s31 =	sshll.u32 s1, $0xD;
	s1 =	sshrl.u32 s1, $0x2  }
0xc1: {  	s3 =	sand.u32 $0x4000, s31;
	s1 =	sadd.s32 s1, s30  }
0xc2: {  	s0 =	sor.u32 s3, s0;
	s1 =	sshll.u32 s1, $0x11  }
0xc3: {  	s0 =	sor.u32 s1, s0  }
0xc4: {  	s0 =	sadd.s32 $0x8F2B, s0  }
0xc5: {  	[sflag:s0] =	ssyncadd.remote.s32 $0x1  }
0xc6: {  	_ =	sfence.sel $0xFFFF  }
0xc7: {  	[dreg:$0x0] =	wrdreg $0xFFFFFFFF;
	(pc) =	sbr.abs _section_cstart, $3  }
0xc8: {  	[dreg:$0x1] =	wrdreg $0xFFFFFFFF  }
0xc9: {  	_ =	task.clear_ibuf [dreg:s8], $0x2FFFF;
	_ =	strace $0x9FFFFFFF  }
0xca: {  	(tm) =	ssettm $0x7FFFFFFF  }
0xcb: {  	_ =	shalt  }
tec
execute0_lowered:
.L_overlay_start_1:
0x0: {  	(tag) =	ssettag $0x1  }
0x1: {  	s0 =	rddreg [dreg:$0x0]  }
0x2: {  	s1 =	rddreg [dreg:$0x1]  }
0x3: {  	s2 =	rddreg [dreg:$0x2]  }
0x4: {  	s3 =	rddreg [dreg:$0x3];
	s5 =	srdreg.scid  }
0x5: {  	s14 =	stileid.u32;
	s4 =	simm.s32 $0x0;
	s18 =	simm.s32 $0x3  }
0x6: {  	s19 =	simm.s32 $0x1800;
	s20 =	simm.s32 $0x80;
	s21 =	simm.s32 $0x3000  }
0x7: {  	s28 =	simm.s32 $0x1780;
	s29 =	simm.s32 $0x2F00;
	s6 =	smul.u32 $0x2800, s14  }
0x8: {  	s30 =	simm.s32 $0x2F80;
	s31 =	simm.s32 $0x0;
	s9 =	smul.u32 $0x50000, s14  }
0x9: {  	s7 =	sand.u32 $0x1, s5;
	[smem:$0x7FF] =	sst s4;
	s11 =	smul.u32 $0x4800, s14  }
0xa: {  	s13 =	sadd.s32 $0x2200, s0;
	s5 =	sadd.s32 $0xC200, s0;
	s24 =	smul.u32 $0x900, s14  }
0xb: {  	s23 =	sshll.u32 s14, $0x6;
	s14 =	sshll.u32 s14, $0x8;
	s8 =	smul.u32 $0x28000, s7  }
0xc: {  	_ =	strace $0x8000004A;
	s22 =	ssub.s32 $0x2, s7;
	p0 =	seq.s32 s7, $0x1  }
0xd: {  	s14 =	sor.u32 $0x9000, s14;
	s10 =	sshrl.u32 s22, $0x1;
	s9 =	sshrl.u32 s9, $0x2  }
0xe: {  	s11 =	sshrl.u32 s11, $0x3;
	s26 =	sadd.s32 s13, s24;
	s6 =	sadd.s32 s6, s8  }
0xf: {  	s16 =	ssub.s32 s22, s10;
	s17 =	sadd.s32 s9, s3;
	s25 =	sadd.s32 $0x300, s11  }
0x10: {  	[dreg:$0x5] =	wrdreg s26;
	s8 =	sadd.s32 s1, s24;
	s12 =	sadd.s32 $0x600, s11  }
.Ltmp0:
0x11: {  	s22 =	simm.s32 $0x7000;
	s0 =	sadd.s32 s6, s0;
	(pc) =	sbr.rel .LBB2_1-.Ltmp0, $4  }
0x12: {  	s6 =	sor.u32 $0x1C03, s23;
	s9 =	sadd.s32 s13, s25;
	s10 =	sadd.s32 s1, s25  }
0x13: {  	s11 =	sadd.s32 s13, s12;
	s12 =	sadd.s32 s1, s12;
	s13 =	sadd.s32 s13, s14  }
0x14: {  	s14 =	sadd.s32 s1, s14;
	s16 =	smax.u32 s16, $0x1;
	s17 =	sshrl.u32 s17, $0x3  }
0x15: {  	s23 =	simm.s32 $0x1;
	s25 =	simm.s32 $0x2;
	s15 =	sadd.s32 $0xEA00, s0  }
.LBB2_10:
0x16: {  	[tilespmem:s4], [sflag:$0x3] =	stream.linear.gather [hbm4b:s13+s4], $0x800, $0x38;
	[tilespmem:$0x1F000] =	vst v63  }
0x17: {  	_ =	swait.ge [sflag:s18], $0x800  }
0x18: {  	[sflag:s18] =	ssyncset.done $0x0  }
0x19: {  	[sflag:s18] =	ssyncadd.s32 $0xFFFFF800  }
0x1a: {  	[tilespmem:s19], [sflag:$0x3] =	stream.linear.gather [hbm4b:s14+s4], $0x800, $0x38;
	[tilespmem:$0x1F000] =	vst v63  }
0x1b: {  	_ =	swait.ge [sflag:s18], $0x800  }
0x1c: {  	[sflag:s18] =	ssyncset.done $0x0  }
0x1d: {  	[sflag:s18] =	ssyncadd.s32 $0xFFFFF800  }
0x1e: {  	[tilespmem:s21], [sflag:$0x1] =	stream.indirect.gather [hbm4b:s2+s20], $0x80, s4, s20, $0xb8;
	[tilespmem:$0x1F000] =	vst v63  }
0x1f: {  	_ = 	snop  }
0x20: {  	[tilespmem:s22], [sflag:$0x2] =	stream.indirect.gather [hbm4b:s2+s20], $0x80, s20, s20, $0xb8;
	[tilespmem:$0x1F000] =	vst v63  }
0x21: {  	_ =	swait.ge [sflag:s23], $0x4000  }
0x22: {  	[sflag:s23] =	ssyncset.done $0x0  }
0x23: {  	[sflag:s23] =	ssyncadd.s32 $0xFFFFC000  }
0x24: {  	[spmem:s3] =	stream.indirect.scatter.add.f32 [tilespmem:s21], [sflag:$0x3], $0x80, s19, s20, $0xb8;
	[tilespmem:$0x1F000] =	vst v63  }
0x25: {  	_ =	swait.ge [sflag:s18], $0x4000  }
0x26: {  	[sflag:s18] =	ssyncset.done $0x0  }
0x27: {  	s0 =	simm.s32 $0x100;
	[sflag:s18] =	ssyncadd.s32 $0xFFFFC000  }
0x28: {  	[tilespmem:s21], [sflag:$0x1] =	stream.indirect.gather [hbm4b:s2+s20], $0x80, s0, s20, $0xb8;
	[tilespmem:$0x1F000] =	vst v63  }
0x29: {  	_ =	swait.ge [sflag:s25], $0x4000  }
0x2a: {  	[sflag:s25] =	ssyncset.done $0x0  }
0x2b: {  	s26 =	simm.s32 $0x1880;
	[sflag:s25] =	ssyncadd.s32 $0xFFFFC000  }
0x2c: {  	[spmem:s3] =	stream.indirect.scatter.add.f32 [tilespmem:s22], [sflag:$0x3], $0x80, s26, s20, $0xb8;
	[tilespmem:$0x1F000] =	vst v63  }
0x2d: {  	_ =	swait.ge [sflag:s18], $0x4000  }
0x2e: {  	[sflag:s18] =	ssyncset.done $0x0  }
0x2f: {  	s1 =	simm.s32 $0x180;
	[sflag:s18] =	ssyncadd.s32 $0xFFFFC000  }
0x30: {  	[tilespmem:s22], [sflag:$0x2] =	stream.indirect.gather [hbm4b:s2+s20], $0x80, s1, s20, $0xb8;
	[tilespmem:$0x1F000] =	vst v63  }
0x31: {  	_ =	swait.ge [sflag:s23], $0x4000  }
0x32: {  	[sflag:s23] =	ssyncset.done $0x0  }
0x33: {  	s7 =	simm.s32 $0x1900;
	[sflag:s23] =	ssyncadd.s32 $0xFFFFC000  }
0x34: {  	[spmem:s3] =	stream.indirect.scatter.add.f32 [tilespmem:s21], [sflag:$0x3], $0x80, s7, s20, $0xb8;
	[tilespmem:$0x1F000] =	vst v63  }
0x35: {  	_ =	swait.ge [sflag:s18], $0x4000  }
0x36: {  	[sflag:s18] =	ssyncset.done $0x0  }
0x37: {  	s24 =	simm.s32 $0x200;
	[sflag:s18] =	ssyncadd.s32 $0xFFFFC000  }
0x38: {  	[tilespmem:s21], [sflag:$0x1] =	stream.indirect.gather [hbm4b:s2+s20], $0x80, s24, s20, $0xb8;
	[tilespmem:$0x1F000] =	vst v63  }
0x39: {  	_ =	swait.ge [sflag:s25], $0x4000  }
0x3a: {  	[sflag:s25] =	ssyncset.done $0x0  }
0x3b: {  	s26 =	simm.s32 $0x1980;
	[sflag:s25] =	ssyncadd.s32 $0xFFFFC000  }
0x3c: {  	[spmem:s3] =	stream.indirect.scatter.add.f32 [tilespmem:s22], [sflag:$0x3], $0x80, s26, s20, $0xb8;
	[tilespmem:$0x1F000] =	vst v63  }
0x3d: {  	_ =	swait.ge [sflag:s18], $0x4000  }
0x3e: {  	[sflag:s18] =	ssyncset.done $0x0  }
0x3f: {  	s1 =	simm.s32 $0x280;
	[sflag:s18] =	ssyncadd.s32 $0xFFFFC000  }
0x40: {  	[tilespmem:s22], [sflag:$0x2] =	stream.indirect.gather [hbm4b:s2+s20], $0x80, s1, s20, $0xb8;
	[tilespmem:$0x1F000] =	vst v63  }
0x41: {  	_ =	swait.ge [sflag:s23], $0x4000  }
0x42: {  	[sflag:s23] =	ssyncset.done $0x0  }
0x43: {  	s7 =	simm.s32 $0x1A00;
	[sflag:s23] =	ssyncadd.s32 $0xFFFFC000  }
0x44: {  	[spmem:s3] =	stream.indirect.scatter.add.f32 [tilespmem:s21], [sflag:$0x3], $0x80, s7, s20, $0xb8;
	[tilespmem:$0x1F000] =	vst v63  }
0x45: {  	_ =	swait.ge [sflag:s18], $0x4000  }
0x46: {  	[sflag:s18] =	ssyncset.done $0x0  }
0x47: {  	s24 =	simm.s32 $0x300;
	[sflag:s18] =	ssyncadd.s32 $0xFFFFC000  }
0x48: {  	[tilespmem:s21], [sflag:$0x1] =	stream.indirect.gather [hbm4b:s2+s20], $0x80, s24, s20, $0xb8;
	[tilespmem:$0x1F000] =	vst v63  }
0x49: {  	_ =	swait.ge [sflag:s25], $0x4000  }
0x4a: {  	[sflag:s25] =	ssyncset.done $0x0  }
0x4b: {  	s26 =	simm.s32 $0x1A80;
	[sflag:s25] =	ssyncadd.s32 $0xFFFFC000  }
0x4c: {  	[spmem:s3] =	stream.indirect.scatter.add.f32 [tilespmem:s22], [sflag:$0x3], $0x80, s26, s20, $0xb8;
	[tilespmem:$0x1F000] =	vst v63  }
0x4d: {  	_ =	swait.ge [sflag:s18], $0x4000  }
0x4e: {  	[sflag:s18] =	ssyncset.done $0x0  }
0x4f: {  	s1 =	simm.s32 $0x380;
	[sflag:s18] =	ssyncadd.s32 $0xFFFFC000  }
0x50: {  	[tilespmem:s22], [sflag:$0x2] =	stream.indirect.gather [hbm4b:s2+s20], $0x80, s1, s20, $0xb8;
	[tilespmem:$0x1F000] =	vst v63  }
0x51: {  	_ =	swait.ge [sflag:s23], $0x4000  }
0x52: {  	[sflag:s23] =	ssyncset.done $0x0  }
0x53: {  	s7 =	simm.s32 $0x1B00;
	[sflag:s23] =	ssyncadd.s32 $0xFFFFC000  }
0x54: {  	[spmem:s3] =	stream.indirect.scatter.add.f32 [tilespmem:s21], [sflag:$0x3], $0x80, s7, s20, $0xb8;
	[tilespmem:$0x1F000] =	vst v63  }
0x55: {  	_ =	swait.ge [sflag:s18], $0x4000  }
0x56: {  	[sflag:s18] =	ssyncset.done $0x0  }
0x57: {  	s24 =	simm.s32 $0x400;
	[sflag:s18] =	ssyncadd.s32 $0xFFFFC000  }
0x58: {  	[tilespmem:s21], [sflag:$0x1] =	stream.indirect.gather [hbm4b:s2+s20], $0x80, s24, s20, $0xb8;
	[tilespmem:$0x1F000] =	vst v63  }
0x59: {  	_ =	swait.ge [sflag:s25], $0x4000  }
0x5a: {  	[sflag:s25] =	ssyncset.done $0x0  }
0x5b: {  	s26 =	simm.s32 $0x1B80;
	[sflag:s25] =	ssyncadd.s32 $0xFFFFC000  }
0x5c: {  	[spmem:s3] =	stream.indirect.scatter.add.f32 [tilespmem:s22], [sflag:$0x3], $0x80, s26, s20, $0xb8;
	[tilespmem:$0x1F000] =	vst v63  }
0x5d: {  	_ =	swait.ge [sflag:s18], $0x4000  }
0x5e: {  	[sflag:s18] =	ssyncset.done $0x0  }
0x5f: {  	s1 =	simm.s32 $0x480;
	[sflag:s18] =	ssyncadd.s32 $0xFFFFC000  }
0x60: {  	[tilespmem:s22], [sflag:$0x2] =	stream.indirect.gather [hbm4b:s2+s20], $0x80, s1, s20, $0xb8;
	[tilespmem:$0x1F000] =	vst v63  }
0x61: {  	_ =	swait.ge [sflag:s23], $0x4000  }
0x62: {  	[sflag:s23] =	ssyncset.done $0x0  }
0x63: {  	s7 =	simm.s32 $0x1C00;
	[sflag:s23] =	ssyncadd.s32 $0xFFFFC000  }
0x64: {  	[spmem:s3] =	stream.indirect.scatter.add.f32 [tilespmem:s21], [sflag:$0x3], $0x80, s7, s20, $0xb8;
	[tilespmem:$0x1F000] =	vst v63  }
0x65: {  	_ =	swait.ge [sflag:s18], $0x4000  }
0x66: {  	[sflag:s18] =	ssyncset.done $0x0  }
0x67: {  	s24 =	simm.s32 $0x500;
	[sflag:s18] =	ssyncadd.s32 $0xFFFFC000  }
0x68: {  	[tilespmem:s21], [sflag:$0x1] =	stream.indirect.gather [hbm4b:s2+s20], $0x80, s24, s20, $0xb8;
	[tilespmem:$0x1F000] =	vst v63  }
0x69: {  	_ =	swait.ge [sflag:s25], $0x4000  }
0x6a: {  	[sflag:s25] =	ssyncset.done $0x0  }
0x6b: {  	s26 =	simm.s32 $0x1C80;
	[sflag:s25] =	ssyncadd.s32 $0xFFFFC000  }
0x6c: {  	[spmem:s3] =	stream.indirect.scatter.add.f32 [tilespmem:s22], [sflag:$0x3], $0x80, s26, s20, $0xb8;
	[tilespmem:$0x1F000] =	vst v63  }
0x6d: {  	_ =	swait.ge [sflag:s18], $0x4000  }
0x6e: {  	[sflag:s18] =	ssyncset.done $0x0  }
0x6f: {  	s1 =	simm.s32 $0x580;
	[sflag:s18] =	ssyncadd.s32 $0xFFFFC000  }
0x70: {  	[tilespmem:s22], [sflag:$0x2] =	stream.indirect.gather [hbm4b:s2+s20], $0x80, s1, s20, $0xb8;
	[tilespmem:$0x1F000] =	vst v63  }
0x71: {  	_ =	swait.ge [sflag:s23], $0x4000  }
0x72: {  	[sflag:s23] =	ssyncset.done $0x0  }
0x73: {  	s7 =	simm.s32 $0x1D00;
	[sflag:s23] =	ssyncadd.s32 $0xFFFFC000  }
0x74: {  	[spmem:s3] =	stream.indirect.scatter.add.f32 [tilespmem:s21], [sflag:$0x3], $0x80, s7, s20, $0xb8;
	[tilespmem:$0x1F000] =	vst v63  }
0x75: {  	_ =	swait.ge [sflag:s18], $0x4000  }
0x76: {  	[sflag:s18] =	ssyncset.done $0x0  }
0x77: {  	s24 =	simm.s32 $0x600;
	[sflag:s18] =	ssyncadd.s32 $0xFFFFC000  }
0x78: {  	[tilespmem:s21], [sflag:$0x1] =	stream.indirect.gather [hbm4b:s2+s20], $0x80, s24, s20, $0xb8;
	[tilespmem:$0x1F000] =	vst v63  }
0x79: {  	_ =	swait.ge [sflag:s25], $0x4000  }
0x7a: {  	[sflag:s25] =	ssyncset.done $0x0  }
0x7b: {  	s26 =	simm.s32 $0x1D80;
	[sflag:s25] =	ssyncadd.s32 $0xFFFFC000  }
0x7c: {  	[spmem:s3] =	stream.indirect.scatter.add.f32 [tilespmem:s22], [sflag:$0x3], $0x80, s26, s20, $0xb8;
	[tilespmem:$0x1F000] =	vst v63  }
0x7d: {  	_ =	swait.ge [sflag:s18], $0x4000  }
0x7e: {  	[sflag:s18] =	ssyncset.done $0x0  }
0x7f: {  	s1 =	simm.s32 $0x680;
	[sflag:s18] =	ssyncadd.s32 $0xFFFFC000  }
0x80: {  	[tilespmem:s22], [sflag:$0x2] =	stream.indirect.gather [hbm4b:s2+s20], $0x80, s1, s20, $0xb8;
	[tilespmem:$0x1F000] =	vst v63  }
0x81: {  	_ =	swait.ge [sflag:s23], $0x4000  }
0x82: {  	[sflag:s23] =	ssyncset.done $0x0  }
0x83: {  	s7 =	simm.s32 $0x1E00;
	[sflag:s23] =	ssyncadd.s32 $0xFFFFC000  }
0x84: {  	[spmem:s3] =	stream.indirect.scatter.add.f32 [tilespmem:s21], [sflag:$0x3], $0x80, s7, s20, $0xb8;
	[tilespmem:$0x1F000] =	vst v63  }
0x85: {  	_ =	swait.ge [sflag:s18], $0x4000  }
0x86: {  	[sflag:s18] =	ssyncset.done $0x0  }
0x87: {  	s24 =	simm.s32 $0x700;
	[sflag:s18] =	ssyncadd.s32 $0xFFFFC000  }
0x88: {  	[tilespmem:s21], [sflag:$0x1] =	stream.indirect.gather [hbm4b:s2+s20], $0x80, s24, s20, $0xb8;
	[tilespmem:$0x1F000] =	vst v63  }
0x89: {  	_ =	swait.ge [sflag:s25], $0x4000  }
0x8a: {  	[sflag:s25] =	ssyncset.done $0x0  }
0x8b: {  	s26 =	simm.s32 $0x1E80;
	[sflag:s25] =	ssyncadd.s32 $0xFFFFC000  }
0x8c: {  	[spmem:s3] =	stream.indirect.scatter.add.f32 [tilespmem:s22], [sflag:$0x3], $0x80, s26, s20, $0xb8;
	[tilespmem:$0x1F000] =	vst v63  }
0x8d: {  	_ =	swait.ge [sflag:s18], $0x4000  }
0x8e: {  	s0 =	simm.s32 $0x1F80;
	[sflag:s18] =	ssyncset.done $0x0  }
0x8f: {  	s1 =	simm.s32 $0x1F00;
	s24 =	simm.s32 $0x780;
	[sflag:s18] =	ssyncadd.s32 $0xFFFFC000  }
.LBB2_11:
0x90: {  	[tilespmem:s22], [sflag:$0x2] =	stream.indirect.gather [hbm4b:s2+s20], $0x80, s24, s20, $0xb8;
	[tilespmem:$0x1F000] =	vst v63  }
0x91: {  	_ =	swait.ge [sflag:s23], $0x4000  }
0x92: {  	[sflag:s23] =	ssyncset.done $0x0  }
0x93: {  	[sflag:s23] =	ssyncadd.s32 $0xFFFFC000  }
0x94: {  	[spmem:s3] =	stream.indirect.scatter.add.f32 [tilespmem:s21], [sflag:$0x3], $0x80, s1, s20, $0xb8;
	[tilespmem:$0x1F000] =	vst v63  }
0x95: {  	_ =	swait.ge [sflag:s18], $0x4000  }
0x96: {  	[sflag:s18] =	ssyncset.done $0x0  }
0x97: {  	[sflag:s18] =	ssyncadd.s32 $0xFFFFC000  }
0x98: {  	_ =	swait.ge [sflag:s25], $0x4000  }
0x99: {  	[sflag:s25] =	ssyncset.done $0x0  }
0x9a: {  	[sflag:s25] =	ssyncadd.s32 $0xFFFFC000  }
0x9b: {  	[spmem:s3] =	stream.indirect.scatter.add.f32 [tilespmem:s22], [sflag:$0x3], $0x80, s0, s20, $0xb8;
	[tilespmem:$0x1F000] =	vst v63  }
0x9c: {  	_ =	swait.ge [sflag:s18], $0x4000  }
0x9d: {  	s31 =	sadd.s32 $0x1, s31;
	[sflag:s18] =	ssyncset.done $0x0  }
0x9e: {  	p1 =	sne.s32 s31, s16;
	[sflag:s18] =	ssyncadd.s32 $0xFFFFC000  }
.Ltmp1:
0x9f: {  	[bflag:$0x0] =	sbarrier.arrive $0xFFFF;
	(pc) =	sbr.rel @!p1 .LBB2_12-.Ltmp1, $4  }
0xa0: {  	[hbm:s15], [sflag:s6] =	dma.local [spmem:s17], $0x2800  }
0xa1: {  	_ =	swait.ge [sflag:s18], $0x2800  }
0xa2: {  	[sflag:s18] =	ssyncset.done $0x0  }
0xa3: {  	[sflag:s18] =	ssyncadd.s32 $0xFFFFD800  }
.LBB2_1:
0xa4: {  	[spmem:s17], [sflag:s6] =	dma.local [hbm:s5], $0x2800  }
.Ltmp2:
0xa5: {  	_ =	swait.ge [sflag:s18], $0x2800;
	(pc) =	sbr.rel @p0 .LBB2_10-.Ltmp2, $3  }
0xa6: {  	[sflag:s18] =	ssyncset.done $0x0  }
0xa7: {  	[sflag:s18] =	ssyncadd.s32 $0xFFFFD800  }
0xa8: {  	[bflag:$0x0] =	sbarrier.arrive $0xFFFF;
	_ =	sdelay $0x1  }
0xa9: {  	s0 =	simm.s32 $0x0;
	s1 =	rddreg [dreg:$0x5]  }
0xaa: {  	[tilespmem:s0], [sflag:$0x3] =	stream.linear.gather [hbm4b:s1+s0], $0x1800, $0x38;
	[tilespmem:$0x1F000] =	vst v63  }
0xab: {  	_ =	swait.ge [sflag:s18], $0x1800  }
0xac: {  	[sflag:s18] =	ssyncset.done $0x0  }
0xad: {  	[sflag:s18] =	ssyncadd.s32 $0xFFFFE800  }
0xae: {  	[tilespmem:s19], [sflag:$0x3] =	stream.linear.gather [hbm4b:s8+s0], $0x1800, $0x38;
	[tilespmem:$0x1F000] =	vst v63  }
0xaf: {  	_ =	swait.ge [sflag:s18], $0x1800  }
0xb0: {  	[sflag:s18] =	ssyncset.done $0x0  }
0xb1: {  	[sflag:s18] =	ssyncadd.s32 $0xFFFFE800  }
0xb2: {  	[tilespmem:s21], [sflag:$0x1] =	stream.indirect.gather [hbm4b:s2+s20], $0x80, s0, s20, $0xb8;
	[tilespmem:$0x1F000] =	vst v63  }
0xb3: {  	s1 =	simm.s32 $0x80  }
0xb4: {  	[tilespmem:s22], [sflag:$0x2] =	stream.indirect.gather [hbm4b:s2+s20], $0x80, s1, s20, $0xb8;
	[tilespmem:$0x1F000] =	vst v63  }
0xb5: {  	_ =	swait.ge [sflag:s23], $0x4000  }
0xb6: {  	[sflag:s23] =	ssyncset.done $0x0  }
0xb7: {  	s7 =	simm.s32 $0x1800;
	[sflag:s23] =	ssyncadd.s32 $0xFFFFC000  }
0xb8: {  	[spmem:s3] =	stream.indirect.scatter.add.f32 [tilespmem:s21], [sflag:$0x3], $0x80, s7, s20, $0xb8;
	[tilespmem:$0x1F000] =	vst v63  }
0xb9: {  	_ =	swait.ge [sflag:s18], $0x4000  }
0xba: {  	[sflag:s18] =	ssyncset.done $0x0  }
0xbb: {  	s24 =	simm.s32 $0x100;
	[sflag:s18] =	ssyncadd.s32 $0xFFFFC000  }
0xbc: {  	[tilespmem:s21], [sflag:$0x1] =	stream.indirect.gather [hbm4b:s2+s20], $0x80, s24, s20, $0xb8;
	[tilespmem:$0x1F000] =	vst v63  }
0xbd: {  	_ =	swait.ge [sflag:s25], $0x4000  }
0xbe: {  	[sflag:s25] =	ssyncset.done $0x0  }
0xbf: {  	s26 =	simm.s32 $0x1880;
	[sflag:s25] =	ssyncadd.s32 $0xFFFFC000  }
0xc0: {  	[spmem:s3] =	stream.indirect.scatter.add.f32 [tilespmem:s22], [sflag:$0x3], $0x80, s26, s20, $0xb8;
	[tilespmem:$0x1F000] =	vst v63  }
0xc1: {  	_ =	swait.ge [sflag:s18], $0x4000  }
0xc2: {  	s0 =	simm.s32 $0x100;
	s1 =	simm.s32 $0x800;
	[sflag:s18] =	ssyncset.done $0x0  }
.LBB2_3:
0xc3: {  	s24 =	sadd.s32 $0x80, s0  }
0xc4: {  	[sflag:s18] =	ssyncadd.s32 $0xFFFFC000;
	s26 =	smov.u32 s1;
	s7 =	sadd.s32 $0x400, s1  }
0xc5: {  	[tilespmem:s22], [sflag:$0x2] =	stream.indirect.gather [hbm4b:s2+s20], $0x80, s24, s20, $0xb8;
	[tilespmem:$0x1F000] =	vst v63  }
0xc6: {  	p1 =	sne.s32 s1, $0x5800;
	_ =	swait.ge [sflag:s23], $0x4000  }
0xc7: {  	[sflag:s23] =	ssyncset.done $0x0  }
0xc8: {  	s1 =	sadd.s32 $0x1800, s0;
	[sflag:s23] =	ssyncadd.s32 $0xFFFFC000  }
0xc9: {  	[spmem:s3] =	stream.indirect.scatter.add.f32 [tilespmem:s21], [sflag:$0x3], $0x80, s1, s20, $0xb8;
	[tilespmem:$0x1F000] =	vst v63  }
0xca: {  	_ =	swait.ge [sflag:s18], $0x4000  }
0xcb: {  	[sflag:s18] =	ssyncset.done $0x0  }
0xcc: {  	s1 =	sadd.s32 $0x100, s0;
	[sflag:s18] =	ssyncadd.s32 $0xFFFFC000  }
0xcd: {  	[tilespmem:s21], [sflag:$0x1] =	stream.indirect.gather [hbm4b:s2+s20], $0x80, s1, s20, $0xb8;
	[tilespmem:$0x1F000] =	vst v63  }
0xce: {  	_ =	swait.ge [sflag:s25], $0x4000  }
.Ltmp3:
0xcf: {  	[sflag:s25] =	ssyncset.done $0x0;
	(pc) =	sbr.rel @p1 .LBB2_3-.Ltmp3, $4  }
0xd0: {  	s0 =	sadd.s32 $0x1880, s0;
	[sflag:s25] =	ssyncadd.s32 $0xFFFFC000  }
0xd1: {  	[spmem:s3] =	stream.indirect.scatter.add.f32 [tilespmem:s22], [sflag:$0x3], $0x80, s0, s20, $0xb8;
	[tilespmem:$0x1F000] =	vst v63  }
0xd2: {  	_ =	swait.ge [sflag:s18], $0x4000  }
0xd3: {  	s1 =	smov.u32 s7;
	s0 =	sshra.s32 s26, $0x2;
	[sflag:s18] =	ssyncset.done $0x0  }
0xd4: {  	s1 =	sadd.s32 $0x80, s0;
	[sflag:s18] =	ssyncadd.s32 $0xFFFFC000  }
0xd5: {  	[tilespmem:s22], [sflag:$0x2] =	stream.indirect.gather [hbm4b:s2+s20], $0x80, s1, s20, $0xb8;
	[tilespmem:$0x1F000] =	vst v63  }
0xd6: {  	_ =	swait.ge [sflag:s23], $0x4000  }
0xd7: {  	[sflag:s23] =	ssyncset.done $0x0  }
0xd8: {  	s26 =	sadd.s32 $0x1800, s0;
	[sflag:s23] =	ssyncadd.s32 $0xFFFFC000  }
0xd9: {  	[spmem:s3] =	stream.indirect.scatter.add.f32 [tilespmem:s21], [sflag:$0x3], $0x80, s26, s20, $0xb8;
	[tilespmem:$0x1F000] =	vst v63  }
0xda: {  	_ =	swait.ge [sflag:s18], $0x4000  }
0xdb: {  	[sflag:s18] =	ssyncset.done $0x0  }
0xdc: {  	s7 =	sadd.s32 $0x100, s0;
	[sflag:s18] =	ssyncadd.s32 $0xFFFFC000  }
0xdd: {  	[tilespmem:s21], [sflag:$0x1] =	stream.indirect.gather [hbm4b:s2+s20], $0x80, s7, s20, $0xb8;
	[tilespmem:$0x1F000] =	vst v63  }
0xde: {  	_ =	swait.ge [sflag:s25], $0x4000  }
0xdf: {  	[sflag:s25] =	ssyncset.done $0x0  }
0xe0: {  	s24 =	sadd.s32 $0x1880, s0;
	[sflag:s25] =	ssyncadd.s32 $0xFFFFC000  }
0xe1: {  	[spmem:s3] =	stream.indirect.scatter.add.f32 [tilespmem:s22], [sflag:$0x3], $0x80, s24, s20, $0xb8;
	[tilespmem:$0x1F000] =	vst v63  }
0xe2: {  	_ =	swait.ge [sflag:s18], $0x4000  }
0xe3: {  	[sflag:s18] =	ssyncset.done $0x0  }
0xe4: {  	[sflag:s18] =	ssyncadd.s32 $0xFFFFC000  }
0xe5: {  	[tilespmem:s22], [sflag:$0x2] =	stream.indirect.gather [hbm4b:s2+s20], $0x80, s28, s20, $0xb8;
	[tilespmem:$0x1F000] =	vst v63  }
0xe6: {  	_ =	swait.ge [sflag:s23], $0x4000  }
0xe7: {  	[sflag:s23] =	ssyncset.done $0x0  }
0xe8: {  	[sflag:s23] =	ssyncadd.s32 $0xFFFFC000  }
0xe9: {  	[spmem:s3] =	stream.indirect.scatter.add.f32 [tilespmem:s21], [sflag:$0x3], $0x80, s29, s20, $0xb8;
	[tilespmem:$0x1F000] =	vst v63  }
0xea: {  	_ =	swait.ge [sflag:s18], $0x4000  }
0xeb: {  	[sflag:s18] =	ssyncset.done $0x0  }
0xec: {  	[sflag:s18] =	ssyncadd.s32 $0xFFFFC000  }
0xed: {  	_ =	swait.ge [sflag:s25], $0x4000  }
0xee: {  	[sflag:s25] =	ssyncset.done $0x0  }
0xef: {  	[sflag:s25] =	ssyncadd.s32 $0xFFFFC000  }
0xf0: {  	[spmem:s3] =	stream.indirect.scatter.add.f32 [tilespmem:s22], [sflag:$0x3], $0x80, s30, s20, $0xb8;
	[tilespmem:$0x1F000] =	vst v63  }
0xf1: {  	_ =	swait.ge [sflag:s18], $0x4000  }
0xf2: {  	[sflag:s18] =	ssyncset.done $0x0  }
0xf3: {  	s26 =	simm.s32 $0x0;
	[sflag:s18] =	ssyncadd.s32 $0xFFFFC000  }
0xf4: {  	[tilespmem:s26], [sflag:$0x3] =	stream.linear.gather [hbm4b:s9+s26], $0x1800, $0x38;
	[tilespmem:$0x1F000] =	vst v63  }
0xf5: {  	_ =	swait.ge [sflag:s18], $0x1800  }
0xf6: {  	[sflag:s18] =	ssyncset.done $0x0  }
0xf7: {  	[sflag:s18] =	ssyncadd.s32 $0xFFFFE800  }
0xf8: {  	[tilespmem:s19], [sflag:$0x3] =	stream.linear.gather [hbm4b:s10+s26], $0x1800, $0x38;
	[tilespmem:$0x1F000] =	vst v63  }
0xf9: {  	_ =	swait.ge [sflag:s18], $0x1800  }
0xfa: {  	[sflag:s18] =	ssyncset.done $0x0  }
0xfb: {  	[sflag:s18] =	ssyncadd.s32 $0xFFFFE800  }
0xfc: {  	[tilespmem:s21], [sflag:$0x1] =	stream.indirect.gather [hbm4b:s2+s20], $0x80, s26, s20, $0xb8;
	[tilespmem:$0x1F000] =	vst v63  }
0xfd: {  	s1 =	simm.s32 $0x80  }
0xfe: {  	[tilespmem:s22], [sflag:$0x2] =	stream.indirect.gather [hbm4b:s2+s20], $0x80, s1, s20, $0xb8;
	[tilespmem:$0x1F000] =	vst v63  }
0xff: {  	_ =	swait.ge [sflag:s23], $0x4000  }
0x100: {  	[sflag:s23] =	ssyncset.done $0x0  }
0x101: {  	s7 =	simm.s32 $0x1800;
	[sflag:s23] =	ssyncadd.s32 $0xFFFFC000  }
0x102: {  	[spmem:s3] =	stream.indirect.scatter.add.f32 [tilespmem:s21], [sflag:$0x3], $0x80, s7, s20, $0xb8;
	[tilespmem:$0x1F000] =	vst v63  }
0x103: {  	_ =	swait.ge [sflag:s18], $0x4000  }
0x104: {  	[sflag:s18] =	ssyncset.done $0x0  }
0x105: {  	s24 =	simm.s32 $0x100;
	[sflag:s18] =	ssyncadd.s32 $0xFFFFC000  }
0x106: {  	[tilespmem:s21], [sflag:$0x1] =	stream.indirect.gather [hbm4b:s2+s20], $0x80, s24, s20, $0xb8;
	[tilespmem:$0x1F000] =	vst v63  }
0x107: {  	_ =	swait.ge [sflag:s25], $0x4000  }
0x108: {  	[sflag:s25] =	ssyncset.done $0x0  }
0x109: {  	s26 =	simm.s32 $0x1880;
	[sflag:s25] =	ssyncadd.s32 $0xFFFFC000  }
0x10a: {  	[spmem:s3] =	stream.indirect.scatter.add.f32 [tilespmem:s22], [sflag:$0x3], $0x80, s26, s20, $0xb8;
	[tilespmem:$0x1F000] =	vst v63  }
0x10b: {  	_ =	swait.ge [sflag:s18], $0x4000  }
0x10c: {  	s0 =	simm.s32 $0x100;
	s1 =	simm.s32 $0x800;
	[sflag:s18] =	ssyncset.done $0x0  }
.LBB2_5:
0x10d: {  	s7 =	sadd.s32 $0x80, s0  }
0x10e: {  	[sflag:s18] =	ssyncadd.s32 $0xFFFFC000;
	s24 =	smov.u32 s1;
	s26 =	sadd.s32 $0x400, s1  }
0x10f: {  	[tilespmem:s22], [sflag:$0x2] =	stream.indirect.gather [hbm4b:s2+s20], $0x80, s7, s20, $0xb8;
	[tilespmem:$0x1F000] =	vst v63  }
0x110: {  	p1 =	sne.s32 s1, $0x5800;
	_ =	swait.ge [sflag:s23], $0x4000  }
0x111: {  	[sflag:s23] =	ssyncset.done $0x0  }
0x112: {  	s1 =	sadd.s32 $0x1800, s0;
	[sflag:s23] =	ssyncadd.s32 $0xFFFFC000  }
0x113: {  	[spmem:s3] =	stream.indirect.scatter.add.f32 [tilespmem:s21], [sflag:$0x3], $0x80, s1, s20, $0xb8;
	[tilespmem:$0x1F000] =	vst v63  }
0x114: {  	_ =	swait.ge [sflag:s18], $0x4000  }
0x115: {  	[sflag:s18] =	ssyncset.done $0x0  }
0x116: {  	s1 =	sadd.s32 $0x100, s0;
	[sflag:s18] =	ssyncadd.s32 $0xFFFFC000  }
0x117: {  	[tilespmem:s21], [sflag:$0x1] =	stream.indirect.gather [hbm4b:s2+s20], $0x80, s1, s20, $0xb8;
	[tilespmem:$0x1F000] =	vst v63  }
0x118: {  	_ =	swait.ge [sflag:s25], $0x4000  }
.Ltmp4:
0x119: {  	[sflag:s25] =	ssyncset.done $0x0;
	(pc) =	sbr.rel @p1 .LBB2_5-.Ltmp4, $4  }
0x11a: {  	s0 =	sadd.s32 $0x1880, s0;
	[sflag:s25] =	ssyncadd.s32 $0xFFFFC000  }
0x11b: {  	[spmem:s3] =	stream.indirect.scatter.add.f32 [tilespmem:s22], [sflag:$0x3], $0x80, s0, s20, $0xb8;
	[tilespmem:$0x1F000] =	vst v63  }
0x11c: {  	_ =	swait.ge [sflag:s18], $0x4000  }
0x11d: {  	s1 =	smov.u32 s26;
	s0 =	sshra.s32 s24, $0x2;
	[sflag:s18] =	ssyncset.done $0x0  }
0x11e: {  	s1 =	sadd.s32 $0x80, s0;
	[sflag:s18] =	ssyncadd.s32 $0xFFFFC000  }
0x11f: {  	[tilespmem:s22], [sflag:$0x2] =	stream.indirect.gather [hbm4b:s2+s20], $0x80, s1, s20, $0xb8;
	[tilespmem:$0x1F000] =	vst v63  }
0x120: {  	_ =	swait.ge [sflag:s23], $0x4000  }
0x121: {  	[sflag:s23] =	ssyncset.done $0x0  }
0x122: {  	s26 =	sadd.s32 $0x1800, s0;
	[sflag:s23] =	ssyncadd.s32 $0xFFFFC000  }
0x123: {  	[spmem:s3] =	stream.indirect.scatter.add.f32 [tilespmem:s21], [sflag:$0x3], $0x80, s26, s20, $0xb8;
	[tilespmem:$0x1F000] =	vst v63  }
0x124: {  	_ =	swait.ge [sflag:s18], $0x4000  }
0x125: {  	[sflag:s18] =	ssyncset.done $0x0  }
0x126: {  	s7 =	sadd.s32 $0x100, s0;
	[sflag:s18] =	ssyncadd.s32 $0xFFFFC000  }
0x127: {  	[tilespmem:s21], [sflag:$0x1] =	stream.indirect.gather [hbm4b:s2+s20], $0x80, s7, s20, $0xb8;
	[tilespmem:$0x1F000] =	vst v63  }
0x128: {  	_ =	swait.ge [sflag:s25], $0x4000  }
0x129: {  	[sflag:s25] =	ssyncset.done $0x0  }
0x12a: {  	s24 =	sadd.s32 $0x1880, s0;
	[sflag:s25] =	ssyncadd.s32 $0xFFFFC000  }
0x12b: {  	[spmem:s3] =	stream.indirect.scatter.add.f32 [tilespmem:s22], [sflag:$0x3], $0x80, s24, s20, $0xb8;
	[tilespmem:$0x1F000] =	vst v63  }
0x12c: {  	_ =	swait.ge [sflag:s18], $0x4000  }
0x12d: {  	[sflag:s18] =	ssyncset.done $0x0  }
0x12e: {  	[sflag:s18] =	ssyncadd.s32 $0xFFFFC000  }
0x12f: {  	[tilespmem:s22], [sflag:$0x2] =	stream.indirect.gather [hbm4b:s2+s20], $0x80, s28, s20, $0xb8;
	[tilespmem:$0x1F000] =	vst v63  }
0x130: {  	_ =	swait.ge [sflag:s23], $0x4000  }
0x131: {  	[sflag:s23] =	ssyncset.done $0x0  }
0x132: {  	[sflag:s23] =	ssyncadd.s32 $0xFFFFC000  }
0x133: {  	[spmem:s3] =	stream.indirect.scatter.add.f32 [tilespmem:s21], [sflag:$0x3], $0x80, s29, s20, $0xb8;
	[tilespmem:$0x1F000] =	vst v63  }
0x134: {  	_ =	swait.ge [sflag:s18], $0x4000  }
0x135: {  	[sflag:s18] =	ssyncset.done $0x0  }
0x136: {  	[sflag:s18] =	ssyncadd.s32 $0xFFFFC000  }
0x137: {  	_ =	swait.ge [sflag:s25], $0x4000  }
0x138: {  	[sflag:s25] =	ssyncset.done $0x0  }
0x139: {  	[sflag:s25] =	ssyncadd.s32 $0xFFFFC000  }
0x13a: {  	[spmem:s3] =	stream.indirect.scatter.add.f32 [tilespmem:s22], [sflag:$0x3], $0x80, s30, s20, $0xb8;
	[tilespmem:$0x1F000] =	vst v63  }
0x13b: {  	_ =	swait.ge [sflag:s18], $0x4000  }
0x13c: {  	[sflag:s18] =	ssyncset.done $0x0  }
0x13d: {  	s26 =	simm.s32 $0x0;
	[sflag:s18] =	ssyncadd.s32 $0xFFFFC000  }
0x13e: {  	[tilespmem:s26], [sflag:$0x3] =	stream.linear.gather [hbm4b:s11+s26], $0x1800, $0x38;
	[tilespmem:$0x1F000] =	vst v63  }
0x13f: {  	_ =	swait.ge [sflag:s18], $0x1800  }
0x140: {  	[sflag:s18] =	ssyncset.done $0x0  }
0x141: {  	p2 =	por $0x0, $0x0;
	[sflag:s18] =	ssyncadd.s32 $0xFFFFE800  }
0x142: {  	[tilespmem:s19], [sflag:$0x3] =	stream.linear.gather [hbm4b:s12+s26], $0x1800, $0x38;
	[tilespmem:$0x1F000] =	vst v63  }
.Ltmp5:
0x143: {  	_ = 	snop;
	(pc) =	sbr.rel @p2 .LBB2_9-.Ltmp5, $4  }
0x144: {  	_ =	swait.ge [sflag:s18], $0x1800  }
0x145: {  	[sflag:s18] =	ssyncset.done $0x0  }
0x146: {  	s0 =	simm.s32 $0x0;
	p1 =	por $0x0, $0x0;
	[sflag:s18] =	ssyncadd.s32 $0xFFFFE800  }
0x147: {  	[tilespmem:s21], [sflag:$0x1] =	stream.indirect.gather [hbm4b:s2+s20], $0x80, s26, s20, $0xb8;
	[tilespmem:$0x1F000] =	vst v63  }
0x148: {  	s0 =	simm.s32 $0x80  }
0x149: {  	[tilespmem:s22], [sflag:$0x2] =	stream.indirect.gather [hbm4b:s2+s20], $0x80, s0, s20, $0xb8;
	[tilespmem:$0x1F000] =	vst v63  }
0x14a: {  	_ =	swait.ge [sflag:s23], $0x4000  }
0x14b: {  	[sflag:s23] =	ssyncset.done $0x0  }
0x14c: {  	s7 =	simm.s32 $0x1800;
	[sflag:s23] =	ssyncadd.s32 $0xFFFFC000  }
0x14d: {  	[spmem:s3] =	stream.indirect.scatter.add.f32 [tilespmem:s21], [sflag:$0x3], $0x80, s7, s20, $0xb8;
	[tilespmem:$0x1F000] =	vst v63  }
0x14e: {  	_ =	swait.ge [sflag:s18], $0x4000  }
0x14f: {  	[sflag:s18] =	ssyncset.done $0x0  }
0x150: {  	s24 =	simm.s32 $0x100;
	[sflag:s18] =	ssyncadd.s32 $0xFFFFC000  }
0x151: {  	[tilespmem:s21], [sflag:$0x1] =	stream.indirect.gather [hbm4b:s2+s20], $0x80, s24, s20, $0xb8;
	[tilespmem:$0x1F000] =	vst v63  }
0x152: {  	p2 =	por $0x0, $0x0;
	_ =	swait.ge [sflag:s25], $0x4000  }
.Ltmp6:
0x153: {  	[sflag:s25] =	ssyncset.done $0x0;
	(pc) =	sbr.rel @p2 .LBB2_9-.Ltmp6, $4  }
0x154: {  	s26 =	simm.s32 $0x1880;
	[sflag:s25] =	ssyncadd.s32 $0xFFFFC000  }
0x155: {  	[spmem:s3] =	stream.indirect.scatter.add.f32 [tilespmem:s22], [sflag:$0x3], $0x80, s26, s20, $0xb8;
	[tilespmem:$0x1F000] =	vst v63  }
0x156: {  	s1 =	simm.s32 $0x800;
	_ =	swait.ge [sflag:s18], $0x4000  }
0x157: {  	p1 =	por $0x1, $0x1;
	s0 =	simm.s32 $0x100;
	[sflag:s18] =	ssyncset.done $0x0  }
.LBB2_8:
0x158: {  	s7 =	sadd.s32 $0x80, s0  }
0x159: {  	[sflag:s18] =	ssyncadd.s32 $0xFFFFC000;
	s24 =	smov.u32 s1;
	s26 =	sadd.s32 $0x400, s1  }
0x15a: {  	[tilespmem:s22], [sflag:$0x2] =	stream.indirect.gather [hbm4b:s2+s20], $0x80, s7, s20, $0xb8;
	[tilespmem:$0x1F000] =	vst v63  }
0x15b: {  	p2 =	seq.s32 s1, $0x5800;
	_ =	swait.ge [sflag:s23], $0x4000  }
0x15c: {  	[sflag:s23] =	ssyncset.done $0x0  }
0x15d: {  	s1 =	sadd.s32 $0x1800, s0;
	[sflag:s23] =	ssyncadd.s32 $0xFFFFC000  }
0x15e: {  	[spmem:s3] =	stream.indirect.scatter.add.f32 [tilespmem:s21], [sflag:$0x3], $0x80, s1, s20, $0xb8;
	[tilespmem:$0x1F000] =	vst v63  }
0x15f: {  	_ =	swait.ge [sflag:s18], $0x4000  }
0x160: {  	[sflag:s18] =	ssyncset.done $0x0  }
0x161: {  	s1 =	sadd.s32 $0x100, s0;
	[sflag:s18] =	ssyncadd.s32 $0xFFFFC000  }
0x162: {  	[tilespmem:s21], [sflag:$0x1] =	stream.indirect.gather [hbm4b:s2+s20], $0x80, s1, s20, $0xb8;
	[tilespmem:$0x1F000] =	vst v63  }
0x163: {  	_ =	swait.ge [sflag:s25], $0x4000  }
.Ltmp7:
0x164: {  	[sflag:s25] =	ssyncset.done $0x0;
	(pc) =	sbr.rel @!p2 .LBB2_8-.Ltmp7, $4  }
0x165: {  	s0 =	sadd.s32 $0x1880, s0;
	[sflag:s25] =	ssyncadd.s32 $0xFFFFC000  }
0x166: {  	[spmem:s3] =	stream.indirect.scatter.add.f32 [tilespmem:s22], [sflag:$0x3], $0x80, s0, s20, $0xb8;
	[tilespmem:$0x1F000] =	vst v63  }
0x167: {  	_ =	swait.ge [sflag:s18], $0x4000  }
0x168: {  	s1 =	smov.u32 s26;
	s0 =	sshra.s32 s24, $0x2;
	[sflag:s18] =	ssyncset.done $0x0  }
.LBB2_9:
0x169: {  	s1 =	sadd.s32 $0x80, s0;
	[sflag:s18] =	ssyncadd.s32 @p1 $0xFFFFC000  }
0x16a: {  	[tilespmem:s22], [sflag:$0x2] =	stream.indirect.gather [hbm4b:s2+s20], $0x80, s1, s20, $0xb8;
	[tilespmem:$0x1F000] =	vst v63  }
0x16b: {  	_ =	swait.ge [sflag:s23], $0x4000  }
0x16c: {  	[sflag:s23] =	ssyncset.done $0x0  }
0x16d: {  	s7 =	sadd.s32 $0x1800, s0;
	[sflag:s23] =	ssyncadd.s32 $0xFFFFC000  }
0x16e: {  	[spmem:s3] =	stream.indirect.scatter.add.f32 [tilespmem:s21], [sflag:$0x3], $0x80, s7, s20, $0xb8;
	[tilespmem:$0x1F000] =	vst v63  }
0x16f: {  	_ =	swait.ge [sflag:s18], $0x4000  }
0x170: {  	[sflag:s18] =	ssyncset.done $0x0  }
0x171: {  	s24 =	sadd.s32 $0x100, s0;
	[sflag:s18] =	ssyncadd.s32 $0xFFFFC000  }
0x172: {  	[tilespmem:s21], [sflag:$0x1] =	stream.indirect.gather [hbm4b:s2+s20], $0x80, s24, s20, $0xb8;
	[tilespmem:$0x1F000] =	vst v63  }
0x173: {  	_ =	swait.ge [sflag:s25], $0x4000  }
0x174: {  	[sflag:s25] =	ssyncset.done $0x0  }
.Ltmp8:
0x175: {  	s26 =	sadd.s32 $0x1880, s0;
	[sflag:s25] =	ssyncadd.s32 $0xFFFFC000;
	(pc) =	sbr.rel .LBB2_11-.Ltmp8, $4  }
0x176: {  	[spmem:s3] =	stream.indirect.scatter.add.f32 [tilespmem:s22], [sflag:$0x3], $0x80, s26, s20, $0xb8;
	[tilespmem:$0x1F000] =	vst v63  }
0x177: {  	_ =	swait.ge [sflag:s18], $0x4000  }
0x178: {  	s0 =	simm.s32 $0x2F80;
	[sflag:s18] =	ssyncset.done $0x0  }
0x179: {  	s1 =	simm.s32 $0x2F00;
	s24 =	simm.s32 $0x1780;
	[sflag:s18] =	ssyncadd.s32 $0xFFFFC000  }
.LBB2_12:
0x17a: {  	_ =	sfence.sel $0x180000  }
0x17b: {  	[bflag:$0x0] =	sbarrier.arrive $0xFFFF  }
0x17c: {  	_ =	strace $0x9000004A  }
0x17d: {  	s0 =	stileid.u32;
	[bflag:$0x2] =	sbarrier.arrive $0xFFFF  }
0x17e: {  	p0 =	sne.s32 s0, $0x0;
	s0 =	rddreg [dreg:$0x4]  }
0x17f: {  	s0 =	sadd.s32 @!p0 $0x100000, s0  }
0x180: {  	[sflag:s0] =	ssyncadd.tile.s32 @!p0 $0x1;
	_ =	shalt  }
.Lfunc_end2:
_tile_overlayer_lowered:
.L_overlay_start_2:
0x181: {  	(tag) =	ssettag $0x2  }
0x182: {  	s0 =	rddreg [dreg:$0x0];
	s2 =	stileid.u32  }
0x183: {  	s1 =	rddreg [dreg:$0x1];
	p0 =	sne.s32 s2, $0x0  }
0x184: {  	s3 =	rddreg [dreg:$0x2];
	[bflag:$0x3] =	sbarrier.arrive $0xFFFF;
	s2 =	simm.s32 @!p0 $0x1C03  }
0x185: {  	[timem:s3], [sflag:s2] =	dma.local @!p0 [hbm:s0], s1  }
0x186: {  	s0 =	simm.s32 @!p0 $0x3  }
0x187: {  	_ =	swait.ge @!p0 [sflag:s0], s1  }
0x188: {  	s1 =	ssub.s32 @!p0 $0x0, s1;
	[sflag:s0] =	ssyncset.done @!p0 $0x0  }
0x189: {  	[sflag:s0] =	ssyncadd.s32 @!p0 s1  }
0x18a: {  	[bflag:$0x3] =	sbarrier.arrive $0xFFFF  }
0x18b: {  	_ =	shalt  }

</sc_bundles>
